<compile_context>
chip_gen: v7x
topology: tpu7x:2x2x1
jax: 0.10.2.dev20260603
libtpu: 0.0.44.dev20260713+nightly
codegen_flags: <defaults>
</compile_context>

<pallas_src>
import functools

import jax
import jax.numpy as jnp
from jax import lax
from jax.experimental import pallas as pl
from jax.experimental.pallas import tpu as pltpu
from jax.experimental.pallas import tpu_sc as plsc

B, H, D = 16384, 200, 32
V = 1000000
NC, NS = 2, 16
NW = NC * NS
PER_W = B // NW
RPC = 4
CHUNK = RPC * H
KR = 10
GL = CHUNK // KR
NCH = PER_W // RPC
L = 16


def _sc_gather_sum(x_flat, table):
  mesh = plsc.VectorSubcoreMesh(core_axis_name="c", subcore_axis_name="s")

  @functools.partial(
      pl.kernel,
      out_type=jax.ShapeDtypeStruct((B, D), jnp.float32),
      mesh=mesh,
      scratch_types=[
          pltpu.VMEM((3, CHUNK), jnp.int32),
          pltpu.VMEM((2, CHUNK, D), jnp.bfloat16),
          pltpu.VMEM((PER_W, D), jnp.float32),
          pltpu.SemaphoreType.DMA,
          pltpu.SemaphoreType.DMA,
      ],
      compiler_params=pltpu.CompilerParams(
          use_tc_tiling_on_sc=False, needs_layout_passes=False),
  )
  def k(tab_hbm, x_hbm, out_hbm, idx_v, rows_v, acc_v, isem, gsem):
    cid = lax.axis_index("c")
    sid = lax.axis_index("s")
    wid = cid * NS + sid
    xoff = wid * (NCH * CHUNK)

    pltpu.async_copy(x_hbm.at[pl.ds(xoff, CHUNK)], idx_v.at[0], isem)

    zero = jnp.zeros((L,), jnp.float32)

    def _accum(cj, pslot):
      for q in range(RPC):
        a = (zero, zero)

        def _r(rr, acc):
          a0, a1 = acc
          for u in range(10):
            i = q * H + rr * 10 + u
            lo, hi = plsc.unpack(rows_v[pslot, i, pl.ds(0, D)],
                                 format=plsc.PackFormat.INTERLEAVED)
            a0 = a0 + lo
            a1 = a1 + hi
          return (a0, a1)

        a = lax.fori_loop(0, H // 10, _r, a)
        row = cj * RPC + q
        acc_v[row, pl.ds(0, L)] = a[0]
        acc_v[row, pl.ds(L, L)] = a[1]

    def _chunk(ci, carry):
      islot = lax.rem(ci, 3)
      gslot = lax.rem(ci, 2)
      pslot = lax.rem(ci + 1, 2)
      pltpu.make_async_copy(
          x_hbm.at[pl.ds(xoff, CHUNK)], idx_v.at[islot], isem).wait()

      for j in range(KR):
        pltpu.async_copy(
            tab_hbm.at[idx_v.at[islot, pl.ds(j * GL, GL)]],
            rows_v.at[gslot, pl.ds(j * GL, GL)], gsem)

      @pl.when(ci + 1 < NCH)
      def _():
        pltpu.async_copy(
            x_hbm.at[pl.ds(xoff + (ci + 1) * CHUNK, CHUNK)],
            idx_v.at[lax.rem(ci + 1, 3)], isem)

      @pl.when(ci >= 1)
      def _():
        for j in range(KR):
          pltpu.make_async_copy(
              tab_hbm.at[pl.ds(0, GL)],
              rows_v.at[pslot, pl.ds(j * GL, GL)], gsem).wait()
        _accum(ci - 1, pslot)

      return carry

    lax.fori_loop(0, NCH, _chunk, 0)

    lslot = lax.rem(NCH - 1, 2)
    for j in range(KR):
      pltpu.make_async_copy(
          tab_hbm.at[pl.ds(0, GL)],
          rows_v.at[lslot, pl.ds(j * GL, GL)], gsem).wait()
    _accum(NCH - 1, lslot)

    pltpu.sync_copy(acc_v, out_hbm.at[pl.ds(wid * PER_W, PER_W)])

  return k(table, x_flat)


def _tc_body(s_ref, wt_ref, b_ref, o_ref):
  o_ref[...] = (
      jnp.dot(s_ref[...], wt_ref[...], preferred_element_type=jnp.float32)
      * (1.0 / H)
      + b_ref[...]
  )


def _tc_project(sums, wt, b2):
  blk = 2048
  return pl.pallas_call(
      _tc_body,
      grid=(B // blk,),
      in_specs=[
          pl.BlockSpec((blk, D), lambda i: (i, 0)),
          pl.BlockSpec((D, D), lambda i: (0, 0)),
          pl.BlockSpec((1, D), lambda i: (0, 0)),
      ],
      out_specs=pl.BlockSpec((blk, D), lambda i: (i, 0)),
      out_shape=jax.ShapeDtypeStruct((B, D), jnp.float32),
  )(sums, wt, b2)


def kernel(x, table, W, b):
  x_flat = jnp.minimum(x.astype(jnp.int32), jnp.int32(V - 1)).reshape(B * H)
  sums = _sc_gather_sum(x_flat, table.astype(jnp.bfloat16))
  perm = jnp.arange(D).reshape(L, D // L).T.reshape(D)
  return _tc_project(sums, W.T[perm], b.reshape(1, D))

# --- scband reference (transcript-rebuilt; emitter-appended) ---
"""Pipeline reference for scband-embedding-model-42614665511434 (READ-ONLY COPY).

The authoritative reference and input builder live on the scoring server;
editing this copy changes nothing except your own understanding.
"""

import jax, jax.numpy as jnp
import numpy as np

VOCAB = 1000000
DIM = 32
BATCH = 16384
HIST = 200

def setup_inputs(seed: int = 0) -> dict:
    key = jax.random.key(seed)
    k1, k2, k3, k4 = jax.random.split(key, 4)
    x = jax.random.randint(k1, (BATCH, HIST), 0, VOCAB, dtype=jnp.int64) if jax.config.jax_enable_x64 else jax.random.randint(k1, (BATCH, HIST), 0, VOCAB, dtype=jnp.int32)
    table = jax.random.normal(k2, (VOCAB, DIM), dtype=jnp.float32)
    W = jax.random.normal(k3, (DIM, DIM), dtype=jnp.float32) * (1.0 / np.sqrt(DIM))
    b = jax.random.normal(k4, (DIM,), dtype=jnp.float32) * 0.01
    return {"x": x, "table": table, "W": W, "b": b}

def reference(x, table, W, b):
    # nn.Embedding lookup: gather rows
    e = jnp.take(table, x, axis=0)          # [B, L, D]
    m = jnp.mean(e, axis=1)                  # [B, D]
    # nn.Linear: y = m @ W^T + b
    out = jnp.dot(m, W.T) + b                # [B, D]
    return out

if __name__ == "__main__":
    import jax
    _d = setup_inputs()
    print(jax.jit(kernel)(*tuple(_d.values())))

</pallas_src>

<mosaic_0001>
#map = affine_map<(d0, d1) -> (0, 0)>
#map1 = affine_map<(d0, d1) -> (0)>
module attributes {stable_mosaic.version = 14 : i64} {
  func.func @k(%arg0: i32, %arg1: i32, %arg2: memref<1000000x32xbf16, #tpu.memory_space<hbm>>, %arg3: memref<3276800xi32, #tpu.memory_space<hbm>>, %arg4: memref<16384x32xf32, #tpu.memory_space<hbm>>, %arg5: memref<3x800xi32, #tpu.memory_space<vmem>>, %arg6: memref<2x800x32xbf16, #tpu.memory_space<vmem>>, %arg7: memref<512x32xf32, #tpu.memory_space<vmem>>, %arg8: memref<!tpu.dma_semaphore, #tpu.memory_space<semaphore_mem>>, %arg9: memref<!tpu.dma_semaphore, #tpu.memory_space<semaphore_mem>>) attributes {dimension_semantics = [#tpu.dimension_semantics<core_parallel>, #tpu.dimension_semantics<subcore_parallel>], iteration_bounds = array<i64: 2, 16>, scalar_prefetch = 0 : i64, scratch_operands = 5 : i64, tpu.core_type = #tpu.core_type<sc_vector_subcore>, window_params = [{transform_indices = #map}, {transform_indices = #map1}, {transform_indices = #map}]} {
    %mul3A = arith.constant 16 : i32
    %mul3A_0 = arith.muli %arg0, %mul3A : i32
    %add3A = arith.addi %mul3A_0, %arg1 : i32
    %mul3A_1 = arith.constant 102400 : i32
    %mul3A_2 = arith.muli %add3A, %mul3A_1 : i32
    %dma_start3A = arith.constant 0 : i32
    %dma_start3A_3 = arith.constant 0 : i32
    %dma_start3A_4 = tpu.memref_slice %arg5[%dma_start3A, %dma_start3A_3] : memref<3x800xi32, #tpu.memory_space<vmem>> -> memref<1x800xi32, #tpu.memory_space<vmem>>
    %dma_start3A_5 = tpu.memref_squeeze %dma_start3A_4 : memref<1x800xi32, #tpu.memory_space<vmem>> -> memref<800xi32, #tpu.memory_space<vmem>>
    %dma_start3A_6 = tpu.memref_slice %arg3[%mul3A_2] : memref<3276800xi32, #tpu.memory_space<hbm>> -> memref<800xi32, #tpu.memory_space<hbm>>
    %dma_start3A_7 = arith.constant 0 : i32
    %dma_start3A_8 = tpu.memref_slice %arg5[%dma_start3A, %dma_start3A_7] : memref<3x800xi32, #tpu.memory_space<vmem>> -> memref<1x800xi32, #tpu.memory_space<vmem>>
    %dma_start3A_9 = tpu.memref_squeeze %dma_start3A_8 : memref<1x800xi32, #tpu.memory_space<vmem>> -> memref<800xi32, #tpu.memory_space<vmem>>
    %dma_start3A_10 = tpu.memref_slice %arg3[%mul3A_2] : memref<3276800xi32, #tpu.memory_space<hbm>> -> memref<800xi32, #tpu.memory_space<hbm>>
    tpu.enqueue_dma source(%dma_start3A_10 : memref<800xi32, #tpu.memory_space<hbm>>) target(%dma_start3A_9 : memref<800xi32, #tpu.memory_space<vmem>>) target_semaphore(%arg8 : memref<!tpu.dma_semaphore, #tpu.memory_space<semaphore_mem>>)
    %broadcast_in_dim3A = arith.constant 0.000000e+00 : f32
    %broadcast_in_dim3A_11 = vector.broadcast %broadcast_in_dim3A : f32 to vector<16xf32>
    %scan3A = arith.constant 0 : i32
    %scan3A_12 = arith.constant 0 : i32
    %scan3A_13 = arith.constant 128 : i32
    %scan3A_14 = arith.addi %scan3A_12, %scan3A_13 : i32
    %scan3A_15 = arith.constant 1 : i32
    scf.for %scan3A_215 = %scan3A_12 to %scan3A_14 step %scan3A_15  : i32 {
      %rem3A_216 = arith.constant 3 : i32
      %rem3A_217 = arith.remsi %scan3A_215, %rem3A_216 : i32
      %rem3A_218 = arith.constant 2 : i32
      %rem3A_219 = arith.remsi %scan3A_215, %rem3A_218 : i32
      %add3A_220 = arith.constant 1 : i32
      %add3A_221 = arith.addi %scan3A_215, %add3A_220 : i32
      %rem3A_222 = arith.constant 2 : i32
      %rem3A_223 = arith.remsi %add3A_221, %rem3A_222 : i32
      %dma_wait3A_224 = arith.constant 0 : i32
      %dma_wait3A_225 = tpu.memref_slice %arg5[%rem3A_217, %dma_wait3A_224] : memref<3x800xi32, #tpu.memory_space<vmem>> -> memref<1x800xi32, #tpu.memory_space<vmem>>
      %dma_wait3A_226 = tpu.memref_squeeze %dma_wait3A_225 : memref<1x800xi32, #tpu.memory_space<vmem>> -> memref<800xi32, #tpu.memory_space<vmem>>
      %dma_wait3A_227 = tpu.memref_slice %arg3[%mul3A_2] : memref<3276800xi32, #tpu.memory_space<hbm>> -> memref<800xi32, #tpu.memory_space<hbm>>
      %dma_wait3A_228 = arith.constant 0 : i32
      %dma_wait3A_229 = tpu.memref_slice %arg5[%rem3A_217, %dma_wait3A_228] : memref<3x800xi32, #tpu.memory_space<vmem>> -> memref<1x800xi32, #tpu.memory_space<vmem>>
      %dma_wait3A_230 = tpu.memref_squeeze %dma_wait3A_229 : memref<1x800xi32, #tpu.memory_space<vmem>> -> memref<800xi32, #tpu.memory_space<vmem>>
      %dma_wait3A_231 = tpu.memref_slice %arg3[%mul3A_2] : memref<3276800xi32, #tpu.memory_space<hbm>> -> memref<800xi32, #tpu.memory_space<hbm>>
      tpu.wait_dma2 semaphore(%arg8 : memref<!tpu.dma_semaphore, #tpu.memory_space<semaphore_mem>>) src(%dma_wait3A_231 : memref<800xi32, #tpu.memory_space<hbm>>) dst(%dma_wait3A_230 : memref<800xi32, #tpu.memory_space<vmem>>)
      %dma_start3A_232 = arith.constant 0 : i32
      %dma_start3A_233 = arith.constant 0 : i32
      %dma_start3A_234 = tpu.memref_slice %arg6[%rem3A_219, %dma_start3A_232, %dma_start3A_233] : memref<2x800x32xbf16, #tpu.memory_space<vmem>> -> memref<1x80x32xbf16, #tpu.memory_space<vmem>>
      %dma_start3A_235 = tpu.memref_squeeze %dma_start3A_234 : memref<1x80x32xbf16, #tpu.memory_space<vmem>> -> memref<80x32xbf16, #tpu.memory_space<vmem>>
      %dma_start3A_236 = arith.constant 0 : i32
      %dma_start3A_237 = tpu.memref_slice %arg5[%rem3A_217, %dma_start3A_236] : memref<3x800xi32, #tpu.memory_space<vmem>> -> memref<1x80xi32, #tpu.memory_space<vmem>>
      %dma_start3A_238 = tpu.memref_squeeze %dma_start3A_237 : memref<1x80xi32, #tpu.memory_space<vmem>> -> memref<80xi32, #tpu.memory_space<vmem>>
      %dma_start3A_239 = arith.constant 0 : i32
      %dma_start3A_240 = arith.constant 0 : i32
      %dma_start3A_241 = tpu.memref_slice %arg2[%dma_start3A_239, %dma_start3A_240] : memref<1000000x32xbf16, #tpu.memory_space<hbm>> -> memref<1000000x32xbf16, #tpu.memory_space<hbm>>
      tpu.enqueue_indirect_dma source(%dma_start3A_241 : memref<1000000x32xbf16, #tpu.memory_space<hbm>>) target(%dma_start3A_235 : memref<80x32xbf16, #tpu.memory_space<vmem>>) offsets(%dma_start3A_238 : memref<80xi32, #tpu.memory_space<vmem>>) semaphore(%arg9 : memref<!tpu.dma_semaphore, #tpu.memory_space<semaphore_mem>>)
      %dma_start3A_242 = arith.constant 80 : i32
      %dma_start3A_243 = arith.constant 0 : i32
      %dma_start3A_244 = tpu.memref_slice %arg6[%rem3A_219, %dma_start3A_242, %dma_start3A_243] : memref<2x800x32xbf16, #tpu.memory_space<vmem>> -> memref<1x80x32xbf16, #tpu.memory_space<vmem>>
      %dma_start3A_245 = tpu.memref_squeeze %dma_start3A_244 : memref<1x80x32xbf16, #tpu.memory_space<vmem>> -> memref<80x32xbf16, #tpu.memory_space<vmem>>
      %dma_start3A_246 = arith.constant 80 : i32
      %dma_start3A_247 = tpu.memref_slice %arg5[%rem3A_217, %dma_start3A_246] : memref<3x800xi32, #tpu.memory_space<vmem>> -> memref<1x80xi32, #tpu.memory_space<vmem>>
      %dma_start3A_248 = tpu.memref_squeeze %dma_start3A_247 : memref<1x80xi32, #tpu.memory_space<vmem>> -> memref<80xi32, #tpu.memory_space<vmem>>
      %dma_start3A_249 = arith.constant 0 : i32
      %dma_start3A_250 = arith.constant 0 : i32
      %dma_start3A_251 = tpu.memref_slice %arg2[%dma_start3A_249, %dma_start3A_250] : memref<1000000x32xbf16, #tpu.memory_space<hbm>> -> memref<1000000x32xbf16, #tpu.memory_space<hbm>>
      tpu.enqueue_indirect_dma source(%dma_start3A_251 : memref<1000000x32xbf16, #tpu.memory_space<hbm>>) target(%dma_start3A_245 : memref<80x32xbf16, #tpu.memory_space<vmem>>) offsets(%dma_start3A_248 : memref<80xi32, #tpu.memory_space<vmem>>) semaphore(%arg9 : memref<!tpu.dma_semaphore, #tpu.memory_space<semaphore_mem>>)
      %dma_start3A_252 = arith.constant 160 : i32
      %dma_start3A_253 = arith.constant 0 : i32
      %dma_start3A_254 = tpu.memref_slice %arg6[%rem3A_219, %dma_start3A_252, %dma_start3A_253] : memref<2x800x32xbf16, #tpu.memory_space<vmem>> -> memref<1x80x32xbf16, #tpu.memory_space<vmem>>
      %dma_start3A_255 = tpu.memref_squeeze %dma_start3A_254 : memref<1x80x32xbf16, #tpu.memory_space<vmem>> -> memref<80x32xbf16, #tpu.memory_space<vmem>>
      %dma_start3A_256 = arith.constant 160 : i32
      %dma_start3A_257 = tpu.memref_slice %arg5[%rem3A_217, %dma_start3A_256] : memref<3x800xi32, #tpu.memory_space<vmem>> -> memref<1x80xi32, #tpu.memory_space<vmem>>
      %dma_start3A_258 = tpu.memref_squeeze %dma_start3A_257 : memref<1x80xi32, #tpu.memory_space<vmem>> -> memref<80xi32, #tpu.memory_space<vmem>>
      %dma_start3A_259 = arith.constant 0 : i32
      %dma_start3A_260 = arith.constant 0 : i32
      %dma_start3A_261 = tpu.memref_slice %arg2[%dma_start3A_259, %dma_start3A_260] : memref<1000000x32xbf16, #tpu.memory_space<hbm>> -> memref<1000000x32xbf16, #tpu.memory_space<hbm>>
      tpu.enqueue_indirect_dma source(%dma_start3A_261 : memref<1000000x32xbf16, #tpu.memory_space<hbm>>) target(%dma_start3A_255 : memref<80x32xbf16, #tpu.memory_space<vmem>>) offsets(%dma_start3A_258 : memref<80xi32, #tpu.memory_space<vmem>>) semaphore(%arg9 : memref<!tpu.dma_semaphore, #tpu.memory_space<semaphore_mem>>)
      %dma_start3A_262 = arith.constant 240 : i32
      %dma_start3A_263 = arith.constant 0 : i32
      %dma_start3A_264 = tpu.memref_slice %arg6[%rem3A_219, %dma_start3A_262, %dma_start3A_263] : memref<2x800x32xbf16, #tpu.memory_space<vmem>> -> memref<1x80x32xbf16, #tpu.memory_space<vmem>>
      %dma_start3A_265 = tpu.memref_squeeze %dma_start3A_264 : memref<1x80x32xbf16, #tpu.memory_space<vmem>> -> memref<80x32xbf16, #tpu.memory_space<vmem>>
      %dma_start3A_266 = arith.constant 240 : i32
      %dma_start3A_267 = tpu.memref_slice %arg5[%rem3A_217, %dma_start3A_266] : memref<3x800xi32, #tpu.memory_space<vmem>> -> memref<1x80xi32, #tpu.memory_space<vmem>>
      %dma_start3A_268 = tpu.memref_squeeze %dma_start3A_267 : memref<1x80xi32, #tpu.memory_space<vmem>> -> memref<80xi32, #tpu.memory_space<vmem>>
      %dma_start3A_269 = arith.constant 0 : i32
      %dma_start3A_270 = arith.constant 0 : i32
      %dma_start3A_271 = tpu.memref_slice %arg2[%dma_start3A_269, %dma_start3A_270] : memref<1000000x32xbf16, #tpu.memory_space<hbm>> -> memref<1000000x32xbf16, #tpu.memory_space<hbm>>
      tpu.enqueue_indirect_dma source(%dma_start3A_271 : memref<1000000x32xbf16, #tpu.memory_space<hbm>>) target(%dma_start3A_265 : memref<80x32xbf16, #tpu.memory_space<vmem>>) offsets(%dma_start3A_268 : memref<80xi32, #tpu.memory_space<vmem>>) semaphore(%arg9 : memref<!tpu.dma_semaphore, #tpu.memory_space<semaphore_mem>>)
      %dma_start3A_272 = arith.constant 320 : i32
      %dma_start3A_273 = arith.constant 0 : i32
      %dma_start3A_274 = tpu.memref_slice %arg6[%rem3A_219, %dma_start3A_272, %dma_start3A_273] : memref<2x800x32xbf16, #tpu.memory_space<vmem>> -> memref<1x80x32xbf16, #tpu.memory_space<vmem>>
      %dma_start3A_275 = tpu.memref_squeeze %dma_start3A_274 : memref<1x80x32xbf16, #tpu.memory_space<vmem>> -> memref<80x32xbf16, #tpu.memory_space<vmem>>
      %dma_start3A_276 = arith.constant 320 : i32
      %dma_start3A_277 = tpu.memref_slice %arg5[%rem3A_217, %dma_start3A_276] : memref<3x800xi32, #tpu.memory_space<vmem>> -> memref<1x80xi32, #tpu.memory_space<vmem>>
      %dma_start3A_278 = tpu.memref_squeeze %dma_start3A_277 : memref<1x80xi32, #tpu.memory_space<vmem>> -> memref<80xi32, #tpu.memory_space<vmem>>
      %dma_start3A_279 = arith.constant 0 : i32
      %dma_start3A_280 = arith.constant 0 : i32
      %dma_start3A_281 = tpu.memref_slice %arg2[%dma_start3A_279, %dma_start3A_280] : memref<1000000x32xbf16, #tpu.memory_space<hbm>> -> memref<1000000x32xbf16, #tpu.memory_space<hbm>>
      tpu.enqueue_indirect_dma source(%dma_start3A_281 : memref<1000000x32xbf16, #tpu.memory_space<hbm>>) target(%dma_start3A_275 : memref<80x32xbf16, #tpu.memory_space<vmem>>) offsets(%dma_start3A_278 : memref<80xi32, #tpu.memory_space<vmem>>) semaphore(%arg9 : memref<!tpu.dma_semaphore, #tpu.memory_space<semaphore_mem>>)
      %dma_start3A_282 = arith.constant 400 : i32
      %dma_start3A_283 = arith.constant 0 : i32
      %dma_start3A_284 = tpu.memref_slice %arg6[%rem3A_219, %dma_start3A_282, %dma_start3A_283] : memref<2x800x32xbf16, #tpu.memory_space<vmem>> -> memref<1x80x32xbf16, #tpu.memory_space<vmem>>
      %dma_start3A_285 = tpu.memref_squeeze %dma_start3A_284 : memref<1x80x32xbf16, #tpu.memory_space<vmem>> -> memref<80x32xbf16, #tpu.memory_space<vmem>>
      %dma_start3A_286 = arith.constant 400 : i32
      %dma_start3A_287 = tpu.memref_slice %arg5[%rem3A_217, %dma_start3A_286] : memref<3x800xi32, #tpu.memory_space<vmem>> -> memref<1x80xi32, #tpu.memory_space<vmem>>
      %dma_start3A_288 = tpu.memref_squeeze %dma_start3A_287 : memref<1x80xi32, #tpu.memory_space<vmem>> -> memref<80xi32, #tpu.memory_space<vmem>>
      %dma_start3A_289 = arith.constant 0 : i32
      %dma_start3A_290 = arith.constant 0 : i32
      %dma_start3A_291 = tpu.memref_slice %arg2[%dma_start3A_289, %dma_start3A_290] : memref<1000000x32xbf16, #tpu.memory_space<hbm>> -> memref<1000000x32xbf16, #tpu.memory_space<hbm>>
      tpu.enqueue_indirect_dma source(%dma_start3A_291 : memref<1000000x32xbf16, #tpu.memory_space<hbm>>) target(%dma_start3A_285 : memref<80x32xbf16, #tpu.memory_space<vmem>>) offsets(%dma_start3A_288 : memref<80xi32, #tpu.memory_space<vmem>>) semaphore(%arg9 : memref<!tpu.dma_semaphore, #tpu.memory_space<semaphore_mem>>)
      %dma_start3A_292 = arith.constant 480 : i32
      %dma_start3A_293 = arith.constant 0 : i32
      %dma_start3A_294 = tpu.memref_slice %arg6[%rem3A_219, %dma_start3A_292, %dma_start3A_293] : memref<2x800x32xbf16, #tpu.memory_space<vmem>> -> memref<1x80x32xbf16, #tpu.memory_space<vmem>>
      %dma_start3A_295 = tpu.memref_squeeze %dma_start3A_294 : memref<1x80x32xbf16, #tpu.memory_space<vmem>> -> memref<80x32xbf16, #tpu.memory_space<vmem>>
      %dma_start3A_296 = arith.constant 480 : i32
      %dma_start3A_297 = tpu.memref_slice %arg5[%rem3A_217, %dma_start3A_296] : memref<3x800xi32, #tpu.memory_space<vmem>> -> memref<1x80xi32, #tpu.memory_space<vmem>>
      %dma_start3A_298 = tpu.memref_squeeze %dma_start3A_297 : memref<1x80xi32, #tpu.memory_space<vmem>> -> memref<80xi32, #tpu.memory_space<vmem>>
      %dma_start3A_299 = arith.constant 0 : i32
      %dma_start3A_300 = arith.constant 0 : i32
      %dma_start3A_301 = tpu.memref_slice %arg2[%dma_start3A_299, %dma_start3A_300] : memref<1000000x32xbf16, #tpu.memory_space<hbm>> -> memref<1000000x32xbf16, #tpu.memory_space<hbm>>
      tpu.enqueue_indirect_dma source(%dma_start3A_301 : memref<1000000x32xbf16, #tpu.memory_space<hbm>>) target(%dma_start3A_295 : memref<80x32xbf16, #tpu.memory_space<vmem>>) offsets(%dma_start3A_298 : memref<80xi32, #tpu.memory_space<vmem>>) semaphore(%arg9 : memref<!tpu.dma_semaphore, #tpu.memory_space<semaphore_mem>>)
      %dma_start3A_302 = arith.constant 560 : i32
      %dma_start3A_303 = arith.constant 0 : i32
      %dma_start3A_304 = tpu.memref_slice %arg6[%rem3A_219, %dma_start3A_302, %dma_start3A_303] : memref<2x800x32xbf16, #tpu.memory_space<vmem>> -> memref<1x80x32xbf16, #tpu.memory_space<vmem>>
      %dma_start3A_305 = tpu.memref_squeeze %dma_start3A_304 : memref<1x80x32xbf16, #tpu.memory_space<vmem>> -> memref<80x32xbf16, #tpu.memory_space<vmem>>
      %dma_start3A_306 = arith.constant 560 : i32
      %dma_start3A_307 = tpu.memref_slice %arg5[%rem3A_217, %dma_start3A_306] : memref<3x800xi32, #tpu.memory_space<vmem>> -> memref<1x80xi32, #tpu.memory_space<vmem>>
      %dma_start3A_308 = tpu.memref_squeeze %dma_start3A_307 : memref<1x80xi32, #tpu.memory_space<vmem>> -> memref<80xi32, #tpu.memory_space<vmem>>
      %dma_start3A_309 = arith.constant 0 : i32
      %dma_start3A_310 = arith.constant 0 : i32
      %dma_start3A_311 = tpu.memref_slice %arg2[%dma_start3A_309, %dma_start3A_310] : memref<1000000x32xbf16, #tpu.memory_space<hbm>> -> memref<1000000x32xbf16, #tpu.memory_space<hbm>>
      tpu.enqueue_indirect_dma source(%dma_start3A_311 : memref<1000000x32xbf16, #tpu.memory_space<hbm>>) target(%dma_start3A_305 : memref<80x32xbf16, #tpu.memory_space<vmem>>) offsets(%dma_start3A_308 : memref<80xi32, #tpu.memory_space<vmem>>) semaphore(%arg9 : memref<!tpu.dma_semaphore, #tpu.memory_space<semaphore_mem>>)
      %dma_start3A_312 = arith.constant 640 : i32
      %dma_start3A_313 = arith.constant 0 : i32
      %dma_start3A_314 = tpu.memref_slice %arg6[%rem3A_219, %dma_start3A_312, %dma_start3A_313] : memref<2x800x32xbf16, #tpu.memory_space<vmem>> -> memref<1x80x32xbf16, #tpu.memory_space<vmem>>
      %dma_start3A_315 = tpu.memref_squeeze %dma_start3A_314 : memref<1x80x32xbf16, #tpu.memory_space<vmem>> -> memref<80x32xbf16, #tpu.memory_space<vmem>>
      %dma_start3A_316 = arith.constant 640 : i32
      %dma_start3A_317 = tpu.memref_slice %arg5[%rem3A_217, %dma_start3A_316] : memref<3x800xi32, #tpu.memory_space<vmem>> -> memref<1x80xi32, #tpu.memory_space<vmem>>
      %dma_start3A_318 = tpu.memref_squeeze %dma_start3A_317 : memref<1x80xi32, #tpu.memory_space<vmem>> -> memref<80xi32, #tpu.memory_space<vmem>>
      %dma_start3A_319 = arith.constant 0 : i32
      %dma_start3A_320 = arith.constant 0 : i32
      %dma_start3A_321 = tpu.memref_slice %arg2[%dma_start3A_319, %dma_start3A_320] : memref<1000000x32xbf16, #tpu.memory_space<hbm>> -> memref<1000000x32xbf16, #tpu.memory_space<hbm>>
      tpu.enqueue_indirect_dma source(%dma_start3A_321 : memref<1000000x32xbf16, #tpu.memory_space<hbm>>) target(%dma_start3A_315 : memref<80x32xbf16, #tpu.memory_space<vmem>>) offsets(%dma_start3A_318 : memref<80xi32, #tpu.memory_space<vmem>>) semaphore(%arg9 : memref<!tpu.dma_semaphore, #tpu.memory_space<semaphore_mem>>)
      %dma_start3A_322 = arith.constant 720 : i32
      %dma_start3A_323 = arith.constant 0 : i32
      %dma_start3A_324 = tpu.memref_slice %arg6[%rem3A_219, %dma_start3A_322, %dma_start3A_323] : memref<2x800x32xbf16, #tpu.memory_space<vmem>> -> memref<1x80x32xbf16, #tpu.memory_space<vmem>>
      %dma_start3A_325 = tpu.memref_squeeze %dma_start3A_324 : memref<1x80x32xbf16, #tpu.memory_space<vmem>> -> memref<80x32xbf16, #tpu.memory_space<vmem>>
      %dma_start3A_326 = arith.constant 720 : i32
      %dma_start3A_327 = tpu.memref_slice %arg5[%rem3A_217, %dma_start3A_326] : memref<3x800xi32, #tpu.memory_space<vmem>> -> memref<1x80xi32, #tpu.memory_space<vmem>>
      %dma_start3A_328 = tpu.memref_squeeze %dma_start3A_327 : memref<1x80xi32, #tpu.memory_space<vmem>> -> memref<80xi32, #tpu.memory_space<vmem>>
      %dma_start3A_329 = arith.constant 0 : i32
      %dma_start3A_330 = arith.constant 0 : i32
      %dma_start3A_331 = tpu.memref_slice %arg2[%dma_start3A_329, %dma_start3A_330] : memref<1000000x32xbf16, #tpu.memory_space<hbm>> -> memref<1000000x32xbf16, #tpu.memory_space<hbm>>
      tpu.enqueue_indirect_dma source(%dma_start3A_331 : memref<1000000x32xbf16, #tpu.memory_space<hbm>>) target(%dma_start3A_325 : memref<80x32xbf16, #tpu.memory_space<vmem>>) offsets(%dma_start3A_328 : memref<80xi32, #tpu.memory_space<vmem>>) semaphore(%arg9 : memref<!tpu.dma_semaphore, #tpu.memory_space<semaphore_mem>>)
      %add3A_332 = arith.constant 1 : i32
      %add3A_333 = arith.addi %scan3A_215, %add3A_332 : i32
      %lt3A = arith.constant 128 : i32
      %lt3A_334 = arith.cmpi slt, %add3A_333, %lt3A : i32
      %convert_element_type3A = arith.extui %lt3A_334 : i1 to i32
      %cond3A = arith.constant 0 : i32
      %cond3A_335 = arith.cmpi ne, %convert_element_type3A, %cond3A : i32
      scf.if %cond3A_335 {
        %add3A_340 = arith.constant 1 : i32
        %add3A_341 = arith.addi %scan3A_215, %add3A_340 : i32
        %mul3A_342 = arith.constant 800 : i32
        %mul3A_343 = arith.muli %add3A_341, %mul3A_342 : i32
        %add3A_344 = arith.addi %mul3A_2, %mul3A_343 : i32
        %add3A_345 = arith.constant 1 : i32
        %add3A_346 = arith.addi %scan3A_215, %add3A_345 : i32
        %rem3A_347 = arith.constant 3 : i32
        %rem3A_348 = arith.remsi %add3A_346, %rem3A_347 : i32
        %dma_start3A_349 = arith.constant 0 : i32
        %dma_start3A_350 = tpu.memref_slice %arg5[%rem3A_348, %dma_start3A_349] : memref<3x800xi32, #tpu.memory_space<vmem>> -> memref<1x800xi32, #tpu.memory_space<vmem>>
        %dma_start3A_351 = tpu.memref_squeeze %dma_start3A_350 : memref<1x800xi32, #tpu.memory_space<vmem>> -> memref<800xi32, #tpu.memory_space<vmem>>
        %dma_start3A_352 = tpu.memref_slice %arg3[%add3A_344] : memref<3276800xi32, #tpu.memory_space<hbm>> -> memref<800xi32, #tpu.memory_space<hbm>>
        %dma_start3A_353 = arith.constant 0 : i32
        %dma_start3A_354 = tpu.memref_slice %arg5[%rem3A_348, %dma_start3A_353] : memref<3x800xi32, #tpu.memory_space<vmem>> -> memref<1x800xi32, #tpu.memory_space<vmem>>
        %dma_start3A_355 = tpu.memref_squeeze %dma_start3A_354 : memref<1x800xi32, #tpu.memory_space<vmem>> -> memref<800xi32, #tpu.memory_space<vmem>>
        %dma_start3A_356 = tpu.memref_slice %arg3[%add3A_344] : memref<3276800xi32, #tpu.memory_space<hbm>> -> memref<800xi32, #tpu.memory_space<hbm>>
        tpu.enqueue_dma source(%dma_start3A_356 : memref<800xi32, #tpu.memory_space<hbm>>) target(%dma_start3A_355 : memref<800xi32, #tpu.memory_space<vmem>>) target_semaphore(%arg8 : memref<!tpu.dma_semaphore, #tpu.memory_space<semaphore_mem>>)
      } else {
      }
      %ge3A = arith.constant 1 : i32
      %ge3A_336 = arith.cmpi sge, %scan3A_215, %ge3A : i32
      %convert_element_type3A_337 = arith.extui %ge3A_336 : i1 to i32
      %cond3A_338 = arith.constant 0 : i32
      %cond3A_339 = arith.cmpi ne, %convert_element_type3A_337, %cond3A_338 : i32
      scf.if %cond3A_339 {
        %dma_wait3A_340 = arith.constant 0 : i32
        %dma_wait3A_341 = arith.constant 0 : i32
        %dma_wait3A_342 = tpu.memref_slice %arg6[%rem3A_223, %dma_wait3A_340, %dma_wait3A_341] : memref<2x800x32xbf16, #tpu.memory_space<vmem>> -> memref<1x80x32xbf16, #tpu.memory_space<vmem>>
        %dma_wait3A_343 = tpu.memref_squeeze %dma_wait3A_342 : memref<1x80x32xbf16, #tpu.memory_space<vmem>> -> memref<80x32xbf16, #tpu.memory_space<vmem>>
        %dma_wait3A_344 = arith.constant 0 : i32
        %dma_wait3A_345 = arith.constant 0 : i32
        %dma_wait3A_346 = tpu.memref_slice %arg2[%dma_wait3A_344, %dma_wait3A_345] : memref<1000000x32xbf16, #tpu.memory_space<hbm>> -> memref<80x32xbf16, #tpu.memory_space<hbm>>
        %dma_wait3A_347 = arith.constant 0 : i32
        %dma_wait3A_348 = arith.constant 0 : i32
        %dma_wait3A_349 = tpu.memref_slice %arg6[%rem3A_223, %dma_wait3A_347, %dma_wait3A_348] : memref<2x800x32xbf16, #tpu.memory_space<vmem>> -> memref<1x80x32xbf16, #tpu.memory_space<vmem>>
        %dma_wait3A_350 = tpu.memref_squeeze %dma_wait3A_349 : memref<1x80x32xbf16, #tpu.memory_space<vmem>> -> memref<80x32xbf16, #tpu.memory_space<vmem>>
        %dma_wait3A_351 = arith.constant 0 : i32
        %dma_wait3A_352 = arith.constant 0 : i32
        %dma_wait3A_353 = tpu.memref_slice %arg2[%dma_wait3A_351, %dma_wait3A_352] : memref<1000000x32xbf16, #tpu.memory_space<hbm>> -> memref<80x32xbf16, #tpu.memory_space<hbm>>
        tpu.wait_dma2 semaphore(%arg9 : memref<!tpu.dma_semaphore, #tpu.memory_space<semaphore_mem>>) src(%dma_wait3A_353 : memref<80x32xbf16, #tpu.memory_space<hbm>>) dst(%dma_wait3A_350 : memref<80x32xbf16, #tpu.memory_space<vmem>>)
        %dma_wait3A_354 = arith.constant 80 : i32
        %dma_wait3A_355 = arith.constant 0 : i32
        %dma_wait3A_356 = tpu.memref_slice %arg6[%rem3A_223, %dma_wait3A_354, %dma_wait3A_355] : memref<2x800x32xbf16, #tpu.memory_space<vmem>> -> memref<1x80x32xbf16, #tpu.memory_space<vmem>>
        %dma_wait3A_357 = tpu.memref_squeeze %dma_wait3A_356 : memref<1x80x32xbf16, #tpu.memory_space<vmem>> -> memref<80x32xbf16, #tpu.memory_space<vmem>>
        %dma_wait3A_358 = arith.constant 0 : i32
        %dma_wait3A_359 = arith.constant 0 : i32
        %dma_wait3A_360 = tpu.memref_slice %arg2[%dma_wait3A_358, %dma_wait3A_359] : memref<1000000x32xbf16, #tpu.memory_space<hbm>> -> memref<80x32xbf16, #tpu.memory_space<hbm>>
        %dma_wait3A_361 = arith.constant 80 : i32
        %dma_wait3A_362 = arith.constant 0 : i32
        %dma_wait3A_363 = tpu.memref_slice %arg6[%rem3A_223, %dma_wait3A_361, %dma_wait3A_362] : memref<2x800x32xbf16, #tpu.memory_space<vmem>> -> memref<1x80x32xbf16, #tpu.memory_space<vmem>>
        %dma_wait3A_364 = tpu.memref_squeeze %dma_wait3A_363 : memref<1x80x32xbf16, #tpu.memory_space<vmem>> -> memref<80x32xbf16, #tpu.memory_space<vmem>>
        %dma_wait3A_365 = arith.constant 0 : i32
        %dma_wait3A_366 = arith.constant 0 : i32
        %dma_wait3A_367 = tpu.memref_slice %arg2[%dma_wait3A_365, %dma_wait3A_366] : memref<1000000x32xbf16, #tpu.memory_space<hbm>> -> memref<80x32xbf16, #tpu.memory_space<hbm>>
        tpu.wait_dma2 semaphore(%arg9 : memref<!tpu.dma_semaphore, #tpu.memory_space<semaphore_mem>>) src(%dma_wait3A_367 : memref<80x32xbf16, #tpu.memory_space<hbm>>) dst(%dma_wait3A_364 : memref<80x32xbf16, #tpu.memory_space<vmem>>)
        %dma_wait3A_368 = arith.constant 160 : i32
        %dma_wait3A_369 = arith.constant 0 : i32
        %dma_wait3A_370 = tpu.memref_slice %arg6[%rem3A_223, %dma_wait3A_368, %dma_wait3A_369] : memref<2x800x32xbf16, #tpu.memory_space<vmem>> -> memref<1x80x32xbf16, #tpu.memory_space<vmem>>
        %dma_wait3A_371 = tpu.memref_squeeze %dma_wait3A_370 : memref<1x80x32xbf16, #tpu.memory_space<vmem>> -> memref<80x32xbf16, #tpu.memory_space<vmem>>
        %dma_wait3A_372 = arith.constant 0 : i32
        %dma_wait3A_373 = arith.constant 0 : i32
        %dma_wait3A_374 = tpu.memref_slice %arg2[%dma_wait3A_372, %dma_wait3A_373] : memref<1000000x32xbf16, #tpu.memory_space<hbm>> -> memref<80x32xbf16, #tpu.memory_space<hbm>>
        %dma_wait3A_375 = arith.constant 160 : i32
        %dma_wait3A_376 = arith.constant 0 : i32
        %dma_wait3A_377 = tpu.memref_slice %arg6[%rem3A_223, %dma_wait3A_375, %dma_wait3A_376] : memref<2x800x32xbf16, #tpu.memory_space<vmem>> -> memref<1x80x32xbf16, #tpu.memory_space<vmem>>
        %dma_wait3A_378 = tpu.memref_squeeze %dma_wait3A_377 : memref<1x80x32xbf16, #tpu.memory_space<vmem>> -> memref<80x32xbf16, #tpu.memory_space<vmem>>
        %dma_wait3A_379 = arith.constant 0 : i32
        %dma_wait3A_380 = arith.constant 0 : i32
        %dma_wait3A_381 = tpu.memref_slice %arg2[%dma_wait3A_379, %dma_wait3A_380] : memref<1000000x32xbf16, #tpu.memory_space<hbm>> -> memref<80x32xbf16, #tpu.memory_space<hbm>>
        tpu.wait_dma2 semaphore(%arg9 : memref<!tpu.dma_semaphore, #tpu.memory_space<semaphore_mem>>) src(%dma_wait3A_381 : memref<80x32xbf16, #tpu.memory_space<hbm>>) dst(%dma_wait3A_378 : memref<80x32xbf16, #tpu.memory_space<vmem>>)
        %dma_wait3A_382 = arith.constant 240 : i32
        %dma_wait3A_383 = arith.constant 0 : i32
        %dma_wait3A_384 = tpu.memref_slice %arg6[%rem3A_223, %dma_wait3A_382, %dma_wait3A_383] : memref<2x800x32xbf16, #tpu.memory_space<vmem>> -> memref<1x80x32xbf16, #tpu.memory_space<vmem>>
        %dma_wait3A_385 = tpu.memref_squeeze %dma_wait3A_384 : memref<1x80x32xbf16, #tpu.memory_space<vmem>> -> memref<80x32xbf16, #tpu.memory_space<vmem>>
        %dma_wait3A_386 = arith.constant 0 : i32
        %dma_wait3A_387 = arith.constant 0 : i32
        %dma_wait3A_388 = tpu.memref_slice %arg2[%dma_wait3A_386, %dma_wait3A_387] : memref<1000000x32xbf16, #tpu.memory_space<hbm>> -> memref<80x32xbf16, #tpu.memory_space<hbm>>
        %dma_wait3A_389 = arith.constant 240 : i32
        %dma_wait3A_390 = arith.constant 0 : i32
        %dma_wait3A_391 = tpu.memref_slice %arg6[%rem3A_223, %dma_wait3A_389, %dma_wait3A_390] : memref<2x800x32xbf16, #tpu.memory_space<vmem>> -> memref<1x80x32xbf16, #tpu.memory_space<vmem>>
        %dma_wait3A_392 = tpu.memref_squeeze %dma_wait3A_391 : memref<1x80x32xbf16, #tpu.memory_space<vmem>> -> memref<80x32xbf16, #tpu.memory_space<vmem>>
        %dma_wait3A_393 = arith.constant 0 : i32
        %dma_wait3A_394 = arith.constant 0 : i32
        %dma_wait3A_395 = tpu.memref_slice %arg2[%dma_wait3A_393, %dma_wait3A_394] : memref<1000000x32xbf16, #tpu.memory_space<hbm>> -> memref<80x32xbf16, #tpu.memory_space<hbm>>
        tpu.wait_dma2 semaphore(%arg9 : memref<!tpu.dma_semaphore, #tpu.memory_space<semaphore_mem>>) src(%dma_wait3A_395 : memref<80x32xbf16, #tpu.memory_space<hbm>>) dst(%dma_wait3A_392 : memref<80x32xbf16, #tpu.memory_space<vmem>>)
        %dma_wait3A_396 = arith.constant 320 : i32
        %dma_wait3A_397 = arith.constant 0 : i32
        %dma_wait3A_398 = tpu.memref_slice %arg6[%rem3A_223, %dma_wait3A_396, %dma_wait3A_397] : memref<2x800x32xbf16, #tpu.memory_space<vmem>> -> memref<1x80x32xbf16, #tpu.memory_space<vmem>>
        %dma_wait3A_399 = tpu.memref_squeeze %dma_wait3A_398 : memref<1x80x32xbf16, #tpu.memory_space<vmem>> -> memref<80x32xbf16, #tpu.memory_space<vmem>>
        %dma_wait3A_400 = arith.constant 0 : i32
        %dma_wait3A_401 = arith.constant 0 : i32
        %dma_wait3A_402 = tpu.memref_slice %arg2[%dma_wait3A_400, %dma_wait3A_401] : memref<1000000x32xbf16, #tpu.memory_space<hbm>> -> memref<80x32xbf16, #tpu.memory_space<hbm>>
        %dma_wait3A_403 = arith.constant 320 : i32
        %dma_wait3A_404 = arith.constant 0 : i32
        %dma_wait3A_405 = tpu.memref_slice %arg6[%rem3A_223, %dma_wait3A_403, %dma_wait3A_404] : memref<2x800x32xbf16, #tpu.memory_space<vmem>> -> memref<1x80x32xbf16, #tpu.memory_space<vmem>>
        %dma_wait3A_406 = tpu.memref_squeeze %dma_wait3A_405 : memref<1x80x32xbf16, #tpu.memory_space<vmem>> -> memref<80x32xbf16, #tpu.memory_space<vmem>>
        %dma_wait3A_407 = arith.constant 0 : i32
        %dma_wait3A_408 = arith.constant 0 : i32
        %dma_wait3A_409 = tpu.memref_slice %arg2[%dma_wait3A_407, %dma_wait3A_408] : memref<1000000x32xbf16, #tpu.memory_space<hbm>> -> memref<80x32xbf16, #tpu.memory_space<hbm>>
        tpu.wait_dma2 semaphore(%arg9 : memref<!tpu.dma_semaphore, #tpu.memory_space<semaphore_mem>>) src(%dma_wait3A_409 : memref<80x32xbf16, #tpu.memory_space<hbm>>) dst(%dma_wait3A_406 : memref<80x32xbf16, #tpu.memory_space<vmem>>)
        %dma_wait3A_410 = arith.constant 400 : i32
        %dma_wait3A_411 = arith.constant 0 : i32
        %dma_wait3A_412 = tpu.memref_slice %arg6[%rem3A_223, %dma_wait3A_410, %dma_wait3A_411] : memref<2x800x32xbf16, #tpu.memory_space<vmem>> -> memref<1x80x32xbf16, #tpu.memory_space<vmem>>
        %dma_wait3A_413 = tpu.memref_squeeze %dma_wait3A_412 : memref<1x80x32xbf16, #tpu.memory_space<vmem>> -> memref<80x32xbf16, #tpu.memory_space<vmem>>
        %dma_wait3A_414 = arith.constant 0 : i32
        %dma_wait3A_415 = arith.constant 0 : i32
        %dma_wait3A_416 = tpu.memref_slice %arg2[%dma_wait3A_414, %dma_wait3A_415] : memref<1000000x32xbf16, #tpu.memory_space<hbm>> -> memref<80x32xbf16, #tpu.memory_space<hbm>>
        %dma_wait3A_417 = arith.constant 400 : i32
        %dma_wait3A_418 = arith.constant 0 : i32
        %dma_wait3A_419 = tpu.memref_slice %arg6[%rem3A_223, %dma_wait3A_417, %dma_wait3A_418] : memref<2x800x32xbf16, #tpu.memory_space<vmem>> -> memref<1x80x32xbf16, #tpu.memory_space<vmem>>
        %dma_wait3A_420 = tpu.memref_squeeze %dma_wait3A_419 : memref<1x80x32xbf16, #tpu.memory_space<vmem>> -> memref<80x32xbf16, #tpu.memory_space<vmem>>
        %dma_wait3A_421 = arith.constant 0 : i32
        %dma_wait3A_422 = arith.constant 0 : i32
        %dma_wait3A_423 = tpu.memref_slice %arg2[%dma_wait3A_421, %dma_wait3A_422] : memref<1000000x32xbf16, #tpu.memory_space<hbm>> -> memref<80x32xbf16, #tpu.memory_space<hbm>>
        tpu.wait_dma2 semaphore(%arg9 : memref<!tpu.dma_semaphore, #tpu.memory_space<semaphore_mem>>) src(%dma_wait3A_423 : memref<80x32xbf16, #tpu.memory_space<hbm>>) dst(%dma_wait3A_420 : memref<80x32xbf16, #tpu.memory_space<vmem>>)
        %dma_wait3A_424 = arith.constant 480 : i32
        %dma_wait3A_425 = arith.constant 0 : i32
        %dma_wait3A_426 = tpu.memref_slice %arg6[%rem3A_223, %dma_wait3A_424, %dma_wait3A_425] : memref<2x800x32xbf16, #tpu.memory_space<vmem>> -> memref<1x80x32xbf16, #tpu.memory_space<vmem>>
        %dma_wait3A_427 = tpu.memref_squeeze %dma_wait3A_426 : memref<1x80x32xbf16, #tpu.memory_space<vmem>> -> memref<80x32xbf16, #tpu.memory_space<vmem>>
        %dma_wait3A_428 = arith.constant 0 : i32
        %dma_wait3A_429 = arith.constant 0 : i32
        %dma_wait3A_430 = tpu.memref_slice %arg2[%dma_wait3A_428, %dma_wait3A_429] : memref<1000000x32xbf16, #tpu.memory_space<hbm>> -> memref<80x32xbf16, #tpu.memory_space<hbm>>
        %dma_wait3A_431 = arith.constant 480 : i32
        %dma_wait3A_432 = arith.constant 0 : i32
        %dma_wait3A_433 = tpu.memref_slice %arg6[%rem3A_223, %dma_wait3A_431, %dma_wait3A_432] : memref<2x800x32xbf16, #tpu.memory_space<vmem>> -> memref<1x80x32xbf16, #tpu.memory_space<vmem>>
        %dma_wait3A_434 = tpu.memref_squeeze %dma_wait3A_433 : memref<1x80x32xbf16, #tpu.memory_space<vmem>> -> memref<80x32xbf16, #tpu.memory_space<vmem>>
        %dma_wait3A_435 = arith.constant 0 : i32
        %dma_wait3A_436 = arith.constant 0 : i32
        %dma_wait3A_437 = tpu.memref_slice %arg2[%dma_wait3A_435, %dma_wait3A_436] : memref<1000000x32xbf16, #tpu.memory_space<hbm>> -> memref<80x32xbf16, #tpu.memory_space<hbm>>
        tpu.wait_dma2 semaphore(%arg9 : memref<!tpu.dma_semaphore, #tpu.memory_space<semaphore_mem>>) src(%dma_wait3A_437 : memref<80x32xbf16, #tpu.memory_space<hbm>>) dst(%dma_wait3A_434 : memref<80x32xbf16, #tpu.memory_space<vmem>>)
        %dma_wait3A_438 = arith.constant 560 : i32
        %dma_wait3A_439 = arith.constant 0 : i32
        %dma_wait3A_440 = tpu.memref_slice %arg6[%rem3A_223, %dma_wait3A_438, %dma_wait3A_439] : memref<2x800x32xbf16, #tpu.memory_space<vmem>> -> memref<1x80x32xbf16, #tpu.memory_space<vmem>>
        %dma_wait3A_441 = tpu.memref_squeeze %dma_wait3A_440 : memref<1x80x32xbf16, #tpu.memory_space<vmem>> -> memref<80x32xbf16, #tpu.memory_space<vmem>>
        %dma_wait3A_442 = arith.constant 0 : i32
        %dma_wait3A_443 = arith.constant 0 : i32
        %dma_wait3A_444 = tpu.memref_slice %arg2[%dma_wait3A_442, %dma_wait3A_443] : memref<1000000x32xbf16, #tpu.memory_space<hbm>> -> memref<80x32xbf16, #tpu.memory_space<hbm>>
        %dma_wait3A_445 = arith.constant 560 : i32
        %dma_wait3A_446 = arith.constant 0 : i32
        %dma_wait3A_447 = tpu.memref_slice %arg6[%rem3A_223, %dma_wait3A_445, %dma_wait3A_446] : memref<2x800x32xbf16, #tpu.memory_space<vmem>> -> memref<1x80x32xbf16, #tpu.memory_space<vmem>>
        %dma_wait3A_448 = tpu.memref_squeeze %dma_wait3A_447 : memref<1x80x32xbf16, #tpu.memory_space<vmem>> -> memref<80x32xbf16, #tpu.memory_space<vmem>>
        %dma_wait3A_449 = arith.constant 0 : i32
        %dma_wait3A_450 = arith.constant 0 : i32
        %dma_wait3A_451 = tpu.memref_slice %arg2[%dma_wait3A_449, %dma_wait3A_450] : memref<1000000x32xbf16, #tpu.memory_space<hbm>> -> memref<80x32xbf16, #tpu.memory_space<hbm>>
        tpu.wait_dma2 semaphore(%arg9 : memref<!tpu.dma_semaphore, #tpu.memory_space<semaphore_mem>>) src(%dma_wait3A_451 : memref<80x32xbf16, #tpu.memory_space<hbm>>) dst(%dma_wait3A_448 : memref<80x32xbf16, #tpu.memory_space<vmem>>)
        %dma_wait3A_452 = arith.constant 640 : i32
        %dma_wait3A_453 = arith.constant 0 : i32
        %dma_wait3A_454 = tpu.memref_slice %arg6[%rem3A_223, %dma_wait3A_452, %dma_wait3A_453] : memref<2x800x32xbf16, #tpu.memory_space<vmem>> -> memref<1x80x32xbf16, #tpu.memory_space<vmem>>
        %dma_wait3A_455 = tpu.memref_squeeze %dma_wait3A_454 : memref<1x80x32xbf16, #tpu.memory_space<vmem>> -> memref<80x32xbf16, #tpu.memory_space<vmem>>
        %dma_wait3A_456 = arith.constant 0 : i32
        %dma_wait3A_457 = arith.constant 0 : i32
        %dma_wait3A_458 = tpu.memref_slice %arg2[%dma_wait3A_456, %dma_wait3A_457] : memref<1000000x32xbf16, #tpu.memory_space<hbm>> -> memref<80x32xbf16, #tpu.memory_space<hbm>>
        %dma_wait3A_459 = arith.constant 640 : i32
        %dma_wait3A_460 = arith.constant 0 : i32
        %dma_wait3A_461 = tpu.memref_slice %arg6[%rem3A_223, %dma_wait3A_459, %dma_wait3A_460] : memref<2x800x32xbf16, #tpu.memory_space<vmem>> -> memref<1x80x32xbf16, #tpu.memory_space<vmem>>
        %dma_wait3A_462 = tpu.memref_squeeze %dma_wait3A_461 : memref<1x80x32xbf16, #tpu.memory_space<vmem>> -> memref<80x32xbf16, #tpu.memory_space<vmem>>
        %dma_wait3A_463 = arith.constant 0 : i32
        %dma_wait3A_464 = arith.constant 0 : i32
        %dma_wait3A_465 = tpu.memref_slice %arg2[%dma_wait3A_463, %dma_wait3A_464] : memref<1000000x32xbf16, #tpu.memory_space<hbm>> -> memref<80x32xbf16, #tpu.memory_space<hbm>>
        tpu.wait_dma2 semaphore(%arg9 : memref<!tpu.dma_semaphore, #tpu.memory_space<semaphore_mem>>) src(%dma_wait3A_465 : memref<80x32xbf16, #tpu.memory_space<hbm>>) dst(%dma_wait3A_462 : memref<80x32xbf16, #tpu.memory_space<vmem>>)
        %dma_wait3A_466 = arith.constant 720 : i32
        %dma_wait3A_467 = arith.constant 0 : i32
        %dma_wait3A_468 = tpu.memref_slice %arg6[%rem3A_223, %dma_wait3A_466, %dma_wait3A_467] : memref<2x800x32xbf16, #tpu.memory_space<vmem>> -> memref<1x80x32xbf16, #tpu.memory_space<vmem>>
        %dma_wait3A_469 = tpu.memref_squeeze %dma_wait3A_468 : memref<1x80x32xbf16, #tpu.memory_space<vmem>> -> memref<80x32xbf16, #tpu.memory_space<vmem>>
        %dma_wait3A_470 = arith.constant 0 : i32
        %dma_wait3A_471 = arith.constant 0 : i32
        %dma_wait3A_472 = tpu.memref_slice %arg2[%dma_wait3A_470, %dma_wait3A_471] : memref<1000000x32xbf16, #tpu.memory_space<hbm>> -> memref<80x32xbf16, #tpu.memory_space<hbm>>
        %dma_wait3A_473 = arith.constant 720 : i32
        %dma_wait3A_474 = arith.constant 0 : i32
        %dma_wait3A_475 = tpu.memref_slice %arg6[%rem3A_223, %dma_wait3A_473, %dma_wait3A_474] : memref<2x800x32xbf16, #tpu.memory_space<vmem>> -> memref<1x80x32xbf16, #tpu.memory_space<vmem>>
        %dma_wait3A_476 = tpu.memref_squeeze %dma_wait3A_475 : memref<1x80x32xbf16, #tpu.memory_space<vmem>> -> memref<80x32xbf16, #tpu.memory_space<vmem>>
        %dma_wait3A_477 = arith.constant 0 : i32
        %dma_wait3A_478 = arith.constant 0 : i32
        %dma_wait3A_479 = tpu.memref_slice %arg2[%dma_wait3A_477, %dma_wait3A_478] : memref<1000000x32xbf16, #tpu.memory_space<hbm>> -> memref<80x32xbf16, #tpu.memory_space<hbm>>
        tpu.wait_dma2 semaphore(%arg9 : memref<!tpu.dma_semaphore, #tpu.memory_space<semaphore_mem>>) src(%dma_wait3A_479 : memref<80x32xbf16, #tpu.memory_space<hbm>>) dst(%dma_wait3A_476 : memref<80x32xbf16, #tpu.memory_space<vmem>>)
        %sub3A = arith.constant 1 : i32
        %sub3A_480 = arith.subi %scan3A_215, %sub3A : i32
        %scan3A_481 = arith.constant 0 : i32
        %scan3A_482 = arith.constant 20 : i32
        %scan3A_483 = arith.addi %scan3A_481, %scan3A_482 : i32
        %scan3A_484 = arith.constant 1 : i32
        %scan3A_485:2 = scf.for %scan3A_545 = %scan3A_481 to %scan3A_483 step %scan3A_484 iter_args(%scan3A_546 = %broadcast_in_dim3A_11, %scan3A_547 = %broadcast_in_dim3A_11) -> (vector<16xf32>, vector<16xf32>)  : i32 {
          %mul3A_548 = arith.constant 10 : i32
          %mul3A_549 = arith.muli %scan3A_545, %mul3A_548 : i32
          %add3A_550 = arith.constant 0 : i32
          %add3A_551 = arith.addi %add3A_550, %mul3A_549 : i32
          %add3A_552 = arith.constant 0 : i32
          %add3A_553 = arith.addi %add3A_551, %add3A_552 : i32
          %get3A = arith.index_cast %rem3A_223 : i32 to index
          %get3A_554 = arith.index_cast %add3A_553 : i32 to index
          %get3A_555 = arith.constant 0 : index
          %get3A_556 = tpu.vector_load %arg6[%get3A, %get3A_554, %get3A_555] {strides = array<i32>} : memref<2x800x32xbf16, #tpu.memory_space<vmem>>, vector<32xbf16>,
          %unpack3A = tpu.unpack_subelements %get3A_556, 0 {pack_format = #tpu.pack_format<interleaved>} : vector<32xbf16> -> vector<16xf32>
          %unpack3A_557 = tpu.unpack_subelements %get3A_556, 1 {pack_format = #tpu.pack_format<interleaved>} : vector<32xbf16> -> vector<16xf32>
          %add3A_558 = arith.addf %scan3A_546, %unpack3A : vector<16xf32>
          %add3A_559 = arith.addf %scan3A_547, %unpack3A_557 : vector<16xf32>
          %mul3A_560 = arith.constant 10 : i32
          %mul3A_561 = arith.muli %scan3A_545, %mul3A_560 : i32
          %add3A_562 = arith.constant 0 : i32
          %add3A_563 = arith.addi %add3A_562, %mul3A_561 : i32
          %add3A_564 = arith.constant 1 : i32
          %add3A_565 = arith.addi %add3A_563, %add3A_564 : i32
          %get3A_566 = arith.index_cast %rem3A_223 : i32 to index
          %get3A_567 = arith.index_cast %add3A_565 : i32 to index
          %get3A_568 = arith.constant 0 : index
          %get3A_569 = tpu.vector_load %arg6[%get3A_566, %get3A_567, %get3A_568] {strides = array<i32>} : memref<2x800x32xbf16, #tpu.memory_space<vmem>>, vector<32xbf16>,
          %unpack3A_570 = tpu.unpack_subelements %get3A_569, 0 {pack_format = #tpu.pack_format<interleaved>} : vector<32xbf16> -> vector<16xf32>
          %unpack3A_571 = tpu.unpack_subelements %get3A_569, 1 {pack_format = #tpu.pack_format<interleaved>} : vector<32xbf16> -> vector<16xf32>
          %add3A_572 = arith.addf %add3A_558, %unpack3A_570 : vector<16xf32>
          %add3A_573 = arith.addf %add3A_559, %unpack3A_571 : vector<16xf32>
          %mul3A_574 = arith.constant 10 : i32
          %mul3A_575 = arith.muli %scan3A_545, %mul3A_574 : i32
          %add3A_576 = arith.constant 0 : i32
          %add3A_577 = arith.addi %add3A_576, %mul3A_575 : i32
          %add3A_578 = arith.constant 2 : i32
          %add3A_579 = arith.addi %add3A_577, %add3A_578 : i32
          %get3A_580 = arith.index_cast %rem3A_223 : i32 to index
          %get3A_581 = arith.index_cast %add3A_579 : i32 to index
          %get3A_582 = arith.constant 0 : index
          %get3A_583 = tpu.vector_load %arg6[%get3A_580, %get3A_581, %get3A_582] {strides = array<i32>} : memref<2x800x32xbf16, #tpu.memory_space<vmem>>, vector<32xbf16>,
          %unpack3A_584 = tpu.unpack_subelements %get3A_583, 0 {pack_format = #tpu.pack_format<interleaved>} : vector<32xbf16> -> vector<16xf32>
          %unpack3A_585 = tpu.unpack_subelements %get3A_583, 1 {pack_format = #tpu.pack_format<interleaved>} : vector<32xbf16> -> vector<16xf32>
          %add3A_586 = arith.addf %add3A_572, %unpack3A_584 : vector<16xf32>
          %add3A_587 = arith.addf %add3A_573, %unpack3A_585 : vector<16xf32>
          %mul3A_588 = arith.constant 10 : i32
          %mul3A_589 = arith.muli %scan3A_545, %mul3A_588 : i32
          %add3A_590 = arith.constant 0 : i32
          %add3A_591 = arith.addi %add3A_590, %mul3A_589 : i32
          %add3A_592 = arith.constant 3 : i32
          %add3A_593 = arith.addi %add3A_591, %add3A_592 : i32
          %get3A_594 = arith.index_cast %rem3A_223 : i32 to index
          %get3A_595 = arith.index_cast %add3A_593 : i32 to index
          %get3A_596 = arith.constant 0 : index
          %get3A_597 = tpu.vector_load %arg6[%get3A_594, %get3A_595, %get3A_596] {strides = array<i32>} : memref<2x800x32xbf16, #tpu.memory_space<vmem>>, vector<32xbf16>,
          %unpack3A_598 = tpu.unpack_subelements %get3A_597, 0 {pack_format = #tpu.pack_format<interleaved>} : vector<32xbf16> -> vector<16xf32>
          %unpack3A_599 = tpu.unpack_subelements %get3A_597, 1 {pack_format = #tpu.pack_format<interleaved>} : vector<32xbf16> -> vector<16xf32>
          %add3A_600 = arith.addf %add3A_586, %unpack3A_598 : vector<16xf32>
          %add3A_601 = arith.addf %add3A_587, %unpack3A_599 : vector<16xf32>
          %mul3A_602 = arith.constant 10 : i32
          %mul3A_603 = arith.muli %scan3A_545, %mul3A_602 : i32
          %add3A_604 = arith.constant 0 : i32
          %add3A_605 = arith.addi %add3A_604, %mul3A_603 : i32
          %add3A_606 = arith.constant 4 : i32
          %add3A_607 = arith.addi %add3A_605, %add3A_606 : i32
          %get3A_608 = arith.index_cast %rem3A_223 : i32 to index
          %get3A_609 = arith.index_cast %add3A_607 : i32 to index
          %get3A_610 = arith.constant 0 : index
          %get3A_611 = tpu.vector_load %arg6[%get3A_608, %get3A_609, %get3A_610] {strides = array<i32>} : memref<2x800x32xbf16, #tpu.memory_space<vmem>>, vector<32xbf16>,
          %unpack3A_612 = tpu.unpack_subelements %get3A_611, 0 {pack_format = #tpu.pack_format<interleaved>} : vector<32xbf16> -> vector<16xf32>
          %unpack3A_613 = tpu.unpack_subelements %get3A_611, 1 {pack_format = #tpu.pack_format<interleaved>} : vector<32xbf16> -> vector<16xf32>
          %add3A_614 = arith.addf %add3A_600, %unpack3A_612 : vector<16xf32>
          %add3A_615 = arith.addf %add3A_601, %unpack3A_613 : vector<16xf32>
          %mul3A_616 = arith.constant 10 : i32
          %mul3A_617 = arith.muli %scan3A_545, %mul3A_616 : i32
          %add3A_618 = arith.constant 0 : i32
          %add3A_619 = arith.addi %add3A_618, %mul3A_617 : i32
          %add3A_620 = arith.constant 5 : i32
          %add3A_621 = arith.addi %add3A_619, %add3A_620 : i32
          %get3A_622 = arith.index_cast %rem3A_223 : i32 to index
          %get3A_623 = arith.index_cast %add3A_621 : i32 to index
          %get3A_624 = arith.constant 0 : index
          %get3A_625 = tpu.vector_load %arg6[%get3A_622, %get3A_623, %get3A_624] {strides = array<i32>} : memref<2x800x32xbf16, #tpu.memory_space<vmem>>, vector<32xbf16>,
          %unpack3A_626 = tpu.unpack_subelements %get3A_625, 0 {pack_format = #tpu.pack_format<interleaved>} : vector<32xbf16> -> vector<16xf32>
          %unpack3A_627 = tpu.unpack_subelements %get3A_625, 1 {pack_format = #tpu.pack_format<interleaved>} : vector<32xbf16> -> vector<16xf32>
          %add3A_628 = arith.addf %add3A_614, %unpack3A_626 : vector<16xf32>
          %add3A_629 = arith.addf %add3A_615, %unpack3A_627 : vector<16xf32>
          %mul3A_630 = arith.constant 10 : i32
          %mul3A_631 = arith.muli %scan3A_545, %mul3A_630 : i32
          %add3A_632 = arith.constant 0 : i32
          %add3A_633 = arith.addi %add3A_632, %mul3A_631 : i32
          %add3A_634 = arith.constant 6 : i32
          %add3A_635 = arith.addi %add3A_633, %add3A_634 : i32
          %get3A_636 = arith.index_cast %rem3A_223 : i32 to index
          %get3A_637 = arith.index_cast %add3A_635 : i32 to index
          %get3A_638 = arith.constant 0 : index
          %get3A_639 = tpu.vector_load %arg6[%get3A_636, %get3A_637, %get3A_638] {strides = array<i32>} : memref<2x800x32xbf16, #tpu.memory_space<vmem>>, vector<32xbf16>,
          %unpack3A_640 = tpu.unpack_subelements %get3A_639, 0 {pack_format = #tpu.pack_format<interleaved>} : vector<32xbf16> -> vector<16xf32>
          %unpack3A_641 = tpu.unpack_subelements %get3A_639, 1 {pack_format = #tpu.pack_format<interleaved>} : vector<32xbf16> -> vector<16xf32>
          %add3A_642 = arith.addf %add3A_628, %unpack3A_640 : vector<16xf32>
          %add3A_643 = arith.addf %add3A_629, %unpack3A_641 : vector<16xf32>
          %mul3A_644 = arith.constant 10 : i32
          %mul3A_645 = arith.muli %scan3A_545, %mul3A_644 : i32
          %add3A_646 = arith.constant 0 : i32
          %add3A_647 = arith.addi %add3A_646, %mul3A_645 : i32
          %add3A_648 = arith.constant 7 : i32
          %add3A_649 = arith.addi %add3A_647, %add3A_648 : i32
          %get3A_650 = arith.index_cast %rem3A_223 : i32 to index
          %get3A_651 = arith.index_cast %add3A_649 : i32 to index
          %get3A_652 = arith.constant 0 : index
          %get3A_653 = tpu.vector_load %arg6[%get3A_650, %get3A_651, %get3A_652] {strides = array<i32>} : memref<2x800x32xbf16, #tpu.memory_space<vmem>>, vector<32xbf16>,
          %unpack3A_654 = tpu.unpack_subelements %get3A_653, 0 {pack_format = #tpu.pack_format<interleaved>} : vector<32xbf16> -> vector<16xf32>
          %unpack3A_655 = tpu.unpack_subelements %get3A_653, 1 {pack_format = #tpu.pack_format<interleaved>} : vector<32xbf16> -> vector<16xf32>
          %add3A_656 = arith.addf %add3A_642, %unpack3A_654 : vector<16xf32>
          %add3A_657 = arith.addf %add3A_643, %unpack3A_655 : vector<16xf32>
          %mul3A_658 = arith.constant 10 : i32
          %mul3A_659 = arith.muli %scan3A_545, %mul3A_658 : i32
          %add3A_660 = arith.constant 0 : i32
          %add3A_661 = arith.addi %add3A_660, %mul3A_659 : i32
          %add3A_662 = arith.constant 8 : i32
          %add3A_663 = arith.addi %add3A_661, %add3A_662 : i32
          %get3A_664 = arith.index_cast %rem3A_223 : i32 to index
          %get3A_665 = arith.index_cast %add3A_663 : i32 to index
          %get3A_666 = arith.constant 0 : index
          %get3A_667 = tpu.vector_load %arg6[%get3A_664, %get3A_665, %get3A_666] {strides = array<i32>} : memref<2x800x32xbf16, #tpu.memory_space<vmem>>, vector<32xbf16>,
          %unpack3A_668 = tpu.unpack_subelements %get3A_667, 0 {pack_format = #tpu.pack_format<interleaved>} : vector<32xbf16> -> vector<16xf32>
          %unpack3A_669 = tpu.unpack_subelements %get3A_667, 1 {pack_format = #tpu.pack_format<interleaved>} : vector<32xbf16> -> vector<16xf32>
          %add3A_670 = arith.addf %add3A_656, %unpack3A_668 : vector<16xf32>
          %add3A_671 = arith.addf %add3A_657, %unpack3A_669 : vector<16xf32>
          %mul3A_672 = arith.constant 10 : i32
          %mul3A_673 = arith.muli %scan3A_545, %mul3A_672 : i32
          %add3A_674 = arith.constant 0 : i32
          %add3A_675 = arith.addi %add3A_674, %mul3A_673 : i32
          %add3A_676 = arith.constant 9 : i32
          %add3A_677 = arith.addi %add3A_675, %add3A_676 : i32
          %get3A_678 = arith.index_cast %rem3A_223 : i32 to index
          %get3A_679 = arith.index_cast %add3A_677 : i32 to index
          %get3A_680 = arith.constant 0 : index
          %get3A_681 = tpu.vector_load %arg6[%get3A_678, %get3A_679, %get3A_680] {strides = array<i32>} : memref<2x800x32xbf16, #tpu.memory_space<vmem>>, vector<32xbf16>,
          %unpack3A_682 = tpu.unpack_subelements %get3A_681, 0 {pack_format = #tpu.pack_format<interleaved>} : vector<32xbf16> -> vector<16xf32>
          %unpack3A_683 = tpu.unpack_subelements %get3A_681, 1 {pack_format = #tpu.pack_format<interleaved>} : vector<32xbf16> -> vector<16xf32>
          %add3A_684 = arith.addf %add3A_670, %unpack3A_682 : vector<16xf32>
          %add3A_685 = arith.addf %add3A_671, %unpack3A_683 : vector<16xf32>
          scf.yield %add3A_684, %add3A_685 : vector<16xf32>, vector<16xf32>
        }
        %scan3A_486 = arith.constant 20 : i32
        %mul3A_487 = arith.constant 4 : i32
        %mul3A_488 = arith.muli %sub3A_480, %mul3A_487 : i32
        %add3A_489 = arith.constant 0 : i32
        %add3A_490 = arith.addi %mul3A_488, %add3A_489 : i32
        %swap3A_491 = arith.index_cast %add3A_490 : i32 to index
        %swap3A_492 = arith.constant 0 : index
        %swap3A_493 = tpu.vector_load %arg7[%swap3A_491, %swap3A_492] {strides = array<i32>} : memref<512x32xf32, #tpu.memory_space<vmem>>, vector<16xf32>,
        tpu.vector_store %arg7[%swap3A_491, %swap3A_492], %scan3A_485#0 {strides = array<i32>} : memref<512x32xf32, #tpu.memory_space<vmem>>, vector<16xf32>,
        %swap3A_494 = arith.index_cast %add3A_490 : i32 to index
        %swap3A_495 = arith.constant 16 : index
        %swap3A_496 = tpu.vector_load %arg7[%swap3A_494, %swap3A_495] {strides = array<i32>} : memref<512x32xf32, #tpu.memory_space<vmem>>, vector<16xf32>,
        tpu.vector_store %arg7[%swap3A_494, %swap3A_495], %scan3A_485#1 {strides = array<i32>} : memref<512x32xf32, #tpu.memory_space<vmem>>, vector<16xf32>,
        %scan3A_497 = arith.constant 0 : i32
        %scan3A_498 = arith.constant 20 : i32
        %scan3A_499 = arith.addi %scan3A_497, %scan3A_498 : i32
        %scan3A_500 = arith.constant 1 : i32
        %scan3A_501:2 = scf.for %scan3A_545 = %scan3A_497 to %scan3A_499 step %scan3A_500 iter_args(%scan3A_546 = %broadcast_in_dim3A_11, %scan3A_547 = %broadcast_in_dim3A_11) -> (vector<16xf32>, vector<16xf32>)  : i32 {
          %mul3A_548 = arith.constant 10 : i32
          %mul3A_549 = arith.muli %scan3A_545, %mul3A_548 : i32
          %add3A_550 = arith.constant 200 : i32
          %add3A_551 = arith.addi %add3A_550, %mul3A_549 : i32
          %add3A_552 = arith.constant 0 : i32
          %add3A_553 = arith.addi %add3A_551, %add3A_552 : i32
          %get3A = arith.index_cast %rem3A_223 : i32 to index
          %get3A_554 = arith.index_cast %add3A_553 : i32 to index
          %get3A_555 = arith.constant 0 : index
          %get3A_556 = tpu.vector_load %arg6[%get3A, %get3A_554, %get3A_555] {strides = array<i32>} : memref<2x800x32xbf16, #tpu.memory_space<vmem>>, vector<32xbf16>,
          %unpack3A = tpu.unpack_subelements %get3A_556, 0 {pack_format = #tpu.pack_format<interleaved>} : vector<32xbf16> -> vector<16xf32>
          %unpack3A_557 = tpu.unpack_subelements %get3A_556, 1 {pack_format = #tpu.pack_format<interleaved>} : vector<32xbf16> -> vector<16xf32>
          %add3A_558 = arith.addf %scan3A_546, %unpack3A : vector<16xf32>
          %add3A_559 = arith.addf %scan3A_547, %unpack3A_557 : vector<16xf32>
          %mul3A_560 = arith.constant 10 : i32
          %mul3A_561 = arith.muli %scan3A_545, %mul3A_560 : i32
          %add3A_562 = arith.constant 200 : i32
          %add3A_563 = arith.addi %add3A_562, %mul3A_561 : i32
          %add3A_564 = arith.constant 1 : i32
          %add3A_565 = arith.addi %add3A_563, %add3A_564 : i32
          %get3A_566 = arith.index_cast %rem3A_223 : i32 to index
          %get3A_567 = arith.index_cast %add3A_565 : i32 to index
          %get3A_568 = arith.constant 0 : index
          %get3A_569 = tpu.vector_load %arg6[%get3A_566, %get3A_567, %get3A_568] {strides = array<i32>} : memref<2x800x32xbf16, #tpu.memory_space<vmem>>, vector<32xbf16>,
          %unpack3A_570 = tpu.unpack_subelements %get3A_569, 0 {pack_format = #tpu.pack_format<interleaved>} : vector<32xbf16> -> vector<16xf32>
          %unpack3A_571 = tpu.unpack_subelements %get3A_569, 1 {pack_format = #tpu.pack_format<interleaved>} : vector<32xbf16> -> vector<16xf32>
          %add3A_572 = arith.addf %add3A_558, %unpack3A_570 : vector<16xf32>
          %add3A_573 = arith.addf %add3A_559, %unpack3A_571 : vector<16xf32>
          %mul3A_574 = arith.constant 10 : i32
          %mul3A_575 = arith.muli %scan3A_545, %mul3A_574 : i32
          %add3A_576 = arith.constant 200 : i32
          %add3A_577 = arith.addi %add3A_576, %mul3A_575 : i32
          %add3A_578 = arith.constant 2 : i32
          %add3A_579 = arith.addi %add3A_577, %add3A_578 : i32
          %get3A_580 = arith.index_cast %rem3A_223 : i32 to index
          %get3A_581 = arith.index_cast %add3A_579 : i32 to index
          %get3A_582 = arith.constant 0 : index
          %get3A_583 = tpu.vector_load %arg6[%get3A_580, %get3A_581, %get3A_582] {strides = array<i32>} : memref<2x800x32xbf16, #tpu.memory_space<vmem>>, vector<32xbf16>,
          %unpack3A_584 = tpu.unpack_subelements %get3A_583, 0 {pack_format = #tpu.pack_format<interleaved>} : vector<32xbf16> -> vector<16xf32>
          %unpack3A_585 = tpu.unpack_subelements %get3A_583, 1 {pack_format = #tpu.pack_format<interleaved>} : vector<32xbf16> -> vector<16xf32>
          %add3A_586 = arith.addf %add3A_572, %unpack3A_584 : vector<16xf32>
          %add3A_587 = arith.addf %add3A_573, %unpack3A_585 : vector<16xf32>
          %mul3A_588 = arith.constant 10 : i32
          %mul3A_589 = arith.muli %scan3A_545, %mul3A_588 : i32
          %add3A_590 = arith.constant 200 : i32
          %add3A_591 = arith.addi %add3A_590, %mul3A_589 : i32
          %add3A_592 = arith.constant 3 : i32
          %add3A_593 = arith.addi %add3A_591, %add3A_592 : i32
          %get3A_594 = arith.index_cast %rem3A_223 : i32 to index
          %get3A_595 = arith.index_cast %add3A_593 : i32 to index
          %get3A_596 = arith.constant 0 : index
          %get3A_597 = tpu.vector_load %arg6[%get3A_594, %get3A_595, %get3A_596] {strides = array<i32>} : memref<2x800x32xbf16, #tpu.memory_space<vmem>>, vector<32xbf16>,
          %unpack3A_598 = tpu.unpack_subelements %get3A_597, 0 {pack_format = #tpu.pack_format<interleaved>} : vector<32xbf16> -> vector<16xf32>
          %unpack3A_599 = tpu.unpack_subelements %get3A_597, 1 {pack_format = #tpu.pack_format<interleaved>} : vector<32xbf16> -> vector<16xf32>
          %add3A_600 = arith.addf %add3A_586, %unpack3A_598 : vector<16xf32>
          %add3A_601 = arith.addf %add3A_587, %unpack3A_599 : vector<16xf32>
          %mul3A_602 = arith.constant 10 : i32
          %mul3A_603 = arith.muli %scan3A_545, %mul3A_602 : i32
          %add3A_604 = arith.constant 200 : i32
          %add3A_605 = arith.addi %add3A_604, %mul3A_603 : i32
          %add3A_606 = arith.constant 4 : i32
          %add3A_607 = arith.addi %add3A_605, %add3A_606 : i32
          %get3A_608 = arith.index_cast %rem3A_223 : i32 to index
          %get3A_609 = arith.index_cast %add3A_607 : i32 to index
          %get3A_610 = arith.constant 0 : index
          %get3A_611 = tpu.vector_load %arg6[%get3A_608, %get3A_609, %get3A_610] {strides = array<i32>} : memref<2x800x32xbf16, #tpu.memory_space<vmem>>, vector<32xbf16>,
          %unpack3A_612 = tpu.unpack_subelements %get3A_611, 0 {pack_format = #tpu.pack_format<interleaved>} : vector<32xbf16> -> vector<16xf32>
          %unpack3A_613 = tpu.unpack_subelements %get3A_611, 1 {pack_format = #tpu.pack_format<interleaved>} : vector<32xbf16> -> vector<16xf32>
          %add3A_614 = arith.addf %add3A_600, %unpack3A_612 : vector<16xf32>
          %add3A_615 = arith.addf %add3A_601, %unpack3A_613 : vector<16xf32>
          %mul3A_616 = arith.constant 10 : i32
          %mul3A_617 = arith.muli %scan3A_545, %mul3A_616 : i32
          %add3A_618 = arith.constant 200 : i32
          %add3A_619 = arith.addi %add3A_618, %mul3A_617 : i32
          %add3A_620 = arith.constant 5 : i32
          %add3A_621 = arith.addi %add3A_619, %add3A_620 : i32
          %get3A_622 = arith.index_cast %rem3A_223 : i32 to index
          %get3A_623 = arith.index_cast %add3A_621 : i32 to index
          %get3A_624 = arith.constant 0 : index
          %get3A_625 = tpu.vector_load %arg6[%get3A_622, %get3A_623, %get3A_624] {strides = array<i32>} : memref<2x800x32xbf16, #tpu.memory_space<vmem>>, vector<32xbf16>,
          %unpack3A_626 = tpu.unpack_subelements %get3A_625, 0 {pack_format = #tpu.pack_format<interleaved>} : vector<32xbf16> -> vector<16xf32>
          %unpack3A_627 = tpu.unpack_subelements %get3A_625, 1 {pack_format = #tpu.pack_format<interleaved>} : vector<32xbf16> -> vector<16xf32>
          %add3A_628 = arith.addf %add3A_614, %unpack3A_626 : vector<16xf32>
          %add3A_629 = arith.addf %add3A_615, %unpack3A_627 : vector<16xf32>
          %mul3A_630 = arith.constant 10 : i32
          %mul3A_631 = arith.muli %scan3A_545, %mul3A_630 : i32
          %add3A_632 = arith.constant 200 : i32
          %add3A_633 = arith.addi %add3A_632, %mul3A_631 : i32
          %add3A_634 = arith.constant 6 : i32
          %add3A_635 = arith.addi %add3A_633, %add3A_634 : i32
          %get3A_636 = arith.index_cast %rem3A_223 : i32 to index
          %get3A_637 = arith.index_cast %add3A_635 : i32 to index
          %get3A_638 = arith.constant 0 : index
          %get3A_639 = tpu.vector_load %arg6[%get3A_636, %get3A_637, %get3A_638] {strides = array<i32>} : memref<2x800x32xbf16, #tpu.memory_space<vmem>>, vector<32xbf16>,
          %unpack3A_640 = tpu.unpack_subelements %get3A_639, 0 {pack_format = #tpu.pack_format<interleaved>} : vector<32xbf16> -> vector<16xf32>
          %unpack3A_641 = tpu.unpack_subelements %get3A_639, 1 {pack_format = #tpu.pack_format<interleaved>} : vector<32xbf16> -> vector<16xf32>
          %add3A_642 = arith.addf %add3A_628, %unpack3A_640 : vector<16xf32>
          %add3A_643 = arith.addf %add3A_629, %unpack3A_641 : vector<16xf32>
          %mul3A_644 = arith.constant 10 : i32
          %mul3A_645 = arith.muli %scan3A_545, %mul3A_644 : i32
          %add3A_646 = arith.constant 200 : i32
          %add3A_647 = arith.addi %add3A_646, %mul3A_645 : i32
          %add3A_648 = arith.constant 7 : i32
          %add3A_649 = arith.addi %add3A_647, %add3A_648 : i32
          %get3A_650 = arith.index_cast %rem3A_223 : i32 to index
          %get3A_651 = arith.index_cast %add3A_649 : i32 to index
          %get3A_652 = arith.constant 0 : index
          %get3A_653 = tpu.vector_load %arg6[%get3A_650, %get3A_651, %get3A_652] {strides = array<i32>} : memref<2x800x32xbf16, #tpu.memory_space<vmem>>, vector<32xbf16>,
          %unpack3A_654 = tpu.unpack_subelements %get3A_653, 0 {pack_format = #tpu.pack_format<interleaved>} : vector<32xbf16> -> vector<16xf32>
          %unpack3A_655 = tpu.unpack_subelements %get3A_653, 1 {pack_format = #tpu.pack_format<interleaved>} : vector<32xbf16> -> vector<16xf32>
          %add3A_656 = arith.addf %add3A_642, %unpack3A_654 : vector<16xf32>
          %add3A_657 = arith.addf %add3A_643, %unpack3A_655 : vector<16xf32>
          %mul3A_658 = arith.constant 10 : i32
          %mul3A_659 = arith.muli %scan3A_545, %mul3A_658 : i32
          %add3A_660 = arith.constant 200 : i32
          %add3A_661 = arith.addi %add3A_660, %mul3A_659 : i32
          %add3A_662 = arith.constant 8 : i32
          %add3A_663 = arith.addi %add3A_661, %add3A_662 : i32
          %get3A_664 = arith.index_cast %rem3A_223 : i32 to index
          %get3A_665 = arith.index_cast %add3A_663 : i32 to index
          %get3A_666 = arith.constant 0 : index
          %get3A_667 = tpu.vector_load %arg6[%get3A_664, %get3A_665, %get3A_666] {strides = array<i32>} : memref<2x800x32xbf16, #tpu.memory_space<vmem>>, vector<32xbf16>,
          %unpack3A_668 = tpu.unpack_subelements %get3A_667, 0 {pack_format = #tpu.pack_format<interleaved>} : vector<32xbf16> -> vector<16xf32>
          %unpack3A_669 = tpu.unpack_subelements %get3A_667, 1 {pack_format = #tpu.pack_format<interleaved>} : vector<32xbf16> -> vector<16xf32>
          %add3A_670 = arith.addf %add3A_656, %unpack3A_668 : vector<16xf32>
          %add3A_671 = arith.addf %add3A_657, %unpack3A_669 : vector<16xf32>
          %mul3A_672 = arith.constant 10 : i32
          %mul3A_673 = arith.muli %scan3A_545, %mul3A_672 : i32
          %add3A_674 = arith.constant 200 : i32
          %add3A_675 = arith.addi %add3A_674, %mul3A_673 : i32
          %add3A_676 = arith.constant 9 : i32
          %add3A_677 = arith.addi %add3A_675, %add3A_676 : i32
          %get3A_678 = arith.index_cast %rem3A_223 : i32 to index
          %get3A_679 = arith.index_cast %add3A_677 : i32 to index
          %get3A_680 = arith.constant 0 : index
          %get3A_681 = tpu.vector_load %arg6[%get3A_678, %get3A_679, %get3A_680] {strides = array<i32>} : memref<2x800x32xbf16, #tpu.memory_space<vmem>>, vector<32xbf16>,
          %unpack3A_682 = tpu.unpack_subelements %get3A_681, 0 {pack_format = #tpu.pack_format<interleaved>} : vector<32xbf16> -> vector<16xf32>
          %unpack3A_683 = tpu.unpack_subelements %get3A_681, 1 {pack_format = #tpu.pack_format<interleaved>} : vector<32xbf16> -> vector<16xf32>
          %add3A_684 = arith.addf %add3A_670, %unpack3A_682 : vector<16xf32>
          %add3A_685 = arith.addf %add3A_671, %unpack3A_683 : vector<16xf32>
          scf.yield %add3A_684, %add3A_685 : vector<16xf32>, vector<16xf32>
        }
        %scan3A_502 = arith.constant 20 : i32
        %mul3A_503 = arith.constant 4 : i32
        %mul3A_504 = arith.muli %sub3A_480, %mul3A_503 : i32
        %add3A_505 = arith.constant 1 : i32
        %add3A_506 = arith.addi %mul3A_504, %add3A_505 : i32
        %swap3A_507 = arith.index_cast %add3A_506 : i32 to index
        %swap3A_508 = arith.constant 0 : index
        %swap3A_509 = tpu.vector_load %arg7[%swap3A_507, %swap3A_508] {strides = array<i32>} : memref<512x32xf32, #tpu.memory_space<vmem>>, vector<16xf32>,
        tpu.vector_store %arg7[%swap3A_507, %swap3A_508], %scan3A_501#0 {strides = array<i32>} : memref<512x32xf32, #tpu.memory_space<vmem>>, vector<16xf32>,
        %swap3A_510 = arith.index_cast %add3A_506 : i32 to index
        %swap3A_511 = arith.constant 16 : index
        %swap3A_512 = tpu.vector_load %arg7[%swap3A_510, %swap3A_511] {strides = array<i32>} : memref<512x32xf32, #tpu.memory_space<vmem>>, vector<16xf32>,
        tpu.vector_store %arg7[%swap3A_510, %swap3A_511], %scan3A_501#1 {strides = array<i32>} : memref<512x32xf32, #tpu.memory_space<vmem>>, vector<16xf32>,
        %scan3A_513 = arith.constant 0 : i32
        %scan3A_514 = arith.constant 20 : i32
        %scan3A_515 = arith.addi %scan3A_513, %scan3A_514 : i32
        %scan3A_516 = arith.constant 1 : i32
        %scan3A_517:2 = scf.for %scan3A_545 = %scan3A_513 to %scan3A_515 step %scan3A_516 iter_args(%scan3A_546 = %broadcast_in_dim3A_11, %scan3A_547 = %broadcast_in_dim3A_11) -> (vector<16xf32>, vector<16xf32>)  : i32 {
          %mul3A_548 = arith.constant 10 : i32
          %mul3A_549 = arith.muli %scan3A_545, %mul3A_548 : i32
          %add3A_550 = arith.constant 400 : i32
          %add3A_551 = arith.addi %add3A_550, %mul3A_549 : i32
          %add3A_552 = arith.constant 0 : i32
          %add3A_553 = arith.addi %add3A_551, %add3A_552 : i32
          %get3A = arith.index_cast %rem3A_223 : i32 to index
          %get3A_554 = arith.index_cast %add3A_553 : i32 to index
          %get3A_555 = arith.constant 0 : index
          %get3A_556 = tpu.vector_load %arg6[%get3A, %get3A_554, %get3A_555] {strides = array<i32>} : memref<2x800x32xbf16, #tpu.memory_space<vmem>>, vector<32xbf16>,
          %unpack3A = tpu.unpack_subelements %get3A_556, 0 {pack_format = #tpu.pack_format<interleaved>} : vector<32xbf16> -> vector<16xf32>
          %unpack3A_557 = tpu.unpack_subelements %get3A_556, 1 {pack_format = #tpu.pack_format<interleaved>} : vector<32xbf16> -> vector<16xf32>
          %add3A_558 = arith.addf %scan3A_546, %unpack3A : vector<16xf32>
          %add3A_559 = arith.addf %scan3A_547, %unpack3A_557 : vector<16xf32>
          %mul3A_560 = arith.constant 10 : i32
          %mul3A_561 = arith.muli %scan3A_545, %mul3A_560 : i32
          %add3A_562 = arith.constant 400 : i32
          %add3A_563 = arith.addi %add3A_562, %mul3A_561 : i32
          %add3A_564 = arith.constant 1 : i32
          %add3A_565 = arith.addi %add3A_563, %add3A_564 : i32
          %get3A_566 = arith.index_cast %rem3A_223 : i32 to index
          %get3A_567 = arith.index_cast %add3A_565 : i32 to index
          %get3A_568 = arith.constant 0 : index
          %get3A_569 = tpu.vector_load %arg6[%get3A_566, %get3A_567, %get3A_568] {strides = array<i32>} : memref<2x800x32xbf16, #tpu.memory_space<vmem>>, vector<32xbf16>,
          %unpack3A_570 = tpu.unpack_subelements %get3A_569, 0 {pack_format = #tpu.pack_format<interleaved>} : vector<32xbf16> -> vector<16xf32>
          %unpack3A_571 = tpu.unpack_subelements %get3A_569, 1 {pack_format = #tpu.pack_format<interleaved>} : vector<32xbf16> -> vector<16xf32>
          %add3A_572 = arith.addf %add3A_558, %unpack3A_570 : vector<16xf32>
          %add3A_573 = arith.addf %add3A_559, %unpack3A_571 : vector<16xf32>
          %mul3A_574 = arith.constant 10 : i32
          %mul3A_575 = arith.muli %scan3A_545, %mul3A_574 : i32
          %add3A_576 = arith.constant 400 : i32
          %add3A_577 = arith.addi %add3A_576, %mul3A_575 : i32
          %add3A_578 = arith.constant 2 : i32
          %add3A_579 = arith.addi %add3A_577, %add3A_578 : i32
          %get3A_580 = arith.index_cast %rem3A_223 : i32 to index
          %get3A_581 = arith.index_cast %add3A_579 : i32 to index
          %get3A_582 = arith.constant 0 : index
          %get3A_583 = tpu.vector_load %arg6[%get3A_580, %get3A_581, %get3A_582] {strides = array<i32>} : memref<2x800x32xbf16, #tpu.memory_space<vmem>>, vector<32xbf16>,
          %unpack3A_584 = tpu.unpack_subelements %get3A_583, 0 {pack_format = #tpu.pack_format<interleaved>} : vector<32xbf16> -> vector<16xf32>
          %unpack3A_585 = tpu.unpack_subelements %get3A_583, 1 {pack_format = #tpu.pack_format<interleaved>} : vector<32xbf16> -> vector<16xf32>
          %add3A_586 = arith.addf %add3A_572, %unpack3A_584 : vector<16xf32>
          %add3A_587 = arith.addf %add3A_573, %unpack3A_585 : vector<16xf32>
          %mul3A_588 = arith.constant 10 : i32
          %mul3A_589 = arith.muli %scan3A_545, %mul3A_588 : i32
          %add3A_590 = arith.constant 400 : i32
          %add3A_591 = arith.addi %add3A_590, %mul3A_589 : i32
          %add3A_592 = arith.constant 3 : i32
          %add3A_593 = arith.addi %add3A_591, %add3A_592 : i32
          %get3A_594 = arith.index_cast %rem3A_223 : i32 to index
          %get3A_595 = arith.index_cast %add3A_593 : i32 to index
          %get3A_596 = arith.constant 0 : index
          %get3A_597 = tpu.vector_load %arg6[%get3A_594, %get3A_595, %get3A_596] {strides = array<i32>} : memref<2x800x32xbf16, #tpu.memory_space<vmem>>, vector<32xbf16>,
          %unpack3A_598 = tpu.unpack_subelements %get3A_597, 0 {pack_format = #tpu.pack_format<interleaved>} : vector<32xbf16> -> vector<16xf32>
          %unpack3A_599 = tpu.unpack_subelements %get3A_597, 1 {pack_format = #tpu.pack_format<interleaved>} : vector<32xbf16> -> vector<16xf32>
          %add3A_600 = arith.addf %add3A_586, %unpack3A_598 : vector<16xf32>
          %add3A_601 = arith.addf %add3A_587, %unpack3A_599 : vector<16xf32>
          %mul3A_602 = arith.constant 10 : i32
          %mul3A_603 = arith.muli %scan3A_545, %mul3A_602 : i32
          %add3A_604 = arith.constant 400 : i32
          %add3A_605 = arith.addi %add3A_604, %mul3A_603 : i32
          %add3A_606 = arith.constant 4 : i32
          %add3A_607 = arith.addi %add3A_605, %add3A_606 : i32
          %get3A_608 = arith.index_cast %rem3A_223 : i32 to index
          %get3A_609 = arith.index_cast %add3A_607 : i32 to index
          %get3A_610 = arith.constant 0 : index
          %get3A_611 = tpu.vector_load %arg6[%get3A_608, %get3A_609, %get3A_610] {strides = array<i32>} : memref<2x800x32xbf16, #tpu.memory_space<vmem>>, vector<32xbf16>,
          %unpack3A_612 = tpu.unpack_subelements %get3A_611, 0 {pack_format = #tpu.pack_format<interleaved>} : vector<32xbf16> -> vector<16xf32>
          %unpack3A_613 = tpu.unpack_subelements %get3A_611, 1 {pack_format = #tpu.pack_format<interleaved>} : vector<32xbf16> -> vector<16xf32>
          %add3A_614 = arith.addf %add3A_600, %unpack3A_612 : vector<16xf32>
          %add3A_615 = arith.addf %add3A_601, %unpack3A_613 : vector<16xf32>
          %mul3A_616 = arith.constant 10 : i32
          %mul3A_617 = arith.muli %scan3A_545, %mul3A_616 : i32
          %add3A_618 = arith.constant 400 : i32
          %add3A_619 = arith.addi %add3A_618, %mul3A_617 : i32
          %add3A_620 = arith.constant 5 : i32
          %add3A_621 = arith.addi %add3A_619, %add3A_620 : i32
          %get3A_622 = arith.index_cast %rem3A_223 : i32 to index
          %get3A_623 = arith.index_cast %add3A_621 : i32 to index
          %get3A_624 = arith.constant 0 : index
          %get3A_625 = tpu.vector_load %arg6[%get3A_622, %get3A_623, %get3A_624] {strides = array<i32>} : memref<2x800x32xbf16, #tpu.memory_space<vmem>>, vector<32xbf16>,
          %unpack3A_626 = tpu.unpack_subelements %get3A_625, 0 {pack_format = #tpu.pack_format<interleaved>} : vector<32xbf16> -> vector<16xf32>
          %unpack3A_627 = tpu.unpack_subelements %get3A_625, 1 {pack_format = #tpu.pack_format<interleaved>} : vector<32xbf16> -> vector<16xf32>
          %add3A_628 = arith.addf %add3A_614, %unpack3A_626 : vector<16xf32>
          %add3A_629 = arith.addf %add3A_615, %unpack3A_627 : vector<16xf32>
          %mul3A_630 = arith.constant 10 : i32
          %mul3A_631 = arith.muli %scan3A_545, %mul3A_630 : i32
          %add3A_632 = arith.constant 400 : i32
          %add3A_633 = arith.addi %add3A_632, %mul3A_631 : i32
          %add3A_634 = arith.constant 6 : i32
          %add3A_635 = arith.addi %add3A_633, %add3A_634 : i32
          %get3A_636 = arith.index_cast %rem3A_223 : i32 to index
          %get3A_637 = arith.index_cast %add3A_635 : i32 to index
          %get3A_638 = arith.constant 0 : index
          %get3A_639 = tpu.vector_load %arg6[%get3A_636, %get3A_637, %get3A_638] {strides = array<i32>} : memref<2x800x32xbf16, #tpu.memory_space<vmem>>, vector<32xbf16>,
          %unpack3A_640 = tpu.unpack_subelements %get3A_639, 0 {pack_format = #tpu.pack_format<interleaved>} : vector<32xbf16> -> vector<16xf32>
          %unpack3A_641 = tpu.unpack_subelements %get3A_639, 1 {pack_format = #tpu.pack_format<interleaved>} : vector<32xbf16> -> vector<16xf32>
          %add3A_642 = arith.addf %add3A_628, %unpack3A_640 : vector<16xf32>
          %add3A_643 = arith.addf %add3A_629, %unpack3A_641 : vector<16xf32>
          %mul3A_644 = arith.constant 10 : i32
          %mul3A_645 = arith.muli %scan3A_545, %mul3A_644 : i32
          %add3A_646 = arith.constant 400 : i32
          %add3A_647 = arith.addi %add3A_646, %mul3A_645 : i32
          %add3A_648 = arith.constant 7 : i32
          %add3A_649 = arith.addi %add3A_647, %add3A_648 : i32
          %get3A_650 = arith.index_cast %rem3A_223 : i32 to index
          %get3A_651 = arith.index_cast %add3A_649 : i32 to index
          %get3A_652 = arith.constant 0 : index
          %get3A_653 = tpu.vector_load %arg6[%get3A_650, %get3A_651, %get3A_652] {strides = array<i32>} : memref<2x800x32xbf16, #tpu.memory_space<vmem>>, vector<32xbf16>,
          %unpack3A_654 = tpu.unpack_subelements %get3A_653, 0 {pack_format = #tpu.pack_format<interleaved>} : vector<32xbf16> -> vector<16xf32>
          %unpack3A_655 = tpu.unpack_subelements %get3A_653, 1 {pack_format = #tpu.pack_format<interleaved>} : vector<32xbf16> -> vector<16xf32>
          %add3A_656 = arith.addf %add3A_642, %unpack3A_654 : vector<16xf32>
          %add3A_657 = arith.addf %add3A_643, %unpack3A_655 : vector<16xf32>
          %mul3A_658 = arith.constant 10 : i32
          %mul3A_659 = arith.muli %scan3A_545, %mul3A_658 : i32
          %add3A_660 = arith.constant 400 : i32
          %add3A_661 = arith.addi %add3A_660, %mul3A_659 : i32
          %add3A_662 = arith.constant 8 : i32
          %add3A_663 = arith.addi %add3A_661, %add3A_662 : i32
          %get3A_664 = arith.index_cast %rem3A_223 : i32 to index
          %get3A_665 = arith.index_cast %add3A_663 : i32 to index
          %get3A_666 = arith.constant 0 : index
          %get3A_667 = tpu.vector_load %arg6[%get3A_664, %get3A_665, %get3A_666] {strides = array<i32>} : memref<2x800x32xbf16, #tpu.memory_space<vmem>>, vector<32xbf16>,
          %unpack3A_668 = tpu.unpack_subelements %get3A_667, 0 {pack_format = #tpu.pack_format<interleaved>} : vector<32xbf16> -> vector<16xf32>
          %unpack3A_669 = tpu.unpack_subelements %get3A_667, 1 {pack_format = #tpu.pack_format<interleaved>} : vector<32xbf16> -> vector<16xf32>
          %add3A_670 = arith.addf %add3A_656, %unpack3A_668 : vector<16xf32>
          %add3A_671 = arith.addf %add3A_657, %unpack3A_669 : vector<16xf32>
          %mul3A_672 = arith.constant 10 : i32
          %mul3A_673 = arith.muli %scan3A_545, %mul3A_672 : i32
          %add3A_674 = arith.constant 400 : i32
          %add3A_675 = arith.addi %add3A_674, %mul3A_673 : i32
          %add3A_676 = arith.constant 9 : i32
          %add3A_677 = arith.addi %add3A_675, %add3A_676 : i32
          %get3A_678 = arith.index_cast %rem3A_223 : i32 to index
          %get3A_679 = arith.index_cast %add3A_677 : i32 to index
          %get3A_680 = arith.constant 0 : index
          %get3A_681 = tpu.vector_load %arg6[%get3A_678, %get3A_679, %get3A_680] {strides = array<i32>} : memref<2x800x32xbf16, #tpu.memory_space<vmem>>, vector<32xbf16>,
          %unpack3A_682 = tpu.unpack_subelements %get3A_681, 0 {pack_format = #tpu.pack_format<interleaved>} : vector<32xbf16> -> vector<16xf32>
          %unpack3A_683 = tpu.unpack_subelements %get3A_681, 1 {pack_format = #tpu.pack_format<interleaved>} : vector<32xbf16> -> vector<16xf32>
          %add3A_684 = arith.addf %add3A_670, %unpack3A_682 : vector<16xf32>
          %add3A_685 = arith.addf %add3A_671, %unpack3A_683 : vector<16xf32>
          scf.yield %add3A_684, %add3A_685 : vector<16xf32>, vector<16xf32>
        }
        %scan3A_518 = arith.constant 20 : i32
        %mul3A_519 = arith.constant 4 : i32
        %mul3A_520 = arith.muli %sub3A_480, %mul3A_519 : i32
        %add3A_521 = arith.constant 2 : i32
        %add3A_522 = arith.addi %mul3A_520, %add3A_521 : i32
        %swap3A_523 = arith.index_cast %add3A_522 : i32 to index
        %swap3A_524 = arith.constant 0 : index
        %swap3A_525 = tpu.vector_load %arg7[%swap3A_523, %swap3A_524] {strides = array<i32>} : memref<512x32xf32, #tpu.memory_space<vmem>>, vector<16xf32>,
        tpu.vector_store %arg7[%swap3A_523, %swap3A_524], %scan3A_517#0 {strides = array<i32>} : memref<512x32xf32, #tpu.memory_space<vmem>>, vector<16xf32>,
        %swap3A_526 = arith.index_cast %add3A_522 : i32 to index
        %swap3A_527 = arith.constant 16 : index
        %swap3A_528 = tpu.vector_load %arg7[%swap3A_526, %swap3A_527] {strides = array<i32>} : memref<512x32xf32, #tpu.memory_space<vmem>>, vector<16xf32>,
        tpu.vector_store %arg7[%swap3A_526, %swap3A_527], %scan3A_517#1 {strides = array<i32>} : memref<512x32xf32, #tpu.memory_space<vmem>>, vector<16xf32>,
        %scan3A_529 = arith.constant 0 : i32
        %scan3A_530 = arith.constant 20 : i32
        %scan3A_531 = arith.addi %scan3A_529, %scan3A_530 : i32
        %scan3A_532 = arith.constant 1 : i32
        %scan3A_533:2 = scf.for %scan3A_545 = %scan3A_529 to %scan3A_531 step %scan3A_532 iter_args(%scan3A_546 = %broadcast_in_dim3A_11, %scan3A_547 = %broadcast_in_dim3A_11) -> (vector<16xf32>, vector<16xf32>)  : i32 {
          %mul3A_548 = arith.constant 10 : i32
          %mul3A_549 = arith.muli %scan3A_545, %mul3A_548 : i32
          %add3A_550 = arith.constant 600 : i32
          %add3A_551 = arith.addi %add3A_550, %mul3A_549 : i32
          %add3A_552 = arith.constant 0 : i32
          %add3A_553 = arith.addi %add3A_551, %add3A_552 : i32
          %get3A = arith.index_cast %rem3A_223 : i32 to index
          %get3A_554 = arith.index_cast %add3A_553 : i32 to index
          %get3A_555 = arith.constant 0 : index
          %get3A_556 = tpu.vector_load %arg6[%get3A, %get3A_554, %get3A_555] {strides = array<i32>} : memref<2x800x32xbf16, #tpu.memory_space<vmem>>, vector<32xbf16>,
          %unpack3A = tpu.unpack_subelements %get3A_556, 0 {pack_format = #tpu.pack_format<interleaved>} : vector<32xbf16> -> vector<16xf32>
          %unpack3A_557 = tpu.unpack_subelements %get3A_556, 1 {pack_format = #tpu.pack_format<interleaved>} : vector<32xbf16> -> vector<16xf32>
          %add3A_558 = arith.addf %scan3A_546, %unpack3A : vector<16xf32>
          %add3A_559 = arith.addf %scan3A_547, %unpack3A_557 : vector<16xf32>
          %mul3A_560 = arith.constant 10 : i32
          %mul3A_561 = arith.muli %scan3A_545, %mul3A_560 : i32
          %add3A_562 = arith.constant 600 : i32
          %add3A_563 = arith.addi %add3A_562, %mul3A_561 : i32
          %add3A_564 = arith.constant 1 : i32
          %add3A_565 = arith.addi %add3A_563, %add3A_564 : i32
          %get3A_566 = arith.index_cast %rem3A_223 : i32 to index
          %get3A_567 = arith.index_cast %add3A_565 : i32 to index
          %get3A_568 = arith.constant 0 : index
          %get3A_569 = tpu.vector_load %arg6[%get3A_566, %get3A_567, %get3A_568] {strides = array<i32>} : memref<2x800x32xbf16, #tpu.memory_space<vmem>>, vector<32xbf16>,
          %unpack3A_570 = tpu.unpack_subelements %get3A_569, 0 {pack_format = #tpu.pack_format<interleaved>} : vector<32xbf16> -> vector<16xf32>
          %unpack3A_571 = tpu.unpack_subelements %get3A_569, 1 {pack_format = #tpu.pack_format<interleaved>} : vector<32xbf16> -> vector<16xf32>
          %add3A_572 = arith.addf %add3A_558, %unpack3A_570 : vector<16xf32>
          %add3A_573 = arith.addf %add3A_559, %unpack3A_571 : vector<16xf32>
          %mul3A_574 = arith.constant 10 : i32
          %mul3A_575 = arith.muli %scan3A_545, %mul3A_574 : i32
          %add3A_576 = arith.constant 600 : i32
          %add3A_577 = arith.addi %add3A_576, %mul3A_575 : i32
          %add3A_578 = arith.constant 2 : i32
          %add3A_579 = arith.addi %add3A_577, %add3A_578 : i32
          %get3A_580 = arith.index_cast %rem3A_223 : i32 to index
          %get3A_581 = arith.index_cast %add3A_579 : i32 to index
          %get3A_582 = arith.constant 0 : index
          %get3A_583 = tpu.vector_load %arg6[%get3A_580, %get3A_581, %get3A_582] {strides = array<i32>} : memref<2x800x32xbf16, #tpu.memory_space<vmem>>, vector<32xbf16>,
          %unpack3A_584 = tpu.unpack_subelements %get3A_583, 0 {pack_format = #tpu.pack_format<interleaved>} : vector<32xbf16> -> vector<16xf32>
          %unpack3A_585 = tpu.unpack_subelements %get3A_583, 1 {pack_format = #tpu.pack_format<interleaved>} : vector<32xbf16> -> vector<16xf32>
          %add3A_586 = arith.addf %add3A_572, %unpack3A_584 : vector<16xf32>
          %add3A_587 = arith.addf %add3A_573, %unpack3A_585 : vector<16xf32>
          %mul3A_588 = arith.constant 10 : i32
          %mul3A_589 = arith.muli %scan3A_545, %mul3A_588 : i32
          %add3A_590 = arith.constant 600 : i32
          %add3A_591 = arith.addi %add3A_590, %mul3A_589 : i32
          %add3A_592 = arith.constant 3 : i32
          %add3A_593 = arith.addi %add3A_591, %add3A_592 : i32
          %get3A_594 = arith.index_cast %rem3A_223 : i32 to index
          %get3A_595 = arith.index_cast %add3A_593 : i32 to index
          %get3A_596 = arith.constant 0 : index
          %get3A_597 = tpu.vector_load %arg6[%get3A_594, %get3A_595, %get3A_596] {strides = array<i32>} : memref<2x800x32xbf16, #tpu.memory_space<vmem>>, vector<32xbf16>,
          %unpack3A_598 = tpu.unpack_subelements %get3A_597, 0 {pack_format = #tpu.pack_format<interleaved>} : vector<32xbf16> -> vector<16xf32>
          %unpack3A_599 = tpu.unpack_subelements %get3A_597, 1 {pack_format = #tpu.pack_format<interleaved>} : vector<32xbf16> -> vector<16xf32>
          %add3A_600 = arith.addf %add3A_586, %unpack3A_598 : vector<16xf32>
          %add3A_601 = arith.addf %add3A_587, %unpack3A_599 : vector<16xf32>
          %mul3A_602 = arith.constant 10 : i32
          %mul3A_603 = arith.muli %scan3A_545, %mul3A_602 : i32
          %add3A_604 = arith.constant 600 : i32
          %add3A_605 = arith.addi %add3A_604, %mul3A_603 : i32
          %add3A_606 = arith.constant 4 : i32
          %add3A_607 = arith.addi %add3A_605, %add3A_606 : i32
          %get3A_608 = arith.index_cast %rem3A_223 : i32 to index
          %get3A_609 = arith.index_cast %add3A_607 : i32 to index
          %get3A_610 = arith.constant 0 : index
          %get3A_611 = tpu.vector_load %arg6[%get3A_608, %get3A_609, %get3A_610] {strides = array<i32>} : memref<2x800x32xbf16, #tpu.memory_space<vmem>>, vector<32xbf16>,
          %unpack3A_612 = tpu.unpack_subelements %get3A_611, 0 {pack_format = #tpu.pack_format<interleaved>} : vector<32xbf16> -> vector<16xf32>
          %unpack3A_613 = tpu.unpack_subelements %get3A_611, 1 {pack_format = #tpu.pack_format<interleaved>} : vector<32xbf16> -> vector<16xf32>
          %add3A_614 = arith.addf %add3A_600, %unpack3A_612 : vector<16xf32>
          %add3A_615 = arith.addf %add3A_601, %unpack3A_613 : vector<16xf32>
          %mul3A_616 = arith.constant 10 : i32
          %mul3A_617 = arith.muli %scan3A_545, %mul3A_616 : i32
          %add3A_618 = arith.constant 600 : i32
          %add3A_619 = arith.addi %add3A_618, %mul3A_617 : i32
          %add3A_620 = arith.constant 5 : i32
          %add3A_621 = arith.addi %add3A_619, %add3A_620 : i32
          %get3A_622 = arith.index_cast %rem3A_223 : i32 to index
          %get3A_623 = arith.index_cast %add3A_621 : i32 to index
          %get3A_624 = arith.constant 0 : index
          %get3A_625 = tpu.vector_load %arg6[%get3A_622, %get3A_623, %get3A_624] {strides = array<i32>} : memref<2x800x32xbf16, #tpu.memory_space<vmem>>, vector<32xbf16>,
          %unpack3A_626 = tpu.unpack_subelements %get3A_625, 0 {pack_format = #tpu.pack_format<interleaved>} : vector<32xbf16> -> vector<16xf32>
          %unpack3A_627 = tpu.unpack_subelements %get3A_625, 1 {pack_format = #tpu.pack_format<interleaved>} : vector<32xbf16> -> vector<16xf32>
          %add3A_628 = arith.addf %add3A_614, %unpack3A_626 : vector<16xf32>
          %add3A_629 = arith.addf %add3A_615, %unpack3A_627 : vector<16xf32>
          %mul3A_630 = arith.constant 10 : i32
          %mul3A_631 = arith.muli %scan3A_545, %mul3A_630 : i32
          %add3A_632 = arith.constant 600 : i32
          %add3A_633 = arith.addi %add3A_632, %mul3A_631 : i32
          %add3A_634 = arith.constant 6 : i32
          %add3A_635 = arith.addi %add3A_633, %add3A_634 : i32
          %get3A_636 = arith.index_cast %rem3A_223 : i32 to index
          %get3A_637 = arith.index_cast %add3A_635 : i32 to index
          %get3A_638 = arith.constant 0 : index
          %get3A_639 = tpu.vector_load %arg6[%get3A_636, %get3A_637, %get3A_638] {strides = array<i32>} : memref<2x800x32xbf16, #tpu.memory_space<vmem>>, vector<32xbf16>,
          %unpack3A_640 = tpu.unpack_subelements %get3A_639, 0 {pack_format = #tpu.pack_format<interleaved>} : vector<32xbf16> -> vector<16xf32>
          %unpack3A_641 = tpu.unpack_subelements %get3A_639, 1 {pack_format = #tpu.pack_format<interleaved>} : vector<32xbf16> -> vector<16xf32>
          %add3A_642 = arith.addf %add3A_628, %unpack3A_640 : vector<16xf32>
          %add3A_643 = arith.addf %add3A_629, %unpack3A_641 : vector<16xf32>
          %mul3A_644 = arith.constant 10 : i32
          %mul3A_645 = arith.muli %scan3A_545, %mul3A_644 : i32
          %add3A_646 = arith.constant 600 : i32
          %add3A_647 = arith.addi %add3A_646, %mul3A_645 : i32
          %add3A_648 = arith.constant 7 : i32
          %add3A_649 = arith.addi %add3A_647, %add3A_648 : i32
          %get3A_650 = arith.index_cast %rem3A_223 : i32 to index
          %get3A_651 = arith.index_cast %add3A_649 : i32 to index
          %get3A_652 = arith.constant 0 : index
          %get3A_653 = tpu.vector_load %arg6[%get3A_650, %get3A_651, %get3A_652] {strides = array<i32>} : memref<2x800x32xbf16, #tpu.memory_space<vmem>>, vector<32xbf16>,
          %unpack3A_654 = tpu.unpack_subelements %get3A_653, 0 {pack_format = #tpu.pack_format<interleaved>} : vector<32xbf16> -> vector<16xf32>
          %unpack3A_655 = tpu.unpack_subelements %get3A_653, 1 {pack_format = #tpu.pack_format<interleaved>} : vector<32xbf16> -> vector<16xf32>
          %add3A_656 = arith.addf %add3A_642, %unpack3A_654 : vector<16xf32>
          %add3A_657 = arith.addf %add3A_643, %unpack3A_655 : vector<16xf32>
          %mul3A_658 = arith.constant 10 : i32
          %mul3A_659 = arith.muli %scan3A_545, %mul3A_658 : i32
          %add3A_660 = arith.constant 600 : i32
          %add3A_661 = arith.addi %add3A_660, %mul3A_659 : i32
          %add3A_662 = arith.constant 8 : i32
          %add3A_663 = arith.addi %add3A_661, %add3A_662 : i32
          %get3A_664 = arith.index_cast %rem3A_223 : i32 to index
          %get3A_665 = arith.index_cast %add3A_663 : i32 to index
          %get3A_666 = arith.constant 0 : index
          %get3A_667 = tpu.vector_load %arg6[%get3A_664, %get3A_665, %get3A_666] {strides = array<i32>} : memref<2x800x32xbf16, #tpu.memory_space<vmem>>, vector<32xbf16>,
          %unpack3A_668 = tpu.unpack_subelements %get3A_667, 0 {pack_format = #tpu.pack_format<interleaved>} : vector<32xbf16> -> vector<16xf32>
          %unpack3A_669 = tpu.unpack_subelements %get3A_667, 1 {pack_format = #tpu.pack_format<interleaved>} : vector<32xbf16> -> vector<16xf32>
          %add3A_670 = arith.addf %add3A_656, %unpack3A_668 : vector<16xf32>
          %add3A_671 = arith.addf %add3A_657, %unpack3A_669 : vector<16xf32>
          %mul3A_672 = arith.constant 10 : i32
          %mul3A_673 = arith.muli %scan3A_545, %mul3A_672 : i32
          %add3A_674 = arith.constant 600 : i32
          %add3A_675 = arith.addi %add3A_674, %mul3A_673 : i32
          %add3A_676 = arith.constant 9 : i32
          %add3A_677 = arith.addi %add3A_675, %add3A_676 : i32
          %get3A_678 = arith.index_cast %rem3A_223 : i32 to index
          %get3A_679 = arith.index_cast %add3A_677 : i32 to index
          %get3A_680 = arith.constant 0 : index
          %get3A_681 = tpu.vector_load %arg6[%get3A_678, %get3A_679, %get3A_680] {strides = array<i32>} : memref<2x800x32xbf16, #tpu.memory_space<vmem>>, vector<32xbf16>,
          %unpack3A_682 = tpu.unpack_subelements %get3A_681, 0 {pack_format = #tpu.pack_format<interleaved>} : vector<32xbf16> -> vector<16xf32>
          %unpack3A_683 = tpu.unpack_subelements %get3A_681, 1 {pack_format = #tpu.pack_format<interleaved>} : vector<32xbf16> -> vector<16xf32>
          %add3A_684 = arith.addf %add3A_670, %unpack3A_682 : vector<16xf32>
          %add3A_685 = arith.addf %add3A_671, %unpack3A_683 : vector<16xf32>
          scf.yield %add3A_684, %add3A_685 : vector<16xf32>, vector<16xf32>
        }
        %scan3A_534 = arith.constant 20 : i32
        %mul3A_535 = arith.constant 4 : i32
        %mul3A_536 = arith.muli %sub3A_480, %mul3A_535 : i32
        %add3A_537 = arith.constant 3 : i32
        %add3A_538 = arith.addi %mul3A_536, %add3A_537 : i32
        %swap3A_539 = arith.index_cast %add3A_538 : i32 to index
        %swap3A_540 = arith.constant 0 : index
        %swap3A_541 = tpu.vector_load %arg7[%swap3A_539, %swap3A_540] {strides = array<i32>} : memref<512x32xf32, #tpu.memory_space<vmem>>, vector<16xf32>,
        tpu.vector_store %arg7[%swap3A_539, %swap3A_540], %scan3A_533#0 {strides = array<i32>} : memref<512x32xf32, #tpu.memory_space<vmem>>, vector<16xf32>,
        %swap3A_542 = arith.index_cast %add3A_538 : i32 to index
        %swap3A_543 = arith.constant 16 : index
        %swap3A_544 = tpu.vector_load %arg7[%swap3A_542, %swap3A_543] {strides = array<i32>} : memref<512x32xf32, #tpu.memory_space<vmem>>, vector<16xf32>,
        tpu.vector_store %arg7[%swap3A_542, %swap3A_543], %scan3A_533#1 {strides = array<i32>} : memref<512x32xf32, #tpu.memory_space<vmem>>, vector<16xf32>,
      } else {
      }
    }
    %scan3A_16 = arith.constant 128 : i32
    %rem3A = arith.constant 127 : i32
    %rem3A_17 = arith.constant 2 : i32
    %rem3A_18 = arith.remsi %rem3A, %rem3A_17 : i32
    %dma_wait3A = arith.constant 0 : i32
    %dma_wait3A_19 = arith.constant 0 : i32
    %dma_wait3A_20 = tpu.memref_slice %arg6[%rem3A_18, %dma_wait3A, %dma_wait3A_19] : memref<2x800x32xbf16, #tpu.memory_space<vmem>> -> memref<1x80x32xbf16, #tpu.memory_space<vmem>>
    %dma_wait3A_21 = tpu.memref_squeeze %dma_wait3A_20 : memref<1x80x32xbf16, #tpu.memory_space<vmem>> -> memref<80x32xbf16, #tpu.memory_space<vmem>>
    %dma_wait3A_22 = arith.constant 0 : i32
    %dma_wait3A_23 = arith.constant 0 : i32
    %dma_wait3A_24 = tpu.memref_slice %arg2[%dma_wait3A_22, %dma_wait3A_23] : memref<1000000x32xbf16, #tpu.memory_space<hbm>> -> memref<80x32xbf16, #tpu.memory_space<hbm>>
    %dma_wait3A_25 = arith.constant 0 : i32
    %dma_wait3A_26 = arith.constant 0 : i32
    %dma_wait3A_27 = tpu.memref_slice %arg6[%rem3A_18, %dma_wait3A_25, %dma_wait3A_26] : memref<2x800x32xbf16, #tpu.memory_space<vmem>> -> memref<1x80x32xbf16, #tpu.memory_space<vmem>>
    %dma_wait3A_28 = tpu.memref_squeeze %dma_wait3A_27 : memref<1x80x32xbf16, #tpu.memory_space<vmem>> -> memref<80x32xbf16, #tpu.memory_space<vmem>>
    %dma_wait3A_29 = arith.constant 0 : i32
    %dma_wait3A_30 = arith.constant 0 : i32
    %dma_wait3A_31 = tpu.memref_slice %arg2[%dma_wait3A_29, %dma_wait3A_30] : memref<1000000x32xbf16, #tpu.memory_space<hbm>> -> memref<80x32xbf16, #tpu.memory_space<hbm>>
    tpu.wait_dma2 semaphore(%arg9 : memref<!tpu.dma_semaphore, #tpu.memory_space<semaphore_mem>>) src(%dma_wait3A_31 : memref<80x32xbf16, #tpu.memory_space<hbm>>) dst(%dma_wait3A_28 : memref<80x32xbf16, #tpu.memory_space<vmem>>)
    %dma_wait3A_32 = arith.constant 80 : i32
    %dma_wait3A_33 = arith.constant 0 : i32
    %dma_wait3A_34 = tpu.memref_slice %arg6[%rem3A_18, %dma_wait3A_32, %dma_wait3A_33] : memref<2x800x32xbf16, #tpu.memory_space<vmem>> -> memref<1x80x32xbf16, #tpu.memory_space<vmem>>
    %dma_wait3A_35 = tpu.memref_squeeze %dma_wait3A_34 : memref<1x80x32xbf16, #tpu.memory_space<vmem>> -> memref<80x32xbf16, #tpu.memory_space<vmem>>
    %dma_wait3A_36 = arith.constant 0 : i32
    %dma_wait3A_37 = arith.constant 0 : i32
    %dma_wait3A_38 = tpu.memref_slice %arg2[%dma_wait3A_36, %dma_wait3A_37] : memref<1000000x32xbf16, #tpu.memory_space<hbm>> -> memref<80x32xbf16, #tpu.memory_space<hbm>>
    %dma_wait3A_39 = arith.constant 80 : i32
    %dma_wait3A_40 = arith.constant 0 : i32
    %dma_wait3A_41 = tpu.memref_slice %arg6[%rem3A_18, %dma_wait3A_39, %dma_wait3A_40] : memref<2x800x32xbf16, #tpu.memory_space<vmem>> -> memref<1x80x32xbf16, #tpu.memory_space<vmem>>
    %dma_wait3A_42 = tpu.memref_squeeze %dma_wait3A_41 : memref<1x80x32xbf16, #tpu.memory_space<vmem>> -> memref<80x32xbf16, #tpu.memory_space<vmem>>
    %dma_wait3A_43 = arith.constant 0 : i32
    %dma_wait3A_44 = arith.constant 0 : i32
    %dma_wait3A_45 = tpu.memref_slice %arg2[%dma_wait3A_43, %dma_wait3A_44] : memref<1000000x32xbf16, #tpu.memory_space<hbm>> -> memref<80x32xbf16, #tpu.memory_space<hbm>>
    tpu.wait_dma2 semaphore(%arg9 : memref<!tpu.dma_semaphore, #tpu.memory_space<semaphore_mem>>) src(%dma_wait3A_45 : memref<80x32xbf16, #tpu.memory_space<hbm>>) dst(%dma_wait3A_42 : memref<80x32xbf16, #tpu.memory_space<vmem>>)
    %dma_wait3A_46 = arith.constant 160 : i32
    %dma_wait3A_47 = arith.constant 0 : i32
    %dma_wait3A_48 = tpu.memref_slice %arg6[%rem3A_18, %dma_wait3A_46, %dma_wait3A_47] : memref<2x800x32xbf16, #tpu.memory_space<vmem>> -> memref<1x80x32xbf16, #tpu.memory_space<vmem>>
    %dma_wait3A_49 = tpu.memref_squeeze %dma_wait3A_48 : memref<1x80x32xbf16, #tpu.memory_space<vmem>> -> memref<80x32xbf16, #tpu.memory_space<vmem>>
    %dma_wait3A_50 = arith.constant 0 : i32
    %dma_wait3A_51 = arith.constant 0 : i32
    %dma_wait3A_52 = tpu.memref_slice %arg2[%dma_wait3A_50, %dma_wait3A_51] : memref<1000000x32xbf16, #tpu.memory_space<hbm>> -> memref<80x32xbf16, #tpu.memory_space<hbm>>
    %dma_wait3A_53 = arith.constant 160 : i32
    %dma_wait3A_54 = arith.constant 0 : i32
    %dma_wait3A_55 = tpu.memref_slice %arg6[%rem3A_18, %dma_wait3A_53, %dma_wait3A_54] : memref<2x800x32xbf16, #tpu.memory_space<vmem>> -> memref<1x80x32xbf16, #tpu.memory_space<vmem>>
    %dma_wait3A_56 = tpu.memref_squeeze %dma_wait3A_55 : memref<1x80x32xbf16, #tpu.memory_space<vmem>> -> memref<80x32xbf16, #tpu.memory_space<vmem>>
    %dma_wait3A_57 = arith.constant 0 : i32
    %dma_wait3A_58 = arith.constant 0 : i32
    %dma_wait3A_59 = tpu.memref_slice %arg2[%dma_wait3A_57, %dma_wait3A_58] : memref<1000000x32xbf16, #tpu.memory_space<hbm>> -> memref<80x32xbf16, #tpu.memory_space<hbm>>
    tpu.wait_dma2 semaphore(%arg9 : memref<!tpu.dma_semaphore, #tpu.memory_space<semaphore_mem>>) src(%dma_wait3A_59 : memref<80x32xbf16, #tpu.memory_space<hbm>>) dst(%dma_wait3A_56 : memref<80x32xbf16, #tpu.memory_space<vmem>>)
    %dma_wait3A_60 = arith.constant 240 : i32
    %dma_wait3A_61 = arith.constant 0 : i32
    %dma_wait3A_62 = tpu.memref_slice %arg6[%rem3A_18, %dma_wait3A_60, %dma_wait3A_61] : memref<2x800x32xbf16, #tpu.memory_space<vmem>> -> memref<1x80x32xbf16, #tpu.memory_space<vmem>>
    %dma_wait3A_63 = tpu.memref_squeeze %dma_wait3A_62 : memref<1x80x32xbf16, #tpu.memory_space<vmem>> -> memref<80x32xbf16, #tpu.memory_space<vmem>>
    %dma_wait3A_64 = arith.constant 0 : i32
    %dma_wait3A_65 = arith.constant 0 : i32
    %dma_wait3A_66 = tpu.memref_slice %arg2[%dma_wait3A_64, %dma_wait3A_65] : memref<1000000x32xbf16, #tpu.memory_space<hbm>> -> memref<80x32xbf16, #tpu.memory_space<hbm>>
    %dma_wait3A_67 = arith.constant 240 : i32
    %dma_wait3A_68 = arith.constant 0 : i32
    %dma_wait3A_69 = tpu.memref_slice %arg6[%rem3A_18, %dma_wait3A_67, %dma_wait3A_68] : memref<2x800x32xbf16, #tpu.memory_space<vmem>> -> memref<1x80x32xbf16, #tpu.memory_space<vmem>>
    %dma_wait3A_70 = tpu.memref_squeeze %dma_wait3A_69 : memref<1x80x32xbf16, #tpu.memory_space<vmem>> -> memref<80x32xbf16, #tpu.memory_space<vmem>>
    %dma_wait3A_71 = arith.constant 0 : i32
    %dma_wait3A_72 = arith.constant 0 : i32
    %dma_wait3A_73 = tpu.memref_slice %arg2[%dma_wait3A_71, %dma_wait3A_72] : memref<1000000x32xbf16, #tpu.memory_space<hbm>> -> memref<80x32xbf16, #tpu.memory_space<hbm>>
    tpu.wait_dma2 semaphore(%arg9 : memref<!tpu.dma_semaphore, #tpu.memory_space<semaphore_mem>>) src(%dma_wait3A_73 : memref<80x32xbf16, #tpu.memory_space<hbm>>) dst(%dma_wait3A_70 : memref<80x32xbf16, #tpu.memory_space<vmem>>)
    %dma_wait3A_74 = arith.constant 320 : i32
    %dma_wait3A_75 = arith.constant 0 : i32
    %dma_wait3A_76 = tpu.memref_slice %arg6[%rem3A_18, %dma_wait3A_74, %dma_wait3A_75] : memref<2x800x32xbf16, #tpu.memory_space<vmem>> -> memref<1x80x32xbf16, #tpu.memory_space<vmem>>
    %dma_wait3A_77 = tpu.memref_squeeze %dma_wait3A_76 : memref<1x80x32xbf16, #tpu.memory_space<vmem>> -> memref<80x32xbf16, #tpu.memory_space<vmem>>
    %dma_wait3A_78 = arith.constant 0 : i32
    %dma_wait3A_79 = arith.constant 0 : i32
    %dma_wait3A_80 = tpu.memref_slice %arg2[%dma_wait3A_78, %dma_wait3A_79] : memref<1000000x32xbf16, #tpu.memory_space<hbm>> -> memref<80x32xbf16, #tpu.memory_space<hbm>>
    %dma_wait3A_81 = arith.constant 320 : i32
    %dma_wait3A_82 = arith.constant 0 : i32
    %dma_wait3A_83 = tpu.memref_slice %arg6[%rem3A_18, %dma_wait3A_81, %dma_wait3A_82] : memref<2x800x32xbf16, #tpu.memory_space<vmem>> -> memref<1x80x32xbf16, #tpu.memory_space<vmem>>
    %dma_wait3A_84 = tpu.memref_squeeze %dma_wait3A_83 : memref<1x80x32xbf16, #tpu.memory_space<vmem>> -> memref<80x32xbf16, #tpu.memory_space<vmem>>
    %dma_wait3A_85 = arith.constant 0 : i32
    %dma_wait3A_86 = arith.constant 0 : i32
    %dma_wait3A_87 = tpu.memref_slice %arg2[%dma_wait3A_85, %dma_wait3A_86] : memref<1000000x32xbf16, #tpu.memory_space<hbm>> -> memref<80x32xbf16, #tpu.memory_space<hbm>>
    tpu.wait_dma2 semaphore(%arg9 : memref<!tpu.dma_semaphore, #tpu.memory_space<semaphore_mem>>) src(%dma_wait3A_87 : memref<80x32xbf16, #tpu.memory_space<hbm>>) dst(%dma_wait3A_84 : memref<80x32xbf16, #tpu.memory_space<vmem>>)
    %dma_wait3A_88 = arith.constant 400 : i32
    %dma_wait3A_89 = arith.constant 0 : i32
    %dma_wait3A_90 = tpu.memref_slice %arg6[%rem3A_18, %dma_wait3A_88, %dma_wait3A_89] : memref<2x800x32xbf16, #tpu.memory_space<vmem>> -> memref<1x80x32xbf16, #tpu.memory_space<vmem>>
    %dma_wait3A_91 = tpu.memref_squeeze %dma_wait3A_90 : memref<1x80x32xbf16, #tpu.memory_space<vmem>> -> memref<80x32xbf16, #tpu.memory_space<vmem>>
    %dma_wait3A_92 = arith.constant 0 : i32
    %dma_wait3A_93 = arith.constant 0 : i32
    %dma_wait3A_94 = tpu.memref_slice %arg2[%dma_wait3A_92, %dma_wait3A_93] : memref<1000000x32xbf16, #tpu.memory_space<hbm>> -> memref<80x32xbf16, #tpu.memory_space<hbm>>
    %dma_wait3A_95 = arith.constant 400 : i32
    %dma_wait3A_96 = arith.constant 0 : i32
    %dma_wait3A_97 = tpu.memref_slice %arg6[%rem3A_18, %dma_wait3A_95, %dma_wait3A_96] : memref<2x800x32xbf16, #tpu.memory_space<vmem>> -> memref<1x80x32xbf16, #tpu.memory_space<vmem>>
    %dma_wait3A_98 = tpu.memref_squeeze %dma_wait3A_97 : memref<1x80x32xbf16, #tpu.memory_space<vmem>> -> memref<80x32xbf16, #tpu.memory_space<vmem>>
    %dma_wait3A_99 = arith.constant 0 : i32
    %dma_wait3A_100 = arith.constant 0 : i32
    %dma_wait3A_101 = tpu.memref_slice %arg2[%dma_wait3A_99, %dma_wait3A_100] : memref<1000000x32xbf16, #tpu.memory_space<hbm>> -> memref<80x32xbf16, #tpu.memory_space<hbm>>
    tpu.wait_dma2 semaphore(%arg9 : memref<!tpu.dma_semaphore, #tpu.memory_space<semaphore_mem>>) src(%dma_wait3A_101 : memref<80x32xbf16, #tpu.memory_space<hbm>>) dst(%dma_wait3A_98 : memref<80x32xbf16, #tpu.memory_space<vmem>>)
    %dma_wait3A_102 = arith.constant 480 : i32
    %dma_wait3A_103 = arith.constant 0 : i32
    %dma_wait3A_104 = tpu.memref_slice %arg6[%rem3A_18, %dma_wait3A_102, %dma_wait3A_103] : memref<2x800x32xbf16, #tpu.memory_space<vmem>> -> memref<1x80x32xbf16, #tpu.memory_space<vmem>>
    %dma_wait3A_105 = tpu.memref_squeeze %dma_wait3A_104 : memref<1x80x32xbf16, #tpu.memory_space<vmem>> -> memref<80x32xbf16, #tpu.memory_space<vmem>>
    %dma_wait3A_106 = arith.constant 0 : i32
    %dma_wait3A_107 = arith.constant 0 : i32
    %dma_wait3A_108 = tpu.memref_slice %arg2[%dma_wait3A_106, %dma_wait3A_107] : memref<1000000x32xbf16, #tpu.memory_space<hbm>> -> memref<80x32xbf16, #tpu.memory_space<hbm>>
    %dma_wait3A_109 = arith.constant 480 : i32
    %dma_wait3A_110 = arith.constant 0 : i32
    %dma_wait3A_111 = tpu.memref_slice %arg6[%rem3A_18, %dma_wait3A_109, %dma_wait3A_110] : memref<2x800x32xbf16, #tpu.memory_space<vmem>> -> memref<1x80x32xbf16, #tpu.memory_space<vmem>>
    %dma_wait3A_112 = tpu.memref_squeeze %dma_wait3A_111 : memref<1x80x32xbf16, #tpu.memory_space<vmem>> -> memref<80x32xbf16, #tpu.memory_space<vmem>>
    %dma_wait3A_113 = arith.constant 0 : i32
    %dma_wait3A_114 = arith.constant 0 : i32
    %dma_wait3A_115 = tpu.memref_slice %arg2[%dma_wait3A_113, %dma_wait3A_114] : memref<1000000x32xbf16, #tpu.memory_space<hbm>> -> memref<80x32xbf16, #tpu.memory_space<hbm>>
    tpu.wait_dma2 semaphore(%arg9 : memref<!tpu.dma_semaphore, #tpu.memory_space<semaphore_mem>>) src(%dma_wait3A_115 : memref<80x32xbf16, #tpu.memory_space<hbm>>) dst(%dma_wait3A_112 : memref<80x32xbf16, #tpu.memory_space<vmem>>)
    %dma_wait3A_116 = arith.constant 560 : i32
    %dma_wait3A_117 = arith.constant 0 : i32
    %dma_wait3A_118 = tpu.memref_slice %arg6[%rem3A_18, %dma_wait3A_116, %dma_wait3A_117] : memref<2x800x32xbf16, #tpu.memory_space<vmem>> -> memref<1x80x32xbf16, #tpu.memory_space<vmem>>
    %dma_wait3A_119 = tpu.memref_squeeze %dma_wait3A_118 : memref<1x80x32xbf16, #tpu.memory_space<vmem>> -> memref<80x32xbf16, #tpu.memory_space<vmem>>
    %dma_wait3A_120 = arith.constant 0 : i32
    %dma_wait3A_121 = arith.constant 0 : i32
    %dma_wait3A_122 = tpu.memref_slice %arg2[%dma_wait3A_120, %dma_wait3A_121] : memref<1000000x32xbf16, #tpu.memory_space<hbm>> -> memref<80x32xbf16, #tpu.memory_space<hbm>>
    %dma_wait3A_123 = arith.constant 560 : i32
    %dma_wait3A_124 = arith.constant 0 : i32
    %dma_wait3A_125 = tpu.memref_slice %arg6[%rem3A_18, %dma_wait3A_123, %dma_wait3A_124] : memref<2x800x32xbf16, #tpu.memory_space<vmem>> -> memref<1x80x32xbf16, #tpu.memory_space<vmem>>
    %dma_wait3A_126 = tpu.memref_squeeze %dma_wait3A_125 : memref<1x80x32xbf16, #tpu.memory_space<vmem>> -> memref<80x32xbf16, #tpu.memory_space<vmem>>
    %dma_wait3A_127 = arith.constant 0 : i32
    %dma_wait3A_128 = arith.constant 0 : i32
    %dma_wait3A_129 = tpu.memref_slice %arg2[%dma_wait3A_127, %dma_wait3A_128] : memref<1000000x32xbf16, #tpu.memory_space<hbm>> -> memref<80x32xbf16, #tpu.memory_space<hbm>>
    tpu.wait_dma2 semaphore(%arg9 : memref<!tpu.dma_semaphore, #tpu.memory_space<semaphore_mem>>) src(%dma_wait3A_129 : memref<80x32xbf16, #tpu.memory_space<hbm>>) dst(%dma_wait3A_126 : memref<80x32xbf16, #tpu.memory_space<vmem>>)
    %dma_wait3A_130 = arith.constant 640 : i32
    %dma_wait3A_131 = arith.constant 0 : i32
    %dma_wait3A_132 = tpu.memref_slice %arg6[%rem3A_18, %dma_wait3A_130, %dma_wait3A_131] : memref<2x800x32xbf16, #tpu.memory_space<vmem>> -> memref<1x80x32xbf16, #tpu.memory_space<vmem>>
    %dma_wait3A_133 = tpu.memref_squeeze %dma_wait3A_132 : memref<1x80x32xbf16, #tpu.memory_space<vmem>> -> memref<80x32xbf16, #tpu.memory_space<vmem>>
    %dma_wait3A_134 = arith.constant 0 : i32
    %dma_wait3A_135 = arith.constant 0 : i32
    %dma_wait3A_136 = tpu.memref_slice %arg2[%dma_wait3A_134, %dma_wait3A_135] : memref<1000000x32xbf16, #tpu.memory_space<hbm>> -> memref<80x32xbf16, #tpu.memory_space<hbm>>
    %dma_wait3A_137 = arith.constant 640 : i32
    %dma_wait3A_138 = arith.constant 0 : i32
    %dma_wait3A_139 = tpu.memref_slice %arg6[%rem3A_18, %dma_wait3A_137, %dma_wait3A_138] : memref<2x800x32xbf16, #tpu.memory_space<vmem>> -> memref<1x80x32xbf16, #tpu.memory_space<vmem>>
    %dma_wait3A_140 = tpu.memref_squeeze %dma_wait3A_139 : memref<1x80x32xbf16, #tpu.memory_space<vmem>> -> memref<80x32xbf16, #tpu.memory_space<vmem>>
    %dma_wait3A_141 = arith.constant 0 : i32
    %dma_wait3A_142 = arith.constant 0 : i32
    %dma_wait3A_143 = tpu.memref_slice %arg2[%dma_wait3A_141, %dma_wait3A_142] : memref<1000000x32xbf16, #tpu.memory_space<hbm>> -> memref<80x32xbf16, #tpu.memory_space<hbm>>
    tpu.wait_dma2 semaphore(%arg9 : memref<!tpu.dma_semaphore, #tpu.memory_space<semaphore_mem>>) src(%dma_wait3A_143 : memref<80x32xbf16, #tpu.memory_space<hbm>>) dst(%dma_wait3A_140 : memref<80x32xbf16, #tpu.memory_space<vmem>>)
    %dma_wait3A_144 = arith.constant 720 : i32
    %dma_wait3A_145 = arith.constant 0 : i32
    %dma_wait3A_146 = tpu.memref_slice %arg6[%rem3A_18, %dma_wait3A_144, %dma_wait3A_145] : memref<2x800x32xbf16, #tpu.memory_space<vmem>> -> memref<1x80x32xbf16, #tpu.memory_space<vmem>>
    %dma_wait3A_147 = tpu.memref_squeeze %dma_wait3A_146 : memref<1x80x32xbf16, #tpu.memory_space<vmem>> -> memref<80x32xbf16, #tpu.memory_space<vmem>>
    %dma_wait3A_148 = arith.constant 0 : i32
    %dma_wait3A_149 = arith.constant 0 : i32
    %dma_wait3A_150 = tpu.memref_slice %arg2[%dma_wait3A_148, %dma_wait3A_149] : memref<1000000x32xbf16, #tpu.memory_space<hbm>> -> memref<80x32xbf16, #tpu.memory_space<hbm>>
    %dma_wait3A_151 = arith.constant 720 : i32
    %dma_wait3A_152 = arith.constant 0 : i32
    %dma_wait3A_153 = tpu.memref_slice %arg6[%rem3A_18, %dma_wait3A_151, %dma_wait3A_152] : memref<2x800x32xbf16, #tpu.memory_space<vmem>> -> memref<1x80x32xbf16, #tpu.memory_space<vmem>>
    %dma_wait3A_154 = tpu.memref_squeeze %dma_wait3A_153 : memref<1x80x32xbf16, #tpu.memory_space<vmem>> -> memref<80x32xbf16, #tpu.memory_space<vmem>>
    %dma_wait3A_155 = arith.constant 0 : i32
    %dma_wait3A_156 = arith.constant 0 : i32
    %dma_wait3A_157 = tpu.memref_slice %arg2[%dma_wait3A_155, %dma_wait3A_156] : memref<1000000x32xbf16, #tpu.memory_space<hbm>> -> memref<80x32xbf16, #tpu.memory_space<hbm>>
    tpu.wait_dma2 semaphore(%arg9 : memref<!tpu.dma_semaphore, #tpu.memory_space<semaphore_mem>>) src(%dma_wait3A_157 : memref<80x32xbf16, #tpu.memory_space<hbm>>) dst(%dma_wait3A_154 : memref<80x32xbf16, #tpu.memory_space<vmem>>)
    %scan3A_158 = arith.constant 0 : i32
    %scan3A_159 = arith.constant 20 : i32
    %scan3A_160 = arith.addi %scan3A_158, %scan3A_159 : i32
    %scan3A_161 = arith.constant 1 : i32
    %scan3A_162:2 = scf.for %scan3A_215 = %scan3A_158 to %scan3A_160 step %scan3A_161 iter_args(%scan3A_216 = %broadcast_in_dim3A_11, %scan3A_217 = %broadcast_in_dim3A_11) -> (vector<16xf32>, vector<16xf32>)  : i32 {
      %mul3A_218 = arith.constant 10 : i32
      %mul3A_219 = arith.muli %scan3A_215, %mul3A_218 : i32
      %add3A_220 = arith.constant 0 : i32
      %add3A_221 = arith.addi %add3A_220, %mul3A_219 : i32
      %add3A_222 = arith.constant 0 : i32
      %add3A_223 = arith.addi %add3A_221, %add3A_222 : i32
      %get3A = arith.index_cast %rem3A_18 : i32 to index
      %get3A_224 = arith.index_cast %add3A_223 : i32 to index
      %get3A_225 = arith.constant 0 : index
      %get3A_226 = tpu.vector_load %arg6[%get3A, %get3A_224, %get3A_225] {strides = array<i32>} : memref<2x800x32xbf16, #tpu.memory_space<vmem>>, vector<32xbf16>,
      %unpack3A = tpu.unpack_subelements %get3A_226, 0 {pack_format = #tpu.pack_format<interleaved>} : vector<32xbf16> -> vector<16xf32>
      %unpack3A_227 = tpu.unpack_subelements %get3A_226, 1 {pack_format = #tpu.pack_format<interleaved>} : vector<32xbf16> -> vector<16xf32>
      %add3A_228 = arith.addf %scan3A_216, %unpack3A : vector<16xf32>
      %add3A_229 = arith.addf %scan3A_217, %unpack3A_227 : vector<16xf32>
      %mul3A_230 = arith.constant 10 : i32
      %mul3A_231 = arith.muli %scan3A_215, %mul3A_230 : i32
      %add3A_232 = arith.constant 0 : i32
      %add3A_233 = arith.addi %add3A_232, %mul3A_231 : i32
      %add3A_234 = arith.constant 1 : i32
      %add3A_235 = arith.addi %add3A_233, %add3A_234 : i32
      %get3A_236 = arith.index_cast %rem3A_18 : i32 to index
      %get3A_237 = arith.index_cast %add3A_235 : i32 to index
      %get3A_238 = arith.constant 0 : index
      %get3A_239 = tpu.vector_load %arg6[%get3A_236, %get3A_237, %get3A_238] {strides = array<i32>} : memref<2x800x32xbf16, #tpu.memory_space<vmem>>, vector<32xbf16>,
      %unpack3A_240 = tpu.unpack_subelements %get3A_239, 0 {pack_format = #tpu.pack_format<interleaved>} : vector<32xbf16> -> vector<16xf32>
      %unpack3A_241 = tpu.unpack_subelements %get3A_239, 1 {pack_format = #tpu.pack_format<interleaved>} : vector<32xbf16> -> vector<16xf32>
      %add3A_242 = arith.addf %add3A_228, %unpack3A_240 : vector<16xf32>
      %add3A_243 = arith.addf %add3A_229, %unpack3A_241 : vector<16xf32>
      %mul3A_244 = arith.constant 10 : i32
      %mul3A_245 = arith.muli %scan3A_215, %mul3A_244 : i32
      %add3A_246 = arith.constant 0 : i32
      %add3A_247 = arith.addi %add3A_246, %mul3A_245 : i32
      %add3A_248 = arith.constant 2 : i32
      %add3A_249 = arith.addi %add3A_247, %add3A_248 : i32
      %get3A_250 = arith.index_cast %rem3A_18 : i32 to index
      %get3A_251 = arith.index_cast %add3A_249 : i32 to index
      %get3A_252 = arith.constant 0 : index
      %get3A_253 = tpu.vector_load %arg6[%get3A_250, %get3A_251, %get3A_252] {strides = array<i32>} : memref<2x800x32xbf16, #tpu.memory_space<vmem>>, vector<32xbf16>,
      %unpack3A_254 = tpu.unpack_subelements %get3A_253, 0 {pack_format = #tpu.pack_format<interleaved>} : vector<32xbf16> -> vector<16xf32>
      %unpack3A_255 = tpu.unpack_subelements %get3A_253, 1 {pack_format = #tpu.pack_format<interleaved>} : vector<32xbf16> -> vector<16xf32>
      %add3A_256 = arith.addf %add3A_242, %unpack3A_254 : vector<16xf32>
      %add3A_257 = arith.addf %add3A_243, %unpack3A_255 : vector<16xf32>
      %mul3A_258 = arith.constant 10 : i32
      %mul3A_259 = arith.muli %scan3A_215, %mul3A_258 : i32
      %add3A_260 = arith.constant 0 : i32
      %add3A_261 = arith.addi %add3A_260, %mul3A_259 : i32
      %add3A_262 = arith.constant 3 : i32
      %add3A_263 = arith.addi %add3A_261, %add3A_262 : i32
      %get3A_264 = arith.index_cast %rem3A_18 : i32 to index
      %get3A_265 = arith.index_cast %add3A_263 : i32 to index
      %get3A_266 = arith.constant 0 : index
      %get3A_267 = tpu.vector_load %arg6[%get3A_264, %get3A_265, %get3A_266] {strides = array<i32>} : memref<2x800x32xbf16, #tpu.memory_space<vmem>>, vector<32xbf16>,
      %unpack3A_268 = tpu.unpack_subelements %get3A_267, 0 {pack_format = #tpu.pack_format<interleaved>} : vector<32xbf16> -> vector<16xf32>
      %unpack3A_269 = tpu.unpack_subelements %get3A_267, 1 {pack_format = #tpu.pack_format<interleaved>} : vector<32xbf16> -> vector<16xf32>
      %add3A_270 = arith.addf %add3A_256, %unpack3A_268 : vector<16xf32>
      %add3A_271 = arith.addf %add3A_257, %unpack3A_269 : vector<16xf32>
      %mul3A_272 = arith.constant 10 : i32
      %mul3A_273 = arith.muli %scan3A_215, %mul3A_272 : i32
      %add3A_274 = arith.constant 0 : i32
      %add3A_275 = arith.addi %add3A_274, %mul3A_273 : i32
      %add3A_276 = arith.constant 4 : i32
      %add3A_277 = arith.addi %add3A_275, %add3A_276 : i32
      %get3A_278 = arith.index_cast %rem3A_18 : i32 to index
      %get3A_279 = arith.index_cast %add3A_277 : i32 to index
      %get3A_280 = arith.constant 0 : index
      %get3A_281 = tpu.vector_load %arg6[%get3A_278, %get3A_279, %get3A_280] {strides = array<i32>} : memref<2x800x32xbf16, #tpu.memory_space<vmem>>, vector<32xbf16>,
      %unpack3A_282 = tpu.unpack_subelements %get3A_281, 0 {pack_format = #tpu.pack_format<interleaved>} : vector<32xbf16> -> vector<16xf32>
      %unpack3A_283 = tpu.unpack_subelements %get3A_281, 1 {pack_format = #tpu.pack_format<interleaved>} : vector<32xbf16> -> vector<16xf32>
      %add3A_284 = arith.addf %add3A_270, %unpack3A_282 : vector<16xf32>
      %add3A_285 = arith.addf %add3A_271, %unpack3A_283 : vector<16xf32>
      %mul3A_286 = arith.constant 10 : i32
      %mul3A_287 = arith.muli %scan3A_215, %mul3A_286 : i32
      %add3A_288 = arith.constant 0 : i32
      %add3A_289 = arith.addi %add3A_288, %mul3A_287 : i32
      %add3A_290 = arith.constant 5 : i32
      %add3A_291 = arith.addi %add3A_289, %add3A_290 : i32
      %get3A_292 = arith.index_cast %rem3A_18 : i32 to index
      %get3A_293 = arith.index_cast %add3A_291 : i32 to index
      %get3A_294 = arith.constant 0 : index
      %get3A_295 = tpu.vector_load %arg6[%get3A_292, %get3A_293, %get3A_294] {strides = array<i32>} : memref<2x800x32xbf16, #tpu.memory_space<vmem>>, vector<32xbf16>,
      %unpack3A_296 = tpu.unpack_subelements %get3A_295, 0 {pack_format = #tpu.pack_format<interleaved>} : vector<32xbf16> -> vector<16xf32>
      %unpack3A_297 = tpu.unpack_subelements %get3A_295, 1 {pack_format = #tpu.pack_format<interleaved>} : vector<32xbf16> -> vector<16xf32>
      %add3A_298 = arith.addf %add3A_284, %unpack3A_296 : vector<16xf32>
      %add3A_299 = arith.addf %add3A_285, %unpack3A_297 : vector<16xf32>
      %mul3A_300 = arith.constant 10 : i32
      %mul3A_301 = arith.muli %scan3A_215, %mul3A_300 : i32
      %add3A_302 = arith.constant 0 : i32
      %add3A_303 = arith.addi %add3A_302, %mul3A_301 : i32
      %add3A_304 = arith.constant 6 : i32
      %add3A_305 = arith.addi %add3A_303, %add3A_304 : i32
      %get3A_306 = arith.index_cast %rem3A_18 : i32 to index
      %get3A_307 = arith.index_cast %add3A_305 : i32 to index
      %get3A_308 = arith.constant 0 : index
      %get3A_309 = tpu.vector_load %arg6[%get3A_306, %get3A_307, %get3A_308] {strides = array<i32>} : memref<2x800x32xbf16, #tpu.memory_space<vmem>>, vector<32xbf16>,
      %unpack3A_310 = tpu.unpack_subelements %get3A_309, 0 {pack_format = #tpu.pack_format<interleaved>} : vector<32xbf16> -> vector<16xf32>
      %unpack3A_311 = tpu.unpack_subelements %get3A_309, 1 {pack_format = #tpu.pack_format<interleaved>} : vector<32xbf16> -> vector<16xf32>
      %add3A_312 = arith.addf %add3A_298, %unpack3A_310 : vector<16xf32>
      %add3A_313 = arith.addf %add3A_299, %unpack3A_311 : vector<16xf32>
      %mul3A_314 = arith.constant 10 : i32
      %mul3A_315 = arith.muli %scan3A_215, %mul3A_314 : i32
      %add3A_316 = arith.constant 0 : i32
      %add3A_317 = arith.addi %add3A_316, %mul3A_315 : i32
      %add3A_318 = arith.constant 7 : i32
      %add3A_319 = arith.addi %add3A_317, %add3A_318 : i32
      %get3A_320 = arith.index_cast %rem3A_18 : i32 to index
      %get3A_321 = arith.index_cast %add3A_319 : i32 to index
      %get3A_322 = arith.constant 0 : index
      %get3A_323 = tpu.vector_load %arg6[%get3A_320, %get3A_321, %get3A_322] {strides = array<i32>} : memref<2x800x32xbf16, #tpu.memory_space<vmem>>, vector<32xbf16>,
      %unpack3A_324 = tpu.unpack_subelements %get3A_323, 0 {pack_format = #tpu.pack_format<interleaved>} : vector<32xbf16> -> vector<16xf32>
      %unpack3A_325 = tpu.unpack_subelements %get3A_323, 1 {pack_format = #tpu.pack_format<interleaved>} : vector<32xbf16> -> vector<16xf32>
      %add3A_326 = arith.addf %add3A_312, %unpack3A_324 : vector<16xf32>
      %add3A_327 = arith.addf %add3A_313, %unpack3A_325 : vector<16xf32>
      %mul3A_328 = arith.constant 10 : i32
      %mul3A_329 = arith.muli %scan3A_215, %mul3A_328 : i32
      %add3A_330 = arith.constant 0 : i32
      %add3A_331 = arith.addi %add3A_330, %mul3A_329 : i32
      %add3A_332 = arith.constant 8 : i32
      %add3A_333 = arith.addi %add3A_331, %add3A_332 : i32
      %get3A_334 = arith.index_cast %rem3A_18 : i32 to index
      %get3A_335 = arith.index_cast %add3A_333 : i32 to index
      %get3A_336 = arith.constant 0 : index
      %get3A_337 = tpu.vector_load %arg6[%get3A_334, %get3A_335, %get3A_336] {strides = array<i32>} : memref<2x800x32xbf16, #tpu.memory_space<vmem>>, vector<32xbf16>,
      %unpack3A_338 = tpu.unpack_subelements %get3A_337, 0 {pack_format = #tpu.pack_format<interleaved>} : vector<32xbf16> -> vector<16xf32>
      %unpack3A_339 = tpu.unpack_subelements %get3A_337, 1 {pack_format = #tpu.pack_format<interleaved>} : vector<32xbf16> -> vector<16xf32>
      %add3A_340 = arith.addf %add3A_326, %unpack3A_338 : vector<16xf32>
      %add3A_341 = arith.addf %add3A_327, %unpack3A_339 : vector<16xf32>
      %mul3A_342 = arith.constant 10 : i32
      %mul3A_343 = arith.muli %scan3A_215, %mul3A_342 : i32
      %add3A_344 = arith.constant 0 : i32
      %add3A_345 = arith.addi %add3A_344, %mul3A_343 : i32
      %add3A_346 = arith.constant 9 : i32
      %add3A_347 = arith.addi %add3A_345, %add3A_346 : i32
      %get3A_348 = arith.index_cast %rem3A_18 : i32 to index
      %get3A_349 = arith.index_cast %add3A_347 : i32 to index
      %get3A_350 = arith.constant 0 : index
      %get3A_351 = tpu.vector_load %arg6[%get3A_348, %get3A_349, %get3A_350] {strides = array<i32>} : memref<2x800x32xbf16, #tpu.memory_space<vmem>>, vector<32xbf16>,
      %unpack3A_352 = tpu.unpack_subelements %get3A_351, 0 {pack_format = #tpu.pack_format<interleaved>} : vector<32xbf16> -> vector<16xf32>
      %unpack3A_353 = tpu.unpack_subelements %get3A_351, 1 {pack_format = #tpu.pack_format<interleaved>} : vector<32xbf16> -> vector<16xf32>
      %add3A_354 = arith.addf %add3A_340, %unpack3A_352 : vector<16xf32>
      %add3A_355 = arith.addf %add3A_341, %unpack3A_353 : vector<16xf32>
      scf.yield %add3A_354, %add3A_355 : vector<16xf32>, vector<16xf32>
    }
    %scan3A_163 = arith.constant 20 : i32
    %swap3A = arith.constant 508 : i32
    %swap3A_164 = arith.index_cast %swap3A : i32 to index
    %swap3A_165 = arith.constant 0 : index
    %swap3A_166 = tpu.vector_load %arg7[%swap3A_164, %swap3A_165] {strides = array<i32>} : memref<512x32xf32, #tpu.memory_space<vmem>>, vector<16xf32>,
    tpu.vector_store %arg7[%swap3A_164, %swap3A_165], %scan3A_162#0 {strides = array<i32>} : memref<512x32xf32, #tpu.memory_space<vmem>>, vector<16xf32>,
    %swap3A_167 = arith.constant 508 : i32
    %swap3A_168 = arith.index_cast %swap3A_167 : i32 to index
    %swap3A_169 = arith.constant 16 : index
    %swap3A_170 = tpu.vector_load %arg7[%swap3A_168, %swap3A_169] {strides = array<i32>} : memref<512x32xf32, #tpu.memory_space<vmem>>, vector<16xf32>,
    tpu.vector_store %arg7[%swap3A_168, %swap3A_169], %scan3A_162#1 {strides = array<i32>} : memref<512x32xf32, #tpu.memory_space<vmem>>, vector<16xf32>,
    %scan3A_171 = arith.constant 0 : i32
    %scan3A_172 = arith.constant 20 : i32
    %scan3A_173 = arith.addi %scan3A_171, %scan3A_172 : i32
    %scan3A_174 = arith.constant 1 : i32
    %scan3A_175:2 = scf.for %scan3A_215 = %scan3A_171 to %scan3A_173 step %scan3A_174 iter_args(%scan3A_216 = %broadcast_in_dim3A_11, %scan3A_217 = %broadcast_in_dim3A_11) -> (vector<16xf32>, vector<16xf32>)  : i32 {
      %mul3A_218 = arith.constant 10 : i32
      %mul3A_219 = arith.muli %scan3A_215, %mul3A_218 : i32
      %add3A_220 = arith.constant 200 : i32
      %add3A_221 = arith.addi %add3A_220, %mul3A_219 : i32
      %add3A_222 = arith.constant 0 : i32
      %add3A_223 = arith.addi %add3A_221, %add3A_222 : i32
      %get3A = arith.index_cast %rem3A_18 : i32 to index
      %get3A_224 = arith.index_cast %add3A_223 : i32 to index
      %get3A_225 = arith.constant 0 : index
      %get3A_226 = tpu.vector_load %arg6[%get3A, %get3A_224, %get3A_225] {strides = array<i32>} : memref<2x800x32xbf16, #tpu.memory_space<vmem>>, vector<32xbf16>,
      %unpack3A = tpu.unpack_subelements %get3A_226, 0 {pack_format = #tpu.pack_format<interleaved>} : vector<32xbf16> -> vector<16xf32>
      %unpack3A_227 = tpu.unpack_subelements %get3A_226, 1 {pack_format = #tpu.pack_format<interleaved>} : vector<32xbf16> -> vector<16xf32>
      %add3A_228 = arith.addf %scan3A_216, %unpack3A : vector<16xf32>
      %add3A_229 = arith.addf %scan3A_217, %unpack3A_227 : vector<16xf32>
      %mul3A_230 = arith.constant 10 : i32
      %mul3A_231 = arith.muli %scan3A_215, %mul3A_230 : i32
      %add3A_232 = arith.constant 200 : i32
      %add3A_233 = arith.addi %add3A_232, %mul3A_231 : i32
      %add3A_234 = arith.constant 1 : i32
      %add3A_235 = arith.addi %add3A_233, %add3A_234 : i32
      %get3A_236 = arith.index_cast %rem3A_18 : i32 to index
      %get3A_237 = arith.index_cast %add3A_235 : i32 to index
      %get3A_238 = arith.constant 0 : index
      %get3A_239 = tpu.vector_load %arg6[%get3A_236, %get3A_237, %get3A_238] {strides = array<i32>} : memref<2x800x32xbf16, #tpu.memory_space<vmem>>, vector<32xbf16>,
      %unpack3A_240 = tpu.unpack_subelements %get3A_239, 0 {pack_format = #tpu.pack_format<interleaved>} : vector<32xbf16> -> vector<16xf32>
      %unpack3A_241 = tpu.unpack_subelements %get3A_239, 1 {pack_format = #tpu.pack_format<interleaved>} : vector<32xbf16> -> vector<16xf32>
      %add3A_242 = arith.addf %add3A_228, %unpack3A_240 : vector<16xf32>
      %add3A_243 = arith.addf %add3A_229, %unpack3A_241 : vector<16xf32>
      %mul3A_244 = arith.constant 10 : i32
      %mul3A_245 = arith.muli %scan3A_215, %mul3A_244 : i32
      %add3A_246 = arith.constant 200 : i32
      %add3A_247 = arith.addi %add3A_246, %mul3A_245 : i32
      %add3A_248 = arith.constant 2 : i32
      %add3A_249 = arith.addi %add3A_247, %add3A_248 : i32
      %get3A_250 = arith.index_cast %rem3A_18 : i32 to index
      %get3A_251 = arith.index_cast %add3A_249 : i32 to index
      %get3A_252 = arith.constant 0 : index
      %get3A_253 = tpu.vector_load %arg6[%get3A_250, %get3A_251, %get3A_252] {strides = array<i32>} : memref<2x800x32xbf16, #tpu.memory_space<vmem>>, vector<32xbf16>,
      %unpack3A_254 = tpu.unpack_subelements %get3A_253, 0 {pack_format = #tpu.pack_format<interleaved>} : vector<32xbf16> -> vector<16xf32>
      %unpack3A_255 = tpu.unpack_subelements %get3A_253, 1 {pack_format = #tpu.pack_format<interleaved>} : vector<32xbf16> -> vector<16xf32>
      %add3A_256 = arith.addf %add3A_242, %unpack3A_254 : vector<16xf32>
      %add3A_257 = arith.addf %add3A_243, %unpack3A_255 : vector<16xf32>
      %mul3A_258 = arith.constant 10 : i32
      %mul3A_259 = arith.muli %scan3A_215, %mul3A_258 : i32
      %add3A_260 = arith.constant 200 : i32
      %add3A_261 = arith.addi %add3A_260, %mul3A_259 : i32
      %add3A_262 = arith.constant 3 : i32
      %add3A_263 = arith.addi %add3A_261, %add3A_262 : i32
      %get3A_264 = arith.index_cast %rem3A_18 : i32 to index
      %get3A_265 = arith.index_cast %add3A_263 : i32 to index
      %get3A_266 = arith.constant 0 : index
      %get3A_267 = tpu.vector_load %arg6[%get3A_264, %get3A_265, %get3A_266] {strides = array<i32>} : memref<2x800x32xbf16, #tpu.memory_space<vmem>>, vector<32xbf16>,
      %unpack3A_268 = tpu.unpack_subelements %get3A_267, 0 {pack_format = #tpu.pack_format<interleaved>} : vector<32xbf16> -> vector<16xf32>
      %unpack3A_269 = tpu.unpack_subelements %get3A_267, 1 {pack_format = #tpu.pack_format<interleaved>} : vector<32xbf16> -> vector<16xf32>
      %add3A_270 = arith.addf %add3A_256, %unpack3A_268 : vector<16xf32>
      %add3A_271 = arith.addf %add3A_257, %unpack3A_269 : vector<16xf32>
      %mul3A_272 = arith.constant 10 : i32
      %mul3A_273 = arith.muli %scan3A_215, %mul3A_272 : i32
      %add3A_274 = arith.constant 200 : i32
      %add3A_275 = arith.addi %add3A_274, %mul3A_273 : i32
      %add3A_276 = arith.constant 4 : i32
      %add3A_277 = arith.addi %add3A_275, %add3A_276 : i32
      %get3A_278 = arith.index_cast %rem3A_18 : i32 to index
      %get3A_279 = arith.index_cast %add3A_277 : i32 to index
      %get3A_280 = arith.constant 0 : index
      %get3A_281 = tpu.vector_load %arg6[%get3A_278, %get3A_279, %get3A_280] {strides = array<i32>} : memref<2x800x32xbf16, #tpu.memory_space<vmem>>, vector<32xbf16>,
      %unpack3A_282 = tpu.unpack_subelements %get3A_281, 0 {pack_format = #tpu.pack_format<interleaved>} : vector<32xbf16> -> vector<16xf32>
      %unpack3A_283 = tpu.unpack_subelements %get3A_281, 1 {pack_format = #tpu.pack_format<interleaved>} : vector<32xbf16> -> vector<16xf32>
      %add3A_284 = arith.addf %add3A_270, %unpack3A_282 : vector<16xf32>
      %add3A_285 = arith.addf %add3A_271, %unpack3A_283 : vector<16xf32>
      %mul3A_286 = arith.constant 10 : i32
      %mul3A_287 = arith.muli %scan3A_215, %mul3A_286 : i32
      %add3A_288 = arith.constant 200 : i32
      %add3A_289 = arith.addi %add3A_288, %mul3A_287 : i32
      %add3A_290 = arith.constant 5 : i32
      %add3A_291 = arith.addi %add3A_289, %add3A_290 : i32
      %get3A_292 = arith.index_cast %rem3A_18 : i32 to index
      %get3A_293 = arith.index_cast %add3A_291 : i32 to index
      %get3A_294 = arith.constant 0 : index
      %get3A_295 = tpu.vector_load %arg6[%get3A_292, %get3A_293, %get3A_294] {strides = array<i32>} : memref<2x800x32xbf16, #tpu.memory_space<vmem>>, vector<32xbf16>,
      %unpack3A_296 = tpu.unpack_subelements %get3A_295, 0 {pack_format = #tpu.pack_format<interleaved>} : vector<32xbf16> -> vector<16xf32>
      %unpack3A_297 = tpu.unpack_subelements %get3A_295, 1 {pack_format = #tpu.pack_format<interleaved>} : vector<32xbf16> -> vector<16xf32>
      %add3A_298 = arith.addf %add3A_284, %unpack3A_296 : vector<16xf32>
      %add3A_299 = arith.addf %add3A_285, %unpack3A_297 : vector<16xf32>
      %mul3A_300 = arith.constant 10 : i32
      %mul3A_301 = arith.muli %scan3A_215, %mul3A_300 : i32
      %add3A_302 = arith.constant 200 : i32
      %add3A_303 = arith.addi %add3A_302, %mul3A_301 : i32
      %add3A_304 = arith.constant 6 : i32
      %add3A_305 = arith.addi %add3A_303, %add3A_304 : i32
      %get3A_306 = arith.index_cast %rem3A_18 : i32 to index
      %get3A_307 = arith.index_cast %add3A_305 : i32 to index
      %get3A_308 = arith.constant 0 : index
      %get3A_309 = tpu.vector_load %arg6[%get3A_306, %get3A_307, %get3A_308] {strides = array<i32>} : memref<2x800x32xbf16, #tpu.memory_space<vmem>>, vector<32xbf16>,
      %unpack3A_310 = tpu.unpack_subelements %get3A_309, 0 {pack_format = #tpu.pack_format<interleaved>} : vector<32xbf16> -> vector<16xf32>
      %unpack3A_311 = tpu.unpack_subelements %get3A_309, 1 {pack_format = #tpu.pack_format<interleaved>} : vector<32xbf16> -> vector<16xf32>
      %add3A_312 = arith.addf %add3A_298, %unpack3A_310 : vector<16xf32>
      %add3A_313 = arith.addf %add3A_299, %unpack3A_311 : vector<16xf32>
      %mul3A_314 = arith.constant 10 : i32
      %mul3A_315 = arith.muli %scan3A_215, %mul3A_314 : i32
      %add3A_316 = arith.constant 200 : i32
      %add3A_317 = arith.addi %add3A_316, %mul3A_315 : i32
      %add3A_318 = arith.constant 7 : i32
      %add3A_319 = arith.addi %add3A_317, %add3A_318 : i32
      %get3A_320 = arith.index_cast %rem3A_18 : i32 to index
      %get3A_321 = arith.index_cast %add3A_319 : i32 to index
      %get3A_322 = arith.constant 0 : index
      %get3A_323 = tpu.vector_load %arg6[%get3A_320, %get3A_321, %get3A_322] {strides = array<i32>} : memref<2x800x32xbf16, #tpu.memory_space<vmem>>, vector<32xbf16>,
      %unpack3A_324 = tpu.unpack_subelements %get3A_323, 0 {pack_format = #tpu.pack_format<interleaved>} : vector<32xbf16> -> vector<16xf32>
      %unpack3A_325 = tpu.unpack_subelements %get3A_323, 1 {pack_format = #tpu.pack_format<interleaved>} : vector<32xbf16> -> vector<16xf32>
      %add3A_326 = arith.addf %add3A_312, %unpack3A_324 : vector<16xf32>
      %add3A_327 = arith.addf %add3A_313, %unpack3A_325 : vector<16xf32>
      %mul3A_328 = arith.constant 10 : i32
      %mul3A_329 = arith.muli %scan3A_215, %mul3A_328 : i32
      %add3A_330 = arith.constant 200 : i32
      %add3A_331 = arith.addi %add3A_330, %mul3A_329 : i32
      %add3A_332 = arith.constant 8 : i32
      %add3A_333 = arith.addi %add3A_331, %add3A_332 : i32
      %get3A_334 = arith.index_cast %rem3A_18 : i32 to index
      %get3A_335 = arith.index_cast %add3A_333 : i32 to index
      %get3A_336 = arith.constant 0 : index
      %get3A_337 = tpu.vector_load %arg6[%get3A_334, %get3A_335, %get3A_336] {strides = array<i32>} : memref<2x800x32xbf16, #tpu.memory_space<vmem>>, vector<32xbf16>,
      %unpack3A_338 = tpu.unpack_subelements %get3A_337, 0 {pack_format = #tpu.pack_format<interleaved>} : vector<32xbf16> -> vector<16xf32>
      %unpack3A_339 = tpu.unpack_subelements %get3A_337, 1 {pack_format = #tpu.pack_format<interleaved>} : vector<32xbf16> -> vector<16xf32>
      %add3A_340 = arith.addf %add3A_326, %unpack3A_338 : vector<16xf32>
      %add3A_341 = arith.addf %add3A_327, %unpack3A_339 : vector<16xf32>
      %mul3A_342 = arith.constant 10 : i32
      %mul3A_343 = arith.muli %scan3A_215, %mul3A_342 : i32
      %add3A_344 = arith.constant 200 : i32
      %add3A_345 = arith.addi %add3A_344, %mul3A_343 : i32
      %add3A_346 = arith.constant 9 : i32
      %add3A_347 = arith.addi %add3A_345, %add3A_346 : i32
      %get3A_348 = arith.index_cast %rem3A_18 : i32 to index
      %get3A_349 = arith.index_cast %add3A_347 : i32 to index
      %get3A_350 = arith.constant 0 : index
      %get3A_351 = tpu.vector_load %arg6[%get3A_348, %get3A_349, %get3A_350] {strides = array<i32>} : memref<2x800x32xbf16, #tpu.memory_space<vmem>>, vector<32xbf16>,
      %unpack3A_352 = tpu.unpack_subelements %get3A_351, 0 {pack_format = #tpu.pack_format<interleaved>} : vector<32xbf16> -> vector<16xf32>
      %unpack3A_353 = tpu.unpack_subelements %get3A_351, 1 {pack_format = #tpu.pack_format<interleaved>} : vector<32xbf16> -> vector<16xf32>
      %add3A_354 = arith.addf %add3A_340, %unpack3A_352 : vector<16xf32>
      %add3A_355 = arith.addf %add3A_341, %unpack3A_353 : vector<16xf32>
      scf.yield %add3A_354, %add3A_355 : vector<16xf32>, vector<16xf32>
    }
    %scan3A_176 = arith.constant 20 : i32
    %swap3A_177 = arith.constant 509 : i32
    %swap3A_178 = arith.index_cast %swap3A_177 : i32 to index
    %swap3A_179 = arith.constant 0 : index
    %swap3A_180 = tpu.vector_load %arg7[%swap3A_178, %swap3A_179] {strides = array<i32>} : memref<512x32xf32, #tpu.memory_space<vmem>>, vector<16xf32>,
    tpu.vector_store %arg7[%swap3A_178, %swap3A_179], %scan3A_175#0 {strides = array<i32>} : memref<512x32xf32, #tpu.memory_space<vmem>>, vector<16xf32>,
    %swap3A_181 = arith.constant 509 : i32
    %swap3A_182 = arith.index_cast %swap3A_181 : i32 to index
    %swap3A_183 = arith.constant 16 : index
    %swap3A_184 = tpu.vector_load %arg7[%swap3A_182, %swap3A_183] {strides = array<i32>} : memref<512x32xf32, #tpu.memory_space<vmem>>, vector<16xf32>,
    tpu.vector_store %arg7[%swap3A_182, %swap3A_183], %scan3A_175#1 {strides = array<i32>} : memref<512x32xf32, #tpu.memory_space<vmem>>, vector<16xf32>,
    %scan3A_185 = arith.constant 0 : i32
    %scan3A_186 = arith.constant 20 : i32
    %scan3A_187 = arith.addi %scan3A_185, %scan3A_186 : i32
    %scan3A_188 = arith.constant 1 : i32
    %scan3A_189:2 = scf.for %scan3A_215 = %scan3A_185 to %scan3A_187 step %scan3A_188 iter_args(%scan3A_216 = %broadcast_in_dim3A_11, %scan3A_217 = %broadcast_in_dim3A_11) -> (vector<16xf32>, vector<16xf32>)  : i32 {
      %mul3A_218 = arith.constant 10 : i32
      %mul3A_219 = arith.muli %scan3A_215, %mul3A_218 : i32
      %add3A_220 = arith.constant 400 : i32
      %add3A_221 = arith.addi %add3A_220, %mul3A_219 : i32
      %add3A_222 = arith.constant 0 : i32
      %add3A_223 = arith.addi %add3A_221, %add3A_222 : i32
      %get3A = arith.index_cast %rem3A_18 : i32 to index
      %get3A_224 = arith.index_cast %add3A_223 : i32 to index
      %get3A_225 = arith.constant 0 : index
      %get3A_226 = tpu.vector_load %arg6[%get3A, %get3A_224, %get3A_225] {strides = array<i32>} : memref<2x800x32xbf16, #tpu.memory_space<vmem>>, vector<32xbf16>,
      %unpack3A = tpu.unpack_subelements %get3A_226, 0 {pack_format = #tpu.pack_format<interleaved>} : vector<32xbf16> -> vector<16xf32>
      %unpack3A_227 = tpu.unpack_subelements %get3A_226, 1 {pack_format = #tpu.pack_format<interleaved>} : vector<32xbf16> -> vector<16xf32>
      %add3A_228 = arith.addf %scan3A_216, %unpack3A : vector<16xf32>
      %add3A_229 = arith.addf %scan3A_217, %unpack3A_227 : vector<16xf32>
      %mul3A_230 = arith.constant 10 : i32
      %mul3A_231 = arith.muli %scan3A_215, %mul3A_230 : i32
      %add3A_232 = arith.constant 400 : i32
      %add3A_233 = arith.addi %add3A_232, %mul3A_231 : i32
      %add3A_234 = arith.constant 1 : i32
      %add3A_235 = arith.addi %add3A_233, %add3A_234 : i32
      %get3A_236 = arith.index_cast %rem3A_18 : i32 to index
      %get3A_237 = arith.index_cast %add3A_235 : i32 to index
      %get3A_238 = arith.constant 0 : index
      %get3A_239 = tpu.vector_load %arg6[%get3A_236, %get3A_237, %get3A_238] {strides = array<i32>} : memref<2x800x32xbf16, #tpu.memory_space<vmem>>, vector<32xbf16>,
      %unpack3A_240 = tpu.unpack_subelements %get3A_239, 0 {pack_format = #tpu.pack_format<interleaved>} : vector<32xbf16> -> vector<16xf32>
      %unpack3A_241 = tpu.unpack_subelements %get3A_239, 1 {pack_format = #tpu.pack_format<interleaved>} : vector<32xbf16> -> vector<16xf32>
      %add3A_242 = arith.addf %add3A_228, %unpack3A_240 : vector<16xf32>
      %add3A_243 = arith.addf %add3A_229, %unpack3A_241 : vector<16xf32>
      %mul3A_244 = arith.constant 10 : i32
      %mul3A_245 = arith.muli %scan3A_215, %mul3A_244 : i32
      %add3A_246 = arith.constant 400 : i32
      %add3A_247 = arith.addi %add3A_246, %mul3A_245 : i32
      %add3A_248 = arith.constant 2 : i32
      %add3A_249 = arith.addi %add3A_247, %add3A_248 : i32
      %get3A_250 = arith.index_cast %rem3A_18 : i32 to index
      %get3A_251 = arith.index_cast %add3A_249 : i32 to index
      %get3A_252 = arith.constant 0 : index
      %get3A_253 = tpu.vector_load %arg6[%get3A_250, %get3A_251, %get3A_252] {strides = array<i32>} : memref<2x800x32xbf16, #tpu.memory_space<vmem>>, vector<32xbf16>,
      %unpack3A_254 = tpu.unpack_subelements %get3A_253, 0 {pack_format = #tpu.pack_format<interleaved>} : vector<32xbf16> -> vector<16xf32>
      %unpack3A_255 = tpu.unpack_subelements %get3A_253, 1 {pack_format = #tpu.pack_format<interleaved>} : vector<32xbf16> -> vector<16xf32>
      %add3A_256 = arith.addf %add3A_242, %unpack3A_254 : vector<16xf32>
      %add3A_257 = arith.addf %add3A_243, %unpack3A_255 : vector<16xf32>
      %mul3A_258 = arith.constant 10 : i32
      %mul3A_259 = arith.muli %scan3A_215, %mul3A_258 : i32
      %add3A_260 = arith.constant 400 : i32
      %add3A_261 = arith.addi %add3A_260, %mul3A_259 : i32
      %add3A_262 = arith.constant 3 : i32
      %add3A_263 = arith.addi %add3A_261, %add3A_262 : i32
      %get3A_264 = arith.index_cast %rem3A_18 : i32 to index
      %get3A_265 = arith.index_cast %add3A_263 : i32 to index
      %get3A_266 = arith.constant 0 : index
      %get3A_267 = tpu.vector_load %arg6[%get3A_264, %get3A_265, %get3A_266] {strides = array<i32>} : memref<2x800x32xbf16, #tpu.memory_space<vmem>>, vector<32xbf16>,
      %unpack3A_268 = tpu.unpack_subelements %get3A_267, 0 {pack_format = #tpu.pack_format<interleaved>} : vector<32xbf16> -> vector<16xf32>
      %unpack3A_269 = tpu.unpack_subelements %get3A_267, 1 {pack_format = #tpu.pack_format<interleaved>} : vector<32xbf16> -> vector<16xf32>
      %add3A_270 = arith.addf %add3A_256, %unpack3A_268 : vector<16xf32>
      %add3A_271 = arith.addf %add3A_257, %unpack3A_269 : vector<16xf32>
      %mul3A_272 = arith.constant 10 : i32
      %mul3A_273 = arith.muli %scan3A_215, %mul3A_272 : i32
      %add3A_274 = arith.constant 400 : i32
      %add3A_275 = arith.addi %add3A_274, %mul3A_273 : i32
      %add3A_276 = arith.constant 4 : i32
      %add3A_277 = arith.addi %add3A_275, %add3A_276 : i32
      %get3A_278 = arith.index_cast %rem3A_18 : i32 to index
      %get3A_279 = arith.index_cast %add3A_277 : i32 to index
      %get3A_280 = arith.constant 0 : index
      %get3A_281 = tpu.vector_load %arg6[%get3A_278, %get3A_279, %get3A_280] {strides = array<i32>} : memref<2x800x32xbf16, #tpu.memory_space<vmem>>, vector<32xbf16>,
      %unpack3A_282 = tpu.unpack_subelements %get3A_281, 0 {pack_format = #tpu.pack_format<interleaved>} : vector<32xbf16> -> vector<16xf32>
      %unpack3A_283 = tpu.unpack_subelements %get3A_281, 1 {pack_format = #tpu.pack_format<interleaved>} : vector<32xbf16> -> vector<16xf32>
      %add3A_284 = arith.addf %add3A_270, %unpack3A_282 : vector<16xf32>
      %add3A_285 = arith.addf %add3A_271, %unpack3A_283 : vector<16xf32>
      %mul3A_286 = arith.constant 10 : i32
      %mul3A_287 = arith.muli %scan3A_215, %mul3A_286 : i32
      %add3A_288 = arith.constant 400 : i32
      %add3A_289 = arith.addi %add3A_288, %mul3A_287 : i32
      %add3A_290 = arith.constant 5 : i32
      %add3A_291 = arith.addi %add3A_289, %add3A_290 : i32
      %get3A_292 = arith.index_cast %rem3A_18 : i32 to index
      %get3A_293 = arith.index_cast %add3A_291 : i32 to index
      %get3A_294 = arith.constant 0 : index
      %get3A_295 = tpu.vector_load %arg6[%get3A_292, %get3A_293, %get3A_294] {strides = array<i32>} : memref<2x800x32xbf16, #tpu.memory_space<vmem>>, vector<32xbf16>,
      %unpack3A_296 = tpu.unpack_subelements %get3A_295, 0 {pack_format = #tpu.pack_format<interleaved>} : vector<32xbf16> -> vector<16xf32>
      %unpack3A_297 = tpu.unpack_subelements %get3A_295, 1 {pack_format = #tpu.pack_format<interleaved>} : vector<32xbf16> -> vector<16xf32>
      %add3A_298 = arith.addf %add3A_284, %unpack3A_296 : vector<16xf32>
      %add3A_299 = arith.addf %add3A_285, %unpack3A_297 : vector<16xf32>
      %mul3A_300 = arith.constant 10 : i32
      %mul3A_301 = arith.muli %scan3A_215, %mul3A_300 : i32
      %add3A_302 = arith.constant 400 : i32
      %add3A_303 = arith.addi %add3A_302, %mul3A_301 : i32
      %add3A_304 = arith.constant 6 : i32
      %add3A_305 = arith.addi %add3A_303, %add3A_304 : i32
      %get3A_306 = arith.index_cast %rem3A_18 : i32 to index
      %get3A_307 = arith.index_cast %add3A_305 : i32 to index
      %get3A_308 = arith.constant 0 : index
      %get3A_309 = tpu.vector_load %arg6[%get3A_306, %get3A_307, %get3A_308] {strides = array<i32>} : memref<2x800x32xbf16, #tpu.memory_space<vmem>>, vector<32xbf16>,
      %unpack3A_310 = tpu.unpack_subelements %get3A_309, 0 {pack_format = #tpu.pack_format<interleaved>} : vector<32xbf16> -> vector<16xf32>
      %unpack3A_311 = tpu.unpack_subelements %get3A_309, 1 {pack_format = #tpu.pack_format<interleaved>} : vector<32xbf16> -> vector<16xf32>
      %add3A_312 = arith.addf %add3A_298, %unpack3A_310 : vector<16xf32>
      %add3A_313 = arith.addf %add3A_299, %unpack3A_311 : vector<16xf32>
      %mul3A_314 = arith.constant 10 : i32
      %mul3A_315 = arith.muli %scan3A_215, %mul3A_314 : i32
      %add3A_316 = arith.constant 400 : i32
      %add3A_317 = arith.addi %add3A_316, %mul3A_315 : i32
      %add3A_318 = arith.constant 7 : i32
      %add3A_319 = arith.addi %add3A_317, %add3A_318 : i32
      %get3A_320 = arith.index_cast %rem3A_18 : i32 to index
      %get3A_321 = arith.index_cast %add3A_319 : i32 to index
      %get3A_322 = arith.constant 0 : index
      %get3A_323 = tpu.vector_load %arg6[%get3A_320, %get3A_321, %get3A_322] {strides = array<i32>} : memref<2x800x32xbf16, #tpu.memory_space<vmem>>, vector<32xbf16>,
      %unpack3A_324 = tpu.unpack_subelements %get3A_323, 0 {pack_format = #tpu.pack_format<interleaved>} : vector<32xbf16> -> vector<16xf32>
      %unpack3A_325 = tpu.unpack_subelements %get3A_323, 1 {pack_format = #tpu.pack_format<interleaved>} : vector<32xbf16> -> vector<16xf32>
      %add3A_326 = arith.addf %add3A_312, %unpack3A_324 : vector<16xf32>
      %add3A_327 = arith.addf %add3A_313, %unpack3A_325 : vector<16xf32>
      %mul3A_328 = arith.constant 10 : i32
      %mul3A_329 = arith.muli %scan3A_215, %mul3A_328 : i32
      %add3A_330 = arith.constant 400 : i32
      %add3A_331 = arith.addi %add3A_330, %mul3A_329 : i32
      %add3A_332 = arith.constant 8 : i32
      %add3A_333 = arith.addi %add3A_331, %add3A_332 : i32
      %get3A_334 = arith.index_cast %rem3A_18 : i32 to index
      %get3A_335 = arith.index_cast %add3A_333 : i32 to index
      %get3A_336 = arith.constant 0 : index
      %get3A_337 = tpu.vector_load %arg6[%get3A_334, %get3A_335, %get3A_336] {strides = array<i32>} : memref<2x800x32xbf16, #tpu.memory_space<vmem>>, vector<32xbf16>,
      %unpack3A_338 = tpu.unpack_subelements %get3A_337, 0 {pack_format = #tpu.pack_format<interleaved>} : vector<32xbf16> -> vector<16xf32>
      %unpack3A_339 = tpu.unpack_subelements %get3A_337, 1 {pack_format = #tpu.pack_format<interleaved>} : vector<32xbf16> -> vector<16xf32>
      %add3A_340 = arith.addf %add3A_326, %unpack3A_338 : vector<16xf32>
      %add3A_341 = arith.addf %add3A_327, %unpack3A_339 : vector<16xf32>
      %mul3A_342 = arith.constant 10 : i32
      %mul3A_343 = arith.muli %scan3A_215, %mul3A_342 : i32
      %add3A_344 = arith.constant 400 : i32
      %add3A_345 = arith.addi %add3A_344, %mul3A_343 : i32
      %add3A_346 = arith.constant 9 : i32
      %add3A_347 = arith.addi %add3A_345, %add3A_346 : i32
      %get3A_348 = arith.index_cast %rem3A_18 : i32 to index
      %get3A_349 = arith.index_cast %add3A_347 : i32 to index
      %get3A_350 = arith.constant 0 : index
      %get3A_351 = tpu.vector_load %arg6[%get3A_348, %get3A_349, %get3A_350] {strides = array<i32>} : memref<2x800x32xbf16, #tpu.memory_space<vmem>>, vector<32xbf16>,
      %unpack3A_352 = tpu.unpack_subelements %get3A_351, 0 {pack_format = #tpu.pack_format<interleaved>} : vector<32xbf16> -> vector<16xf32>
      %unpack3A_353 = tpu.unpack_subelements %get3A_351, 1 {pack_format = #tpu.pack_format<interleaved>} : vector<32xbf16> -> vector<16xf32>
      %add3A_354 = arith.addf %add3A_340, %unpack3A_352 : vector<16xf32>
      %add3A_355 = arith.addf %add3A_341, %unpack3A_353 : vector<16xf32>
      scf.yield %add3A_354, %add3A_355 : vector<16xf32>, vector<16xf32>
    }
    %scan3A_190 = arith.constant 20 : i32
    %swap3A_191 = arith.constant 510 : i32
    %swap3A_192 = arith.index_cast %swap3A_191 : i32 to index
    %swap3A_193 = arith.constant 0 : index
    %swap3A_194 = tpu.vector_load %arg7[%swap3A_192, %swap3A_193] {strides = array<i32>} : memref<512x32xf32, #tpu.memory_space<vmem>>, vector<16xf32>,
    tpu.vector_store %arg7[%swap3A_192, %swap3A_193], %scan3A_189#0 {strides = array<i32>} : memref<512x32xf32, #tpu.memory_space<vmem>>, vector<16xf32>,
    %swap3A_195 = arith.constant 510 : i32
    %swap3A_196 = arith.index_cast %swap3A_195 : i32 to index
    %swap3A_197 = arith.constant 16 : index
    %swap3A_198 = tpu.vector_load %arg7[%swap3A_196, %swap3A_197] {strides = array<i32>} : memref<512x32xf32, #tpu.memory_space<vmem>>, vector<16xf32>,
    tpu.vector_store %arg7[%swap3A_196, %swap3A_197], %scan3A_189#1 {strides = array<i32>} : memref<512x32xf32, #tpu.memory_space<vmem>>, vector<16xf32>,
    %scan3A_199 = arith.constant 0 : i32
    %scan3A_200 = arith.constant 20 : i32
    %scan3A_201 = arith.addi %scan3A_199, %scan3A_200 : i32
    %scan3A_202 = arith.constant 1 : i32
    %scan3A_203:2 = scf.for %scan3A_215 = %scan3A_199 to %scan3A_201 step %scan3A_202 iter_args(%scan3A_216 = %broadcast_in_dim3A_11, %scan3A_217 = %broadcast_in_dim3A_11) -> (vector<16xf32>, vector<16xf32>)  : i32 {
      %mul3A_218 = arith.constant 10 : i32
      %mul3A_219 = arith.muli %scan3A_215, %mul3A_218 : i32
      %add3A_220 = arith.constant 600 : i32
      %add3A_221 = arith.addi %add3A_220, %mul3A_219 : i32
      %add3A_222 = arith.constant 0 : i32
      %add3A_223 = arith.addi %add3A_221, %add3A_222 : i32
      %get3A = arith.index_cast %rem3A_18 : i32 to index
      %get3A_224 = arith.index_cast %add3A_223 : i32 to index
      %get3A_225 = arith.constant 0 : index
      %get3A_226 = tpu.vector_load %arg6[%get3A, %get3A_224, %get3A_225] {strides = array<i32>} : memref<2x800x32xbf16, #tpu.memory_space<vmem>>, vector<32xbf16>,
      %unpack3A = tpu.unpack_subelements %get3A_226, 0 {pack_format = #tpu.pack_format<interleaved>} : vector<32xbf16> -> vector<16xf32>
      %unpack3A_227 = tpu.unpack_subelements %get3A_226, 1 {pack_format = #tpu.pack_format<interleaved>} : vector<32xbf16> -> vector<16xf32>
      %add3A_228 = arith.addf %scan3A_216, %unpack3A : vector<16xf32>
      %add3A_229 = arith.addf %scan3A_217, %unpack3A_227 : vector<16xf32>
      %mul3A_230 = arith.constant 10 : i32
      %mul3A_231 = arith.muli %scan3A_215, %mul3A_230 : i32
      %add3A_232 = arith.constant 600 : i32
      %add3A_233 = arith.addi %add3A_232, %mul3A_231 : i32
      %add3A_234 = arith.constant 1 : i32
      %add3A_235 = arith.addi %add3A_233, %add3A_234 : i32
      %get3A_236 = arith.index_cast %rem3A_18 : i32 to index
      %get3A_237 = arith.index_cast %add3A_235 : i32 to index
      %get3A_238 = arith.constant 0 : index
      %get3A_239 = tpu.vector_load %arg6[%get3A_236, %get3A_237, %get3A_238] {strides = array<i32>} : memref<2x800x32xbf16, #tpu.memory_space<vmem>>, vector<32xbf16>,
      %unpack3A_240 = tpu.unpack_subelements %get3A_239, 0 {pack_format = #tpu.pack_format<interleaved>} : vector<32xbf16> -> vector<16xf32>
      %unpack3A_241 = tpu.unpack_subelements %get3A_239, 1 {pack_format = #tpu.pack_format<interleaved>} : vector<32xbf16> -> vector<16xf32>
      %add3A_242 = arith.addf %add3A_228, %unpack3A_240 : vector<16xf32>
      %add3A_243 = arith.addf %add3A_229, %unpack3A_241 : vector<16xf32>
      %mul3A_244 = arith.constant 10 : i32
      %mul3A_245 = arith.muli %scan3A_215, %mul3A_244 : i32
      %add3A_246 = arith.constant 600 : i32
      %add3A_247 = arith.addi %add3A_246, %mul3A_245 : i32
      %add3A_248 = arith.constant 2 : i32
      %add3A_249 = arith.addi %add3A_247, %add3A_248 : i32
      %get3A_250 = arith.index_cast %rem3A_18 : i32 to index
      %get3A_251 = arith.index_cast %add3A_249 : i32 to index
      %get3A_252 = arith.constant 0 : index
      %get3A_253 = tpu.vector_load %arg6[%get3A_250, %get3A_251, %get3A_252] {strides = array<i32>} : memref<2x800x32xbf16, #tpu.memory_space<vmem>>, vector<32xbf16>,
      %unpack3A_254 = tpu.unpack_subelements %get3A_253, 0 {pack_format = #tpu.pack_format<interleaved>} : vector<32xbf16> -> vector<16xf32>
      %unpack3A_255 = tpu.unpack_subelements %get3A_253, 1 {pack_format = #tpu.pack_format<interleaved>} : vector<32xbf16> -> vector<16xf32>
      %add3A_256 = arith.addf %add3A_242, %unpack3A_254 : vector<16xf32>
      %add3A_257 = arith.addf %add3A_243, %unpack3A_255 : vector<16xf32>
      %mul3A_258 = arith.constant 10 : i32
      %mul3A_259 = arith.muli %scan3A_215, %mul3A_258 : i32
      %add3A_260 = arith.constant 600 : i32
      %add3A_261 = arith.addi %add3A_260, %mul3A_259 : i32
      %add3A_262 = arith.constant 3 : i32
      %add3A_263 = arith.addi %add3A_261, %add3A_262 : i32
      %get3A_264 = arith.index_cast %rem3A_18 : i32 to index
      %get3A_265 = arith.index_cast %add3A_263 : i32 to index
      %get3A_266 = arith.constant 0 : index
      %get3A_267 = tpu.vector_load %arg6[%get3A_264, %get3A_265, %get3A_266] {strides = array<i32>} : memref<2x800x32xbf16, #tpu.memory_space<vmem>>, vector<32xbf16>,
      %unpack3A_268 = tpu.unpack_subelements %get3A_267, 0 {pack_format = #tpu.pack_format<interleaved>} : vector<32xbf16> -> vector<16xf32>
      %unpack3A_269 = tpu.unpack_subelements %get3A_267, 1 {pack_format = #tpu.pack_format<interleaved>} : vector<32xbf16> -> vector<16xf32>
      %add3A_270 = arith.addf %add3A_256, %unpack3A_268 : vector<16xf32>
      %add3A_271 = arith.addf %add3A_257, %unpack3A_269 : vector<16xf32>
      %mul3A_272 = arith.constant 10 : i32
      %mul3A_273 = arith.muli %scan3A_215, %mul3A_272 : i32
      %add3A_274 = arith.constant 600 : i32
      %add3A_275 = arith.addi %add3A_274, %mul3A_273 : i32
      %add3A_276 = arith.constant 4 : i32
      %add3A_277 = arith.addi %add3A_275, %add3A_276 : i32
      %get3A_278 = arith.index_cast %rem3A_18 : i32 to index
      %get3A_279 = arith.index_cast %add3A_277 : i32 to index
      %get3A_280 = arith.constant 0 : index
      %get3A_281 = tpu.vector_load %arg6[%get3A_278, %get3A_279, %get3A_280] {strides = array<i32>} : memref<2x800x32xbf16, #tpu.memory_space<vmem>>, vector<32xbf16>,
      %unpack3A_282 = tpu.unpack_subelements %get3A_281, 0 {pack_format = #tpu.pack_format<interleaved>} : vector<32xbf16> -> vector<16xf32>
      %unpack3A_283 = tpu.unpack_subelements %get3A_281, 1 {pack_format = #tpu.pack_format<interleaved>} : vector<32xbf16> -> vector<16xf32>
      %add3A_284 = arith.addf %add3A_270, %unpack3A_282 : vector<16xf32>
      %add3A_285 = arith.addf %add3A_271, %unpack3A_283 : vector<16xf32>
      %mul3A_286 = arith.constant 10 : i32
      %mul3A_287 = arith.muli %scan3A_215, %mul3A_286 : i32
      %add3A_288 = arith.constant 600 : i32
      %add3A_289 = arith.addi %add3A_288, %mul3A_287 : i32
      %add3A_290 = arith.constant 5 : i32
      %add3A_291 = arith.addi %add3A_289, %add3A_290 : i32
      %get3A_292 = arith.index_cast %rem3A_18 : i32 to index
      %get3A_293 = arith.index_cast %add3A_291 : i32 to index
      %get3A_294 = arith.constant 0 : index
      %get3A_295 = tpu.vector_load %arg6[%get3A_292, %get3A_293, %get3A_294] {strides = array<i32>} : memref<2x800x32xbf16, #tpu.memory_space<vmem>>, vector<32xbf16>,
      %unpack3A_296 = tpu.unpack_subelements %get3A_295, 0 {pack_format = #tpu.pack_format<interleaved>} : vector<32xbf16> -> vector<16xf32>
      %unpack3A_297 = tpu.unpack_subelements %get3A_295, 1 {pack_format = #tpu.pack_format<interleaved>} : vector<32xbf16> -> vector<16xf32>
      %add3A_298 = arith.addf %add3A_284, %unpack3A_296 : vector<16xf32>
      %add3A_299 = arith.addf %add3A_285, %unpack3A_297 : vector<16xf32>
      %mul3A_300 = arith.constant 10 : i32
      %mul3A_301 = arith.muli %scan3A_215, %mul3A_300 : i32
      %add3A_302 = arith.constant 600 : i32
      %add3A_303 = arith.addi %add3A_302, %mul3A_301 : i32
      %add3A_304 = arith.constant 6 : i32
      %add3A_305 = arith.addi %add3A_303, %add3A_304 : i32
      %get3A_306 = arith.index_cast %rem3A_18 : i32 to index
      %get3A_307 = arith.index_cast %add3A_305 : i32 to index
      %get3A_308 = arith.constant 0 : index
      %get3A_309 = tpu.vector_load %arg6[%get3A_306, %get3A_307, %get3A_308] {strides = array<i32>} : memref<2x800x32xbf16, #tpu.memory_space<vmem>>, vector<32xbf16>,
      %unpack3A_310 = tpu.unpack_subelements %get3A_309, 0 {pack_format = #tpu.pack_format<interleaved>} : vector<32xbf16> -> vector<16xf32>
      %unpack3A_311 = tpu.unpack_subelements %get3A_309, 1 {pack_format = #tpu.pack_format<interleaved>} : vector<32xbf16> -> vector<16xf32>
      %add3A_312 = arith.addf %add3A_298, %unpack3A_310 : vector<16xf32>
      %add3A_313 = arith.addf %add3A_299, %unpack3A_311 : vector<16xf32>
      %mul3A_314 = arith.constant 10 : i32
      %mul3A_315 = arith.muli %scan3A_215, %mul3A_314 : i32
      %add3A_316 = arith.constant 600 : i32
      %add3A_317 = arith.addi %add3A_316, %mul3A_315 : i32
      %add3A_318 = arith.constant 7 : i32
      %add3A_319 = arith.addi %add3A_317, %add3A_318 : i32
      %get3A_320 = arith.index_cast %rem3A_18 : i32 to index
      %get3A_321 = arith.index_cast %add3A_319 : i32 to index
      %get3A_322 = arith.constant 0 : index
      %get3A_323 = tpu.vector_load %arg6[%get3A_320, %get3A_321, %get3A_322] {strides = array<i32>} : memref<2x800x32xbf16, #tpu.memory_space<vmem>>, vector<32xbf16>,
      %unpack3A_324 = tpu.unpack_subelements %get3A_323, 0 {pack_format = #tpu.pack_format<interleaved>} : vector<32xbf16> -> vector<16xf32>
      %unpack3A_325 = tpu.unpack_subelements %get3A_323, 1 {pack_format = #tpu.pack_format<interleaved>} : vector<32xbf16> -> vector<16xf32>
      %add3A_326 = arith.addf %add3A_312, %unpack3A_324 : vector<16xf32>
      %add3A_327 = arith.addf %add3A_313, %unpack3A_325 : vector<16xf32>
      %mul3A_328 = arith.constant 10 : i32
      %mul3A_329 = arith.muli %scan3A_215, %mul3A_328 : i32
      %add3A_330 = arith.constant 600 : i32
      %add3A_331 = arith.addi %add3A_330, %mul3A_329 : i32
      %add3A_332 = arith.constant 8 : i32
      %add3A_333 = arith.addi %add3A_331, %add3A_332 : i32
      %get3A_334 = arith.index_cast %rem3A_18 : i32 to index
      %get3A_335 = arith.index_cast %add3A_333 : i32 to index
      %get3A_336 = arith.constant 0 : index
      %get3A_337 = tpu.vector_load %arg6[%get3A_334, %get3A_335, %get3A_336] {strides = array<i32>} : memref<2x800x32xbf16, #tpu.memory_space<vmem>>, vector<32xbf16>,
      %unpack3A_338 = tpu.unpack_subelements %get3A_337, 0 {pack_format = #tpu.pack_format<interleaved>} : vector<32xbf16> -> vector<16xf32>
      %unpack3A_339 = tpu.unpack_subelements %get3A_337, 1 {pack_format = #tpu.pack_format<interleaved>} : vector<32xbf16> -> vector<16xf32>
      %add3A_340 = arith.addf %add3A_326, %unpack3A_338 : vector<16xf32>
      %add3A_341 = arith.addf %add3A_327, %unpack3A_339 : vector<16xf32>
      %mul3A_342 = arith.constant 10 : i32
      %mul3A_343 = arith.muli %scan3A_215, %mul3A_342 : i32
      %add3A_344 = arith.constant 600 : i32
      %add3A_345 = arith.addi %add3A_344, %mul3A_343 : i32
      %add3A_346 = arith.constant 9 : i32
      %add3A_347 = arith.addi %add3A_345, %add3A_346 : i32
      %get3A_348 = arith.index_cast %rem3A_18 : i32 to index
      %get3A_349 = arith.index_cast %add3A_347 : i32 to index
      %get3A_350 = arith.constant 0 : index
      %get3A_351 = tpu.vector_load %arg6[%get3A_348, %get3A_349, %get3A_350] {strides = array<i32>} : memref<2x800x32xbf16, #tpu.memory_space<vmem>>, vector<32xbf16>,
      %unpack3A_352 = tpu.unpack_subelements %get3A_351, 0 {pack_format = #tpu.pack_format<interleaved>} : vector<32xbf16> -> vector<16xf32>
      %unpack3A_353 = tpu.unpack_subelements %get3A_351, 1 {pack_format = #tpu.pack_format<interleaved>} : vector<32xbf16> -> vector<16xf32>
      %add3A_354 = arith.addf %add3A_340, %unpack3A_352 : vector<16xf32>
      %add3A_355 = arith.addf %add3A_341, %unpack3A_353 : vector<16xf32>
      scf.yield %add3A_354, %add3A_355 : vector<16xf32>, vector<16xf32>
    }
    %scan3A_204 = arith.constant 20 : i32
    %swap3A_205 = arith.constant 511 : i32
    %swap3A_206 = arith.index_cast %swap3A_205 : i32 to index
    %swap3A_207 = arith.constant 0 : index
    %swap3A_208 = tpu.vector_load %arg7[%swap3A_206, %swap3A_207] {strides = array<i32>} : memref<512x32xf32, #tpu.memory_space<vmem>>, vector<16xf32>,
    tpu.vector_store %arg7[%swap3A_206, %swap3A_207], %scan3A_203#0 {strides = array<i32>} : memref<512x32xf32, #tpu.memory_space<vmem>>, vector<16xf32>,
    %swap3A_209 = arith.constant 511 : i32
    %swap3A_210 = arith.index_cast %swap3A_209 : i32 to index
    %swap3A_211 = arith.constant 16 : index
    %swap3A_212 = tpu.vector_load %arg7[%swap3A_210, %swap3A_211] {strides = array<i32>} : memref<512x32xf32, #tpu.memory_space<vmem>>, vector<16xf32>,
    tpu.vector_store %arg7[%swap3A_210, %swap3A_211], %scan3A_203#1 {strides = array<i32>} : memref<512x32xf32, #tpu.memory_space<vmem>>, vector<16xf32>,
    %mul3A_213 = arith.constant 512 : i32
    %mul3A_214 = arith.muli %add3A, %mul3A_213 : i32
    "tpu.region"() ({
      %run_scoped3A = tpu.sem_alloc : memref<!tpu.dma_semaphore, #tpu.memory_space<semaphore_mem>>
      %dma_start3A_215 = arith.constant 0 : i32
      %dma_start3A_216 = tpu.memref_slice %arg4[%mul3A_214, %dma_start3A_215] : memref<16384x32xf32, #tpu.memory_space<hbm>> -> memref<512x32xf32, #tpu.memory_space<hbm>>
      %dma_start3A_217 = arith.constant 0 : i32
      %dma_start3A_218 = tpu.memref_slice %arg4[%mul3A_214, %dma_start3A_217] : memref<16384x32xf32, #tpu.memory_space<hbm>> -> memref<512x32xf32, #tpu.memory_space<hbm>>
      tpu.enqueue_dma source(%arg7 : memref<512x32xf32, #tpu.memory_space<vmem>>) target(%dma_start3A_218 : memref<512x32xf32, #tpu.memory_space<hbm>>) target_semaphore(%run_scoped3A : memref<!tpu.dma_semaphore, #tpu.memory_space<semaphore_mem>>)
      %dma_wait3A_219 = arith.constant 0 : i32
      %dma_wait3A_220 = tpu.memref_slice %arg4[%mul3A_214, %dma_wait3A_219] : memref<16384x32xf32, #tpu.memory_space<hbm>> -> memref<512x32xf32, #tpu.memory_space<hbm>>
      %dma_wait3A_221 = arith.constant 0 : i32
      %dma_wait3A_222 = tpu.memref_slice %arg4[%mul3A_214, %dma_wait3A_221] : memref<16384x32xf32, #tpu.memory_space<hbm>> -> memref<512x32xf32, #tpu.memory_space<hbm>>
      tpu.wait_dma2 semaphore(%run_scoped3A : memref<!tpu.dma_semaphore, #tpu.memory_space<semaphore_mem>>) src(%arg7 : memref<512x32xf32, #tpu.memory_space<vmem>>) dst(%dma_wait3A_222 : memref<512x32xf32, #tpu.memory_space<hbm>>)
      tpu.yield
    }) : () -> ()
    return
  }
}

module attributes {stable_mosaic.version = 14 : i64} {
  func.func @_tc_body(%arg0: i32, %arg1: memref<2048x32xf32, #tpu.memory_space<vmem>>, %arg2: memref<32x32xf32, #tpu.memory_space<vmem>>, %arg3: memref<1x32xf32, #tpu.memory_space<vmem>>, %arg4: memref<2048x32xf32, #tpu.memory_space<vmem>>) attributes {dimension_semantics = [#tpu.dimension_semantics<arbitrary>], iteration_bounds = array<i64: 8>, scalar_prefetch = 0 : i64, scratch_operands = 0 : i64, tpu.core_type = #tpu.core_type<tc>, window_params = [{transform_indices = @transform_0, window_bounds = array<i64: 2048, 32>}, {pipeline_mode = #tpu.pipeline_mode<synchronous>, transform_indices = @transform_1, window_bounds = array<i64: 32, 32>}, {pipeline_mode = #tpu.pipeline_mode<synchronous>, transform_indices = @transform_2, window_bounds = array<i64: 1, 32>}, {transform_indices = @transform_3, window_bounds = array<i64: 2048, 32>}]} {
    %get3A = arith.constant 0 : index
    %get3A_0 = arith.constant 0 : index
    %get3A_1 = vector.load %arg1[%get3A, %get3A_0] : memref<2048x32xf32, #tpu.memory_space<vmem>>, vector<2048x32xf32>
    %get3A_2 = arith.constant 0 : index
    %get3A_3 = arith.constant 0 : index
    %get3A_4 = vector.load %arg2[%get3A_2, %get3A_3] : memref<32x32xf32, #tpu.memory_space<vmem>>, vector<32x32xf32>
    %dot_general3A = arith.constant dense<0.000000e+00> : vector<2048x32xf32>
    %dot_general3A_5 = tpu.matmul %get3A_1, %get3A_4, %dot_general3A {dimension_numbers = #tpu.dot_dimension_numbers<[1], [0], [0], [1], [0, 0, 1, 1], [], []>, transpose_lhs_hint = false} : vector<2048x32xf32>, vector<32x32xf32>, vector<2048x32xf32> -> vector<2048x32xf32>
    %mul3A = arith.constant 5.000000e-03 : f32
    %mul3A_6 = vector.broadcast %mul3A : f32 to vector<2048x32xf32>
    %mul3A_7 = arith.mulf %dot_general3A_5, %mul3A_6 : vector<2048x32xf32>
    %get3A_8 = arith.constant 0 : index
    %get3A_9 = arith.constant 0 : index
    %get3A_10 = vector.load %arg3[%get3A_8, %get3A_9] : memref<1x32xf32, #tpu.memory_space<vmem>>, vector<1x32xf32>
    %add3A = vector.broadcast %get3A_10 : vector<1x32xf32> to vector<2048x32xf32>
    %add3A_11 = arith.addf %mul3A_7, %add3A : vector<2048x32xf32>
    %swap3A = arith.constant 0 : index
    %swap3A_12 = arith.constant 0 : index
    %swap3A_13 = vector.load %arg4[%swap3A, %swap3A_12] : memref<2048x32xf32, #tpu.memory_space<vmem>>, vector<2048x32xf32>
    tpu.vector_store %arg4[%swap3A, %swap3A_12], %add3A_11 {strides = array<i32>} : memref<2048x32xf32, #tpu.memory_space<vmem>>, vector<2048x32xf32>,
    return
  }
  func.func @transform_0(%arg0: i32) -> (i32, i32) {
    %c0_i32 = arith.constant 0 : i32
    %c0_i32_0 = arith.constant 0 : i32
    return %arg0, %c0_i32 : i32, i32
  }
  func.func @transform_1(%arg0: i32) -> (i32, i32) {
    %c0_i32 = arith.constant 0 : i32
    %c0_i32_0 = arith.constant 0 : i32
    %c0_i32_1 = arith.constant 0 : i32
    return %c0_i32, %c0_i32_0 : i32, i32
  }
  func.func @transform_2(%arg0: i32) -> (i32, i32) {
    %c0_i32 = arith.constant 0 : i32
    %c0_i32_0 = arith.constant 0 : i32
    %c0_i32_1 = arith.constant 0 : i32
    return %c0_i32, %c0_i32_0 : i32, i32
  }
  func.func @transform_3(%arg0: i32) -> (i32, i32) {
    %c0_i32 = arith.constant 0 : i32
    %c0_i32_0 = arith.constant 0 : i32
    return %arg0, %c0_i32 : i32, i32
  }
}

</mosaic_0001>

<sc_bundles>
// kernel: kernel.4.cloned.1.call-start
scs
__scs_entry_jumppad:
0x0: {  	(pc) =	sbr.rel $0x88, $3  }
0x1: {  	(tag) =	ssettag $0x0;
	lr =	simm.s32 $0x1  }
0x2: {  	[smem:$0x3F9D] =	sst lr;
	_ =	strace $0xD0000000  }
0x3: {  	_ = 	snop  }
0x4: {  	_ = 	snop  }
0x5: {  	_ = 	snop  }
0x6: {  	_ = 	snop  }
0x7: {  	_ = 	snop  }
__scs_overlays_trampoline_lowered:
0x8: {  	[smem:$0x3FAC] =	sst s0  }
0x9: {  	[smem:$0x3FAD] =	sst s1  }
0xa: {  	[smem:$0x3FAE] =	sst s2  }
0xb: {  	[smem:$0x3FAF] =	sst s3  }
0xc: {  	[smem:$0x3FB0] =	sst s4  }
0xd: {  	[smem:$0x3FB1] =	sst s5  }
0xe: {  	[smem:$0x3FB2] =	sst s6  }
0xf: {  	[smem:$0x3FB3] =	sst s7  }
0x10: {  	[smem:$0x3FB4] =	sst s8  }
0x11: {  	[smem:$0x3FB5] =	sst s9;
	s0 =	simm.s32 @!p0 $0x0  }
0x12: {  	s1 =	sld [smem:$0x3F9B];
	s0 =	simm.s32 @p0 $0x1  }
0x13: {  	[smem:$0x3FB6] =	sst s0;
	s0 =	simm.s32 @!p1 $0x0  }
0x14: {  	s2 =	sld [smem:$0x3F9A];
	s0 =	simm.s32 @p1 $0x1  }
0x15: {  	[smem:$0x3FB7] =	sst s0;
	s0 =	simm.s32 @!p2 $0x0  }
0x16: {  	s3 =	sld [smem:$0x3FDB];
	s0 =	simm.s32 @p2 $0x1  }
0x17: {  	s4 =	simm.s32 $0x1BF5;
	[smem:$0x3FB9] =	sst s0  }
0x18: {  	s0 =	sld [smem:$0x3F9C];
	_ =	swait.ge [sflag:s4], $0x0  }
0x19: {  	s7 =	sld [smem:$0x3F9D]  }
0x1a: {  	s8 =	sadd.s32 $0xFFFFE003, lr  }
0x1b: {  	s9 =	sadd.s32 $0xFFFFFEF7, lr;
	s5 =	simm.s32 $0xFFFFFFFF;
	p2 =	slt.u32 s8, $0xFFFFF086  }
0x1c: {  	p1 =	slt.u32 s9, $0xF7A;
	s5 =	simm.s32 @!p2 $0x0  }
0x1d: {  	s5 =	simm.s32 @p1 $0x1;
	p0 =	seq.s32 s7, s2  }
0x1e: {  	s7 =	smul.u32 @!p0 $0xF7A, s2;
	p2 =	seq.s32 @!p0 s5, $0x0  }
0x1f: {  	s9 =	smul.u32 $0xF7A, s1;
	s8 =	simm.s32 @!p0 $0x1BF5;
	p2 =	por !p2, p0  }
0x20: {  	[sflag:s8] =	ssyncset.s32 @!p0 $0xFFFFF086;
	s6 =	sadd.s32 @!p0 s3, s7;
	s7 =	simm.s32 @!p0 $0x108  }
0x21: {  	s3 =	sadd.s32 s3, s9;
	s6 =	sadd.s32 @!p0 $0x88, s6;
	s7 =	simm.s32 @p2 $0x1082  }
0x22: {  	[simem:s7], [sflag:s8] =	dma.local @!p0 [hbm:s6], $0xF7A  }
0x23: {  	s9 =	sor.u32 $0xD0000000, s2;
	s6 =	simm.s32 $0x108;
	_ =	swait.ge @!p0 [sflag:s8], $0x0  }
0x24: {  	s3 =	sadd.s32 $0x88, s3;
	s6 =	simm.s32 @!p1 $0x1082;
	[sflag:s4] =	ssyncset.s32 $0xFFFFF086  }
0x25: {  	[simem:s6], [sflag:s4] =	dma.local [hbm:s3], $0xF7A  }
0x26: {  	[smem:$0x3F9D] =	sst s1;
	(tag) =	ssettag s2;
	_ =	strace s9  }
0x27: {  	s1 =	sld [smem:$0x3FAD]  }
0x28: {  	s2 =	sld [smem:$0x3FAE]  }
0x29: {  	s4 =	sld [smem:$0x3FB0]  }
0x2a: {  	p0 =	seq.s32 s5, $0x0;
	s5 =	sld [smem:$0x3FB1]  }
0x2b: {  	s6 =	sld [smem:$0x3FB2]  }
0x2c: {  	s7 =	sld [smem:$0x3FB3]  }
0x2d: {  	s3 =	simm.s32 $0x108;
	s8 =	sld [smem:$0x3FB4]  }
0x2e: {  	s3 =	simm.s32 @!p0 $0x1082;
	s9 =	sld [smem:$0x3FB5]  }
0x2f: {  	lr =	sadd.s32 s0, s3;
	s0 =	sld [smem:$0x3FAC]  }
0x30: {  	s3 =	sld [smem:$0x3FAF]  }
0x31: {  	[smem:$0x3FB8] =	sst s10  }
0x32: {  	s10 =	sld [smem:$0x3FB6];
	_ =	sdelay $0x3  }
0x33: {  	p0 =	seq.s32 s10, $0x1;
	s10 =	sld [smem:$0x3FB8];
	_ =	sdelay $0x3  }
0x34: {  	[smem:$0x3FB8] =	sst s10  }
0x35: {  	s10 =	sld [smem:$0x3FB7];
	_ =	sdelay $0x3  }
0x36: {  	p1 =	seq.s32 s10, $0x1;
	s10 =	sld [smem:$0x3FB8];
	_ =	sdelay $0x3  }
0x37: {  	[smem:$0x3FB8] =	sst s10  }
0x38: {  	s10 =	sld [smem:$0x3FB9]  }
0x39: {  	_ = 	snop;
	(pc) =	sbr.ind lr, $3  }
0x3a: {  	_ = 	snop  }
0x3b: {  	_ = 	snop  }
0x3c: {  	p2 =	seq.s32 s10, $0x1;
	s10 =	sld [smem:$0x3FB8]  }
0x3d: {  	_ =	shalt  }
0x3e: {  	_ =	shalt  }
0x3f: {  	_ =	shalt  }
0x40: {  	_ =	shalt  }
0x41: {  	_ =	shalt  }
0x42: {  	_ =	shalt  }
0x43: {  	_ =	shalt  }
0x44: {  	_ =	shalt  }
0x45: {  	_ =	shalt  }
0x46: {  	_ =	shalt  }
0x47: {  	_ =	shalt  }
0x48: {  	_ =	shalt  }
0x49: {  	_ =	shalt  }
0x4a: {  	_ =	shalt  }
0x4b: {  	_ =	shalt  }
0x4c: {  	_ =	shalt  }
0x4d: {  	_ =	shalt  }
0x4e: {  	_ =	shalt  }
0x4f: {  	_ =	shalt  }
0x50: {  	_ =	shalt  }
0x51: {  	_ =	shalt  }
0x52: {  	_ =	shalt  }
0x53: {  	_ =	shalt  }
0x54: {  	_ =	shalt  }
0x55: {  	_ =	shalt  }
0x56: {  	_ =	shalt  }
0x57: {  	_ =	shalt  }
0x58: {  	_ =	shalt  }
0x59: {  	_ =	shalt  }
0x5a: {  	_ =	shalt  }
0x5b: {  	_ =	shalt  }
0x5c: {  	_ =	shalt  }
0x5d: {  	_ =	shalt  }
0x5e: {  	_ =	shalt  }
0x5f: {  	_ =	shalt  }
0x60: {  	_ =	shalt  }
0x61: {  	_ =	shalt  }
0x62: {  	_ =	shalt  }
0x63: {  	_ =	shalt  }
0x64: {  	_ =	shalt  }
0x65: {  	_ =	shalt  }
0x66: {  	_ =	shalt  }
0x67: {  	_ =	shalt  }
0x68: {  	_ =	shalt  }
0x69: {  	_ =	shalt  }
0x6a: {  	_ =	shalt  }
0x6b: {  	_ =	shalt  }
0x6c: {  	_ =	shalt  }
0x6d: {  	_ =	shalt  }
0x6e: {  	_ =	shalt  }
0x6f: {  	_ =	shalt  }
0x70: {  	_ =	shalt  }
0x71: {  	_ =	shalt  }
0x72: {  	_ =	shalt  }
0x73: {  	_ =	shalt  }
0x74: {  	_ =	shalt  }
0x75: {  	_ =	shalt  }
0x76: {  	_ =	shalt  }
0x77: {  	_ =	shalt  }
0x78: {  	_ =	shalt  }
0x79: {  	_ =	shalt  }
0x7a: {  	_ =	shalt  }
0x7b: {  	_ =	shalt  }
0x7c: {  	_ =	shalt  }
0x7d: {  	_ =	shalt  }
0x7e: {  	_ =	shalt  }
0x7f: {  	_ =	shalt  }
0x80: {  	_ =	shalt  }
0x81: {  	_ =	shalt  }
0x82: {  	_ =	shalt  }
0x83: {  	_ =	shalt  }
0x84: {  	_ =	shalt  }
0x85: {  	_ =	shalt  }
0x86: {  	_ =	shalt  }
0x87: {  	_ =	shalt  }
.Lfunc_end0:
.L_simem_size_0:
called_computation.2_lowered:
.L_overlay_start_0:
0x88: {  	s2 =	sld [smem:$0x3FD9]  }
0x89: {  	s3 =	sld [smem:$0x3FFE];
	_ =	sdelay $0x1  }
0x8a: {  	s1 =	srdreg.scid  }
0x8b: {  	s0 =	sand.u32 $0x1, s1  }
0x8c: {  	s17 =	sshll.u32 s0, $0xA;
	s2 =	sadd.s32 s3, s2  }
0x8d: {  	s2 =	sadd.s32 s2, s17  }
0x8e: {  	[smem:$0x3FC4] =	sst s2  }
0x8f: {  	_ = 	snop  }
0x90: {  	s2 =	sld [smem:$0x3FD0];
	(tm) =	ssettm $0x1  }
0x91: {  	s18 =	sld [smem:$0x3FFB];
	_ =	sdelay $0x3  }
0x92: {  	_ =	strace s18  }
0x93: {  	s3 =	sld [smem:$0x3FFC];
	_ =	sdelay $0x3  }
0x94: {  	_ =	strace s3  }
0x95: {  	s3 =	sld [smem:$0x3FFD];
	_ =	sdelay $0x3  }
0x96: {  	_ =	strace s3  }
0x97: {  	_ =	strace $0x8FFFFFFF  }
0x98: {  	s19 =	sld [smem:$0x3FDB];
	_ =	sdelay $0x1  }
0x99: {  	s4 =	simm.s32 $_scs_section_size  }
0x9a: {  	s5 =	simm.s32 $_size__tile_overlayer_lowered;
	s6 =	simm.s32 $_tile_overlayer_lowered  }
0x9b: {  	s22 =	simm.s32 $0x1BFF;
	s21 =	sshll.u32 s6, $0x1;
	s3 =	sadd.s32 s4, s19  }
0x9c: {  	s7 =	simm.s32 $0x0;
	s20 =	sshll.u32 s5, $0x1;
	s5 =	sadd.s32 s21, s3  }
0x9d: {  	[timem:s7], [sflag:s22] =	dma.local [hbm:s5], s20  }
0x9e: {  	_ =	swait.ge [sflag:s22], s20  }
0x9f: {  	s4 =	ssub.s32 $0x0, s20;
	[sflag:s22] =	ssyncset.done $0x0  }
0xa0: {  	[sflag:s22] =	ssyncadd.s32 s4;
	_ =	sdelay $0x1  }
0xa1: {  	s23 =	simm.s32 $0x1B8B  }
0xa2: {  	_ =	swait.ge [sflag:s23], $0x1  }
0xa3: {  	[sflag:s23] =	ssyncset.done $0x0  }
0xa4: {  	s25 =	simm.s32 $0x1B8E;
	s24 =	sld [smem:$0x3FFE];
	[sflag:s23] =	ssyncadd.s32 $0xFFFFFFFF  }
0xa5: {  	s26 =	simm.s32 $execute0_lowered;
	[smem:$0x3FD2] =	sst s25  }
0xa6: {  	s5 =	sshll.u32 s26, $0x1;
	_ =	strace $0x8000004C;
	[dreg:$0x1] =	wrdreg $0xFFFFFFFF  }
0xa7: {  	s28 =	simm.s32 $_size_execute0_lowered;
	s3 =	sadd.s32 s3, s5;
	[dreg:$0x0] =	wrdreg $0x0  }
0xa8: {  	s5 =	sshll.u32 s28, $0x1;
	[dreg:$0x2] =	wrdreg s3  }
0xa9: {  	[dreg:$0x3] =	wrdreg s5  }
0xaa: {  	[dreg:$0x4] =	wrdreg $0xC0  }
0xab: {  	_ =	task [dreg:s7], $0x5FFFF  }
0xac: {  	[dreg:$0x1] =	wrdreg $0xFFFFFFFF  }
0xad: {  	[dreg:$0x0] =	wrdreg $0x60  }
0xae: {  	[dreg:$0x2] =	wrdreg s24  }
0xaf: {  	[dreg:$0x3] =	wrdreg s2  }
0xb0: {  	[dreg:$0x4] =	wrdreg $0x9  }
0xb1: {  	_ =	task.clear_ibuf [dreg:s7], $0x5FFFF;
	_ =	strace $0x9000004C  }
0xb2: {  	s29 =	simm.s32 $0x9;
	_ =	strace $0x8000004E  }
0xb3: {  	_ =	swait.ge [sflag:s29], $0x1  }
0xb4: {  	[sflag:s29] =	ssyncadd.s32 $0xFFFFFFFF  }
0xb5: {  	_ =	strace $0x9000004E  }
0xb6: {  	_ =	sfence  }
0xb7: {  	s30 =	sld [smem:$0x0];
	_ =	sdelay $0x2  }
0xb8: {  	s31 =	sshll.u32 s1, $0xD;
	s1 =	sshrl.u32 s1, $0x2  }
0xb9: {  	s3 =	sand.u32 $0x4000, s31;
	s1 =	sadd.s32 s1, s30  }
0xba: {  	s0 =	sor.u32 s3, s0;
	s1 =	sshll.u32 s1, $0x11  }
0xbb: {  	s0 =	sor.u32 s1, s0  }
0xbc: {  	s0 =	sadd.s32 $0x8F2B, s0  }
0xbd: {  	[sflag:s0] =	ssyncadd.remote.s32 $0x1  }
0xbe: {  	_ =	sfence.sel $0xFFFF  }
0xbf: {  	[dreg:$0x0] =	wrdreg $0xFFFFFFFF;
	(pc) =	sbr.abs _section_cstart, $3  }
0xc0: {  	[dreg:$0x1] =	wrdreg $0xFFFFFFFF  }
0xc1: {  	_ =	task.clear_ibuf [dreg:s7], $0x2FFFF;
	_ =	strace $0x9FFFFFFF  }
0xc2: {  	(tm) =	ssettm $0x7FFFFFFF  }
0xc3: {  	_ =	shalt  }
tec
execute0_lowered:
.L_overlay_start_1:
0x0: {  	(tag) =	ssettag $0x1  }
0x1: {  	s5 =	rddreg [dreg:$0x0]  }
0x2: {  	s7 =	rddreg [dreg:$0x1]  }
0x3: {  	s1 =	srdreg.scid;
	s0 =	rddreg [dreg:$0x2]  }
0x4: {  	s2 =	simm.s32 $0x0;
	s11 =	simm.s32 $0x2;
	s12 =	simm.s32 $0x6D60  }
0x5: {  	s13 =	simm.s32 $0x3;
	s14 =	simm.s32 $0x0;
	s3 =	sand.u32 $0x1, s1  }
0x6: {  	s1 =	stileid.u32;
	[smem:$0x7FF] =	sst s2;
	s4 =	sshll.u32 s3, $0x4  }
0x7: {  	_ =	strace $0x8000004D;
	s8 =	ssub.s32 $0x2, s3;
	s6 =	sor.u32 s1, s4  }
0x8: {  	s4 =	sadd.s32 $0x1200, s5;
	s9 =	sshrl.u32 s8, $0x1;
	s3 =	smul.u32 $0x19000, s6  }
0x9: {  	s5 =	sadd.s32 $0x3D1E00, s5;
	s8 =	ssub.s32 s8, s9;
	s10 =	sshll.u32 s6, $0xB  }
0xa: {  	s9 =	simm.s32 $0x1;
	s7 =	sadd.s32 s7, s10;
	s31 =	sshrl.u32 s3, $0x3  }
0xb: {  	s8 =	smax.u32 s8, $0x1;
	s10 =	simm.s32 $0x50;
	s6 =	sadd.s32 s5, s31  }
.LBB2_1:
.Ltmp0:
0xc: {  	(pc) =	sbr.rel .LBB2_2-.Ltmp0, $3  }
0xd: {  	_ =	sdelay $0x1  }
0xe: {  	[tilespmem:s2], [sflag:$0x1] =	stream.linear.gather [hbm4b:s6+s2], $0x320, $0x38;
	[tilespmem:$0xAD60] =	vst v63  }
0xf: {  	s17 =	simm.s32 $0x0  }
.LBB2_12:
0x10: {  	p0 =	sne.s32 s15, $0x80  }
.Ltmp1:
0x11: {  	_ = 	snop;
	(pc) =	sbr.rel @!p0 .LBB2_13-.Ltmp1, $2  }
0x12: {  	_ =	sdelay $0x2  }
0x13: {  	s17 =	smov.u32 s15  }
.LBB2_2:
0x14: {  	s15 =	smul.u32 $0xAB, s17;
	_ =	sdelay $0x1  }
0x15: {  	s15 =	sshrl.u32 s15, $0x9  }
0x16: {  	s15 =	sand.u32 $0x7F, s15  }
0x17: {  	s15 =	smul.u32 $0x3, s15;
	_ =	sdelay $0x1  }
0x18: {  	s15 =	ssub.s32 s17, s15  }
0x19: {  	_ =	swait.ge [sflag:s9], $0x320;
	s16 =	sand.u32 $0x1, s17;
	s15 =	sand.u32 $0xFF, s15  }
0x1a: {  	p0 =	seq.s32 s16, $0x1;
	s16 =	simm.s32 $0x3200;
	s15 =	smul.u32 $0xC80, s15  }
0x1b: {  	[sflag:s9] =	ssyncset.done $0x0;
	s16 =	simm.s32 @!p0 $0x0  }
0x1c: {  	[sflag:s9] =	ssyncadd.s32 $0xFFFFFCE0;
	s18 =	sor.u32 $0x960, s16;
	s19 =	sshrl.u32 s15, $0x2  }
0x1d: {  	[tilespmem:s18], [sflag:$0x2] =	stream.indirect.gather [hbm4b:s4+s10], $0x10, s19, s10, $0xb8;
	[tilespmem:$0xAD60] =	vst v63  }
0x1e: {  	s28 =	sadd.s32 $0xE60, s16;
	s29 =	sadd.s32 $0x50, s19  }
0x1f: {  	[tilespmem:s28], [sflag:$0x2] =	stream.indirect.gather [hbm4b:s4+s10], $0x10, s29, s10, $0xb8;
	[tilespmem:$0xAD60] =	vst v63  }
0x20: {  	s30 =	sadd.s32 $0x1360, s16;
	s31 =	sadd.s32 $0xA0, s19  }
0x21: {  	[tilespmem:s30], [sflag:$0x2] =	stream.indirect.gather [hbm4b:s4+s10], $0x10, s31, s10, $0xb8;
	[tilespmem:$0xAD60] =	vst v63  }
0x22: {  	s20 =	sadd.s32 $0x1860, s16;
	s21 =	sadd.s32 $0xF0, s19  }
0x23: {  	[tilespmem:s20], [sflag:$0x2] =	stream.indirect.gather [hbm4b:s4+s10], $0x10, s21, s10, $0xb8;
	[tilespmem:$0xAD60] =	vst v63  }
0x24: {  	p0 =	seq.s32 s17, $0x7F;
	s22 =	sadd.s32 $0x1D60, s16;
	s23 =	sadd.s32 $0x140, s19  }
0x25: {  	[tilespmem:s22], [sflag:$0x2] =	stream.indirect.gather [hbm4b:s4+s10], $0x10, s23, s10, $0xb8;
	[tilespmem:$0xAD60] =	vst v63  }
0x26: {  	s24 =	sadd.s32 $0x2260, s16;
	s15 =	sadd.s32 $0x1, s17;
	s25 =	sadd.s32 $0x190, s19  }
0x27: {  	[tilespmem:s24], [sflag:$0x2] =	stream.indirect.gather [hbm4b:s4+s10], $0x10, s25, s10, $0xb8;
	[tilespmem:$0xAD60] =	vst v63  }
0x28: {  	s26 =	sadd.s32 $0x2760, s16;
	s28 =	sadd.s32 $0x1E0, s19;
	s21 =	smul.u32 @!p0 $0xAB, s15  }
0x29: {  	[tilespmem:s26], [sflag:$0x2] =	stream.indirect.gather [hbm4b:s4+s10], $0x10, s28, s10, $0xb8;
	[tilespmem:$0xAD60] =	vst v63  }
0x2a: {  	s29 =	sadd.s32 $0x2C60, s16;
	s30 =	sadd.s32 $0x230, s19;
	s18 =	sshrl.u32 @!p0 s21, $0x9  }
0x2b: {  	[tilespmem:s29], [sflag:$0x2] =	stream.indirect.gather [hbm4b:s4+s10], $0x10, s30, s10, $0xb8;
	[tilespmem:$0xAD60] =	vst v63  }
0x2c: {  	s31 =	sadd.s32 $0x3160, s16;
	s20 =	sadd.s32 $0x280, s19;
	s18 =	sand.u32 @!p0 $0x7F, s18  }
0x2d: {  	[tilespmem:s31], [sflag:$0x2] =	stream.indirect.gather [hbm4b:s4+s10], $0x10, s20, s10, $0xb8;
	[tilespmem:$0xAD60] =	vst v63  }
0x2e: {  	s16 =	sadd.s32 $0x3660, s16;
	s19 =	sadd.s32 $0x2D0, s19;
	s18 =	smul.u32 @!p0 $0x3, s18  }
0x2f: {  	[tilespmem:s16], [sflag:$0x2] =	stream.indirect.gather [hbm4b:s4+s10], $0x10, s19, s10, $0xb8;
	[tilespmem:$0xAD60] =	vst v63  }
0x30: {  	s16 =	ssub.s32 @!p0 s15, s18;
	s18 =	smul.u32 @!p0 $0x320, s15  }
0x31: {  	s16 =	sand.u32 @!p0 $0xFF, s16  }
0x32: {  	s16 =	smul.u32 @!p0 $0xC80, s16;
	s18 =	sadd.s32 @!p0 s3, s18  }
0x33: {  	p1 =	seq.s32 @!p0 s17, $0x0;
	s18 =	sshrl.u32 @!p0 s18, $0x3  }
0x34: {  	s19 =	simm.s32 @!p0 $0x0;
	s16 =	sshrl.u32 @!p0 s16, $0x2;
	s18 =	sadd.s32 @!p0 s5, s18  }
0x35: {  	[tilespmem:s16], [sflag:$0x1] =	stream.linear.gather @!p0 [hbm4b:s18+s19], $0x320, $0x38;
	[tilespmem:$0xAD60] =	vst v63  }
0x36: {  	p0 =	por p0, !p1  }
.Ltmp2:
0x37: {  	_ = 	snop;
	(pc) =	sbr.rel @!p0 .LBB2_12-.Ltmp2, $1  }
0x38: {  	_ =	sdelay $0x3  }
0x39: {  	_ =	swait.ge [sflag:s11], $0x500  }
0x3a: {  	[sflag:s11] =	ssyncset.done $0x0  }
0x3b: {  	[sflag:s11] =	ssyncadd.s32 $0xFFFFFB00  }
0x3c: {  	_ =	swait.ge [sflag:s11], $0x500  }
0x3d: {  	[sflag:s11] =	ssyncset.done $0x0  }
0x3e: {  	[sflag:s11] =	ssyncadd.s32 $0xFFFFFB00  }
0x3f: {  	_ =	swait.ge [sflag:s11], $0x500  }
0x40: {  	[sflag:s11] =	ssyncset.done $0x0  }
0x41: {  	[sflag:s11] =	ssyncadd.s32 $0xFFFFFB00  }
0x42: {  	_ =	swait.ge [sflag:s11], $0x500  }
0x43: {  	[sflag:s11] =	ssyncset.done $0x0  }
0x44: {  	[sflag:s11] =	ssyncadd.s32 $0xFFFFFB00  }
0x45: {  	_ =	swait.ge [sflag:s11], $0x500  }
0x46: {  	[sflag:s11] =	ssyncset.done $0x0  }
0x47: {  	[sflag:s11] =	ssyncadd.s32 $0xFFFFFB00  }
0x48: {  	_ =	swait.ge [sflag:s11], $0x500  }
0x49: {  	[sflag:s11] =	ssyncset.done $0x0  }
0x4a: {  	[sflag:s11] =	ssyncadd.s32 $0xFFFFFB00  }
0x4b: {  	_ =	swait.ge [sflag:s11], $0x500  }
0x4c: {  	[sflag:s11] =	ssyncset.done $0x0  }
0x4d: {  	s16 =	sand.u32 $0x1, s15;
	[sflag:s11] =	ssyncadd.s32 $0xFFFFFB00  }
0x4e: {  	p0 =	seq.s32 s16, $0x1;
	s16 =	simm.s32 $0xC800;
	_ =	swait.ge [sflag:s11], $0x500  }
0x4f: {  	s16 =	simm.s32 @!p0 $0x0;
	[sflag:s11] =	ssyncset.done $0x0  }
0x50: {  	s16 =	sshrl.u32 s16, $0x2;
	[sflag:s11] =	ssyncadd.s32 $0xFFFFFB00  }
0x51: {  	s18 =	sor.u32 $0x9B0, s16;
	_ =	swait.ge [sflag:s11], $0x500  }
0x52: {  	v0 =	vmov s18;
	[sflag:s11] =	ssyncset.done $0x0  }
0x53: {  	[sflag:s11] =	ssyncadd.s32 $0xFFFFFB00  }
0x54: {  	_ =	swait.ge [sflag:s11], $0x500  }
0x55: {  	[sflag:s11] =	ssyncset.done $0x0  }
0x56: {  	s31 =	simm.s32 $0x0;
	[sflag:s11] =	ssyncadd.s32 $0xFFFFFB00  }
0x57: {  	v1 =	vld.idx.msk [tilespmem:v0+s31+$0xFFFFFFB0 ss:$0x1], $0xffff;
	_ =	sdelay $0x1  }
0x58: {  	v2 =	vld.idx.msk [tilespmem:v0+s31+$0xFFFFFFC0 ss:$0x1], $0xffff;
	_ =	sdelay $0x1  }
0x59: {  	v3 =	vld.idx.msk [tilespmem:v0+s31+$0xFFFFFFD0 ss:$0x1], $0xffff  }
0x5a: {  	v4 =	vimm.f32 $0.0e+00;
	v5 =	vunpack.i.u.bf16.f32 v1;
	v1 =	vunpack.i.l.bf16.f32 v1  }
0x5b: {  	v6 =	vld.idx.msk [tilespmem:v0+s31+$0xFFFFFFE0 ss:$0x1], $0xffff;
	v1 =	vadd.f32 v1, v4;
	v4 =	vadd.f32 v5, v4  }
0x5c: {  	v5 =	vunpack.i.u.bf16.f32 v2;
	v2 =	vunpack.i.l.bf16.f32 v2  }
0x5d: {  	v7 =	vld.idx.msk [tilespmem:v0+s31+$0xFFFFFFF0 ss:$0x1], $0xffff;
	v1 =	vadd.f32 v2, v1;
	v2 =	vadd.f32 v5, v4  }
0x5e: {  	v4 =	vunpack.i.u.bf16.f32 v3;
	v3 =	vunpack.i.l.bf16.f32 v3  }
0x5f: {  	v5 =	vld.idx.msk [tilespmem:v0+s31+$0x0 ss:$0x1], $0xffff;
	v1 =	vadd.f32 v3, v1;
	v2 =	vadd.f32 v4, v2  }
0x60: {  	v3 =	vunpack.i.u.bf16.f32 v6;
	v4 =	vunpack.i.l.bf16.f32 v6  }
0x61: {  	v6 =	vld.idx.msk [tilespmem:v0+s31+$0x10 ss:$0x1], $0xffff;
	v1 =	vadd.f32 v4, v1;
	v2 =	vadd.f32 v3, v2  }
0x62: {  	v3 =	vunpack.i.u.bf16.f32 v7;
	v4 =	vunpack.i.l.bf16.f32 v7  }
0x63: {  	v1 =	vadd.f32 v4, v1;
	v2 =	vadd.f32 v3, v2;
	v3 =	vld.idx.msk [tilespmem:v0+s31+$0x20 ss:$0x1], $0xffff  }
0x64: {  	v4 =	vunpack.i.u.bf16.f32 v5;
	v5 =	vunpack.i.l.bf16.f32 v5  }
0x65: {  	v5 =	vadd.f32 v5, v1;
	v7 =	vadd.f32 v4, v2;
	v2 =	vld.idx.msk [tilespmem:v0+s31+$0x30 ss:$0x1], $0xffff  }
0x66: {  	v8 =	vunpack.i.u.bf16.f32 v6;
	v4 =	vunpack.i.l.bf16.f32 v6  }
0x67: {  	s19 =	simm.s32 $0x500;
	s18 =	simm.s32 $0xA0;
	v1 =	vld.idx.msk [tilespmem:v0+s31+$0x40 ss:$0x1], $0xffff;
	v4 =	vadd.f32 v4, v5;
	v5 =	vadd.f32 v8, v7  }
.LBB2_4:
0x68: {  	p0 =	sne.s32 s19, $0x2F80;
	v6 =	vld.idx.msk [tilespmem:v0+s18+$0xFFFFFFB0 ss:$0x1], $0xffff;
	v7 =	vunpack.i.u.bf16.f32 v3;
	v3 =	vunpack.i.l.bf16.f32 v3  }
0x69: {  	v3 =	vadd.f32 v3, v4;
	v4 =	vadd.f32 v7, v5  }
0x6a: {  	v7 =	vunpack.i.u.bf16.f32 v2;
	v2 =	vunpack.i.l.bf16.f32 v2;
	v5 =	vld.idx.msk [tilespmem:v0+s18+$0xFFFFFFC0 ss:$0x1], $0xffff  }
0x6b: {  	v2 =	vadd.f32 v2, v3;
	v3 =	vadd.f32 v7, v4  }
0x6c: {  	v7 =	vunpack.i.u.bf16.f32 v1;
	v1 =	vunpack.i.l.bf16.f32 v1;
	v4 =	vld.idx.msk [tilespmem:v0+s18+$0xFFFFFFD0 ss:$0x1], $0xffff  }
0x6d: {  	v1 =	vadd.f32 v1, v2;
	v2 =	vadd.f32 v7, v3  }
0x6e: {  	v3 =	vunpack.i.u.bf16.f32 v6;
	v6 =	vunpack.i.l.bf16.f32 v6;
	v7 =	vld.idx.msk [tilespmem:v0+s18+$0xFFFFFFE0 ss:$0x1], $0xffff  }
0x6f: {  	v1 =	vadd.f32 v6, v1;
	v2 =	vadd.f32 v3, v2  }
0x70: {  	v3 =	vunpack.i.u.bf16.f32 v5;
	v5 =	vunpack.i.l.bf16.f32 v5;
	v6 =	vld.idx.msk [tilespmem:v0+s18+$0xFFFFFFF0 ss:$0x1], $0xffff  }
0x71: {  	v1 =	vadd.f32 v5, v1;
	v2 =	vadd.f32 v3, v2  }
0x72: {  	v3 =	vunpack.i.u.bf16.f32 v4;
	v4 =	vunpack.i.l.bf16.f32 v4;
	v5 =	vld.idx.msk [tilespmem:v0+s18+$0x0 ss:$0x1], $0xffff  }
0x73: {  	v1 =	vadd.f32 v4, v1;
	v2 =	vadd.f32 v3, v2  }
0x74: {  	v3 =	vunpack.i.u.bf16.f32 v7;
	v4 =	vunpack.i.l.bf16.f32 v7;
	v7 =	vld.idx.msk [tilespmem:v0+s18+$0x10 ss:$0x1], $0xffff  }
0x75: {  	v1 =	vadd.f32 v4, v1;
	v2 =	vadd.f32 v3, v2  }
0x76: {  	v4 =	vunpack.i.u.bf16.f32 v6;
	v6 =	vunpack.i.l.bf16.f32 v6;
	v3 =	vld.idx.msk [tilespmem:v0+s18+$0x20 ss:$0x1], $0xffff  }
.Ltmp3:
0x77: {  	v1 =	vadd.f32 v6, v1;
	v4 =	vadd.f32 v4, v2;
	(pc) =	sbr.rel @p0 .LBB2_4-.Ltmp3, $4  }
0x78: {  	v6 =	vunpack.i.u.bf16.f32 v5;
	v5 =	vunpack.i.l.bf16.f32 v5;
	v2 =	vld.idx.msk [tilespmem:v0+s18+$0x30 ss:$0x1], $0xffff  }
0x79: {  	v5 =	vadd.f32 v5, v1;
	v6 =	vadd.f32 v6, v4  }
0x7a: {  	v8 =	vunpack.i.u.bf16.f32 v7;
	v4 =	vunpack.i.l.bf16.f32 v7;
	v1 =	vld.idx.msk [tilespmem:v0+s18+$0x40 ss:$0x1], $0xffff  }
0x7b: {  	s18 =	sshra.s32 s19, $0x2;
	s19 =	sadd.s32 $0x280, s19;
	v4 =	vadd.f32 v4, v5;
	v5 =	vadd.f32 v8, v6  }
0x7c: {  	_ =	sdelay $0x2  }
0x7d: {  	v6 =	vunpack.i.l.bf16.f32 v3  }
0x7e: {  	v7 =	vld.idx.msk [tilespmem:v0+s18+$0xFFFFFFB0 ss:$0x1], $0xffff;
	v3 =	vunpack.i.u.bf16.f32 v3;
	v4 =	vadd.f32 v6, v4  }
0x7f: {  	v3 =	vadd.f32 v3, v5;
	v5 =	vunpack.i.l.bf16.f32 v2  }
0x80: {  	v6 =	vld.idx.msk [tilespmem:v0+s18+$0xFFFFFFC0 ss:$0x1], $0xffff;
	v2 =	vunpack.i.u.bf16.f32 v2;
	v4 =	vadd.f32 v5, v4  }
0x81: {  	v2 =	vadd.f32 v2, v3;
	v3 =	vunpack.i.l.bf16.f32 v1  }
0x82: {  	v5 =	vld.idx.msk [tilespmem:v0+s18+$0xFFFFFFD0 ss:$0x1], $0xffff;
	v1 =	vunpack.i.u.bf16.f32 v1;
	v3 =	vadd.f32 v3, v4  }
0x83: {  	v1 =	vadd.f32 v1, v2;
	v2 =	vunpack.i.l.bf16.f32 v7  }
0x84: {  	v4 =	vunpack.i.u.bf16.f32 v7;
	v7 =	vld.idx.msk [tilespmem:v0+s18+$0xFFFFFFE0 ss:$0x1], $0xffff;
	v2 =	vadd.f32 v2, v3  }
0x85: {  	v1 =	vadd.f32 v4, v1;
	v3 =	vunpack.i.l.bf16.f32 v6  }
0x86: {  	v4 =	vunpack.i.u.bf16.f32 v6;
	v6 =	vld.idx.msk [tilespmem:v0+s18+$0xFFFFFFF0 ss:$0x1], $0xffff;
	v2 =	vadd.f32 v3, v2  }
0x87: {  	v1 =	vadd.f32 v4, v1;
	v3 =	vunpack.i.l.bf16.f32 v5  }
0x88: {  	v4 =	vunpack.i.u.bf16.f32 v5;
	v5 =	vld.idx.msk [tilespmem:v0+s18+$0x0 ss:$0x1], $0xffff;
	v2 =	vadd.f32 v3, v2  }
0x89: {  	v1 =	vadd.f32 v4, v1;
	v3 =	vunpack.i.l.bf16.f32 v7  }
0x8a: {  	v4 =	vunpack.i.u.bf16.f32 v7;
	v7 =	vld.idx.msk [tilespmem:v0+s18+$0x10 ss:$0x1], $0xffff;
	v2 =	vadd.f32 v3, v2  }
0x8b: {  	v1 =	vadd.f32 v4, v1;
	v3 =	vunpack.i.l.bf16.f32 v6  }
0x8c: {  	v4 =	vunpack.i.u.bf16.f32 v6;
	v6 =	vld.idx.msk [tilespmem:v0+s18+$0x20 ss:$0x1], $0xffff;
	v2 =	vadd.f32 v3, v2  }
0x8d: {  	v1 =	vadd.f32 v4, v1;
	v3 =	vunpack.i.l.bf16.f32 v5  }
0x8e: {  	v4 =	vunpack.i.u.bf16.f32 v5;
	v5 =	vld.idx.msk [tilespmem:v0+s18+$0x30 ss:$0x1], $0xffff;
	v2 =	vadd.f32 v3, v2  }
0x8f: {  	v1 =	vadd.f32 v4, v1;
	v3 =	vunpack.i.l.bf16.f32 v7  }
0x90: {  	v4 =	vunpack.i.u.bf16.f32 v7;
	v7 =	vld.idx.msk [tilespmem:v0+s18+$0x40 ss:$0x1], $0xffff;
	v0 =	vadd.f32 v3, v2  }
0x91: {  	v1 =	vadd.f32 v4, v1;
	v2 =	vunpack.i.l.bf16.f32 v6  }
0x92: {  	v3 =	vunpack.i.u.bf16.f32 v6;
	v0 =	vadd.f32 v2, v0  }
0x93: {  	v1 =	vadd.f32 v3, v1;
	v2 =	vunpack.i.l.bf16.f32 v5  }
0x94: {  	s30 =	sadd.s32 $0x15E0, s16;
	v3 =	vunpack.i.u.bf16.f32 v5;
	v2 =	vadd.f32 v2, v0  }
0x95: {  	v1 =	vadd.f32 v3, v1;
	v3 =	vunpack.i.l.bf16.f32 v7;
	v0 =	vmov s30  }
0x96: {  	s17 =	sshll.u32 s17, $0x9;
	v4 =	vunpack.i.u.bf16.f32 v7;
	v2 =	vadd.f32 v3, v2  }
0x97: {  	s17 =	sshra.s32 s17, $0x2;
	v1 =	vadd.f32 v4, v1  }
0x98: {  	[tilespmem:s17+$0x6CE0] =	vst v2  }
0x99: {  	s31 =	simm.s32 $0x0;
	[tilespmem:s17+$0x6CF0] =	vst v1  }
0x9a: {  	v1 =	vld.idx.msk [tilespmem:v0+s31+$0x0 ss:$0x1], $0xffff;
	_ =	sdelay $0x1  }
0x9b: {  	v2 =	vld.idx.msk [tilespmem:v0+s31+$0x10 ss:$0x1], $0xffff;
	_ =	sdelay $0x1  }
0x9c: {  	v3 =	vld.idx.msk [tilespmem:v0+s31+$0x20 ss:$0x1], $0xffff  }
0x9d: {  	v4 =	vimm.f32 $0.0e+00;
	v5 =	vunpack.i.u.bf16.f32 v1;
	v1 =	vunpack.i.l.bf16.f32 v1  }
0x9e: {  	v6 =	vld.idx.msk [tilespmem:v0+s31+$0x30 ss:$0x1], $0xffff;
	v1 =	vadd.f32 v1, v4;
	v4 =	vadd.f32 v5, v4  }
0x9f: {  	v5 =	vunpack.i.u.bf16.f32 v2;
	v2 =	vunpack.i.l.bf16.f32 v2  }
0xa0: {  	v7 =	vld.idx.msk [tilespmem:v0+s31+$0x40 ss:$0x1], $0xffff;
	v1 =	vadd.f32 v2, v1;
	v2 =	vadd.f32 v5, v4  }
0xa1: {  	v4 =	vunpack.i.u.bf16.f32 v3;
	v3 =	vunpack.i.l.bf16.f32 v3  }
0xa2: {  	v5 =	vld.idx.msk [tilespmem:v0+s31+$0x50 ss:$0x1], $0xffff;
	v1 =	vadd.f32 v3, v1;
	v2 =	vadd.f32 v4, v2  }
0xa3: {  	v3 =	vunpack.i.u.bf16.f32 v6;
	v4 =	vunpack.i.l.bf16.f32 v6  }
0xa4: {  	v6 =	vld.idx.msk [tilespmem:v0+s31+$0x60 ss:$0x1], $0xffff;
	v1 =	vadd.f32 v4, v1;
	v2 =	vadd.f32 v3, v2  }
0xa5: {  	v3 =	vunpack.i.u.bf16.f32 v7;
	v4 =	vunpack.i.l.bf16.f32 v7  }
0xa6: {  	v1 =	vadd.f32 v4, v1;
	v2 =	vadd.f32 v3, v2;
	v3 =	vld.idx.msk [tilespmem:v0+s31+$0x70 ss:$0x1], $0xffff  }
0xa7: {  	v4 =	vunpack.i.u.bf16.f32 v5;
	v5 =	vunpack.i.l.bf16.f32 v5  }
0xa8: {  	v5 =	vadd.f32 v5, v1;
	v7 =	vadd.f32 v4, v2;
	v2 =	vld.idx.msk [tilespmem:v0+s31+$0x80 ss:$0x1], $0xffff  }
0xa9: {  	v8 =	vunpack.i.u.bf16.f32 v6;
	v4 =	vunpack.i.l.bf16.f32 v6  }
0xaa: {  	s19 =	simm.s32 $0x500;
	s18 =	simm.s32 $0xA0;
	v1 =	vld.idx.msk [tilespmem:v0+s31+$0x90 ss:$0x1], $0xffff;
	v4 =	vadd.f32 v4, v5;
	v5 =	vadd.f32 v8, v7  }
.LBB2_6:
0xab: {  	p0 =	sne.s32 s19, $0x2F80;
	v6 =	vld.idx.msk [tilespmem:v0+s18+$0x0 ss:$0x1], $0xffff;
	v7 =	vunpack.i.u.bf16.f32 v3;
	v3 =	vunpack.i.l.bf16.f32 v3  }
0xac: {  	v3 =	vadd.f32 v3, v4;
	v4 =	vadd.f32 v7, v5  }
0xad: {  	v7 =	vunpack.i.u.bf16.f32 v2;
	v2 =	vunpack.i.l.bf16.f32 v2;
	v5 =	vld.idx.msk [tilespmem:v0+s18+$0x10 ss:$0x1], $0xffff  }
0xae: {  	v2 =	vadd.f32 v2, v3;
	v3 =	vadd.f32 v7, v4  }
0xaf: {  	v7 =	vunpack.i.u.bf16.f32 v1;
	v1 =	vunpack.i.l.bf16.f32 v1;
	v4 =	vld.idx.msk [tilespmem:v0+s18+$0x20 ss:$0x1], $0xffff  }
0xb0: {  	v1 =	vadd.f32 v1, v2;
	v2 =	vadd.f32 v7, v3  }
0xb1: {  	v3 =	vunpack.i.u.bf16.f32 v6;
	v6 =	vunpack.i.l.bf16.f32 v6;
	v7 =	vld.idx.msk [tilespmem:v0+s18+$0x30 ss:$0x1], $0xffff  }
0xb2: {  	v1 =	vadd.f32 v6, v1;
	v2 =	vadd.f32 v3, v2  }
0xb3: {  	v3 =	vunpack.i.u.bf16.f32 v5;
	v5 =	vunpack.i.l.bf16.f32 v5;
	v6 =	vld.idx.msk [tilespmem:v0+s18+$0x40 ss:$0x1], $0xffff  }
0xb4: {  	v1 =	vadd.f32 v5, v1;
	v2 =	vadd.f32 v3, v2  }
0xb5: {  	v3 =	vunpack.i.u.bf16.f32 v4;
	v4 =	vunpack.i.l.bf16.f32 v4;
	v5 =	vld.idx.msk [tilespmem:v0+s18+$0x50 ss:$0x1], $0xffff  }
0xb6: {  	v1 =	vadd.f32 v4, v1;
	v2 =	vadd.f32 v3, v2  }
0xb7: {  	v3 =	vunpack.i.u.bf16.f32 v7;
	v4 =	vunpack.i.l.bf16.f32 v7;
	v7 =	vld.idx.msk [tilespmem:v0+s18+$0x60 ss:$0x1], $0xffff  }
0xb8: {  	v1 =	vadd.f32 v4, v1;
	v2 =	vadd.f32 v3, v2  }
0xb9: {  	v4 =	vunpack.i.u.bf16.f32 v6;
	v6 =	vunpack.i.l.bf16.f32 v6;
	v3 =	vld.idx.msk [tilespmem:v0+s18+$0x70 ss:$0x1], $0xffff  }
.Ltmp4:
0xba: {  	v1 =	vadd.f32 v6, v1;
	v4 =	vadd.f32 v4, v2;
	(pc) =	sbr.rel @p0 .LBB2_6-.Ltmp4, $4  }
0xbb: {  	v6 =	vunpack.i.u.bf16.f32 v5;
	v5 =	vunpack.i.l.bf16.f32 v5;
	v2 =	vld.idx.msk [tilespmem:v0+s18+$0x80 ss:$0x1], $0xffff  }
0xbc: {  	v5 =	vadd.f32 v5, v1;
	v6 =	vadd.f32 v6, v4  }
0xbd: {  	v8 =	vunpack.i.u.bf16.f32 v7;
	v4 =	vunpack.i.l.bf16.f32 v7;
	v1 =	vld.idx.msk [tilespmem:v0+s18+$0x90 ss:$0x1], $0xffff  }
0xbe: {  	s18 =	sshra.s32 s19, $0x2;
	s19 =	sadd.s32 $0x280, s19;
	v4 =	vadd.f32 v4, v5;
	v5 =	vadd.f32 v8, v6  }
0xbf: {  	_ =	sdelay $0x2  }
0xc0: {  	v6 =	vunpack.i.l.bf16.f32 v3  }
0xc1: {  	v7 =	vld.idx.msk [tilespmem:v0+s18+$0x0 ss:$0x1], $0xffff;
	v3 =	vunpack.i.u.bf16.f32 v3;
	v4 =	vadd.f32 v6, v4  }
0xc2: {  	v3 =	vadd.f32 v3, v5;
	v5 =	vunpack.i.l.bf16.f32 v2  }
0xc3: {  	v6 =	vld.idx.msk [tilespmem:v0+s18+$0x10 ss:$0x1], $0xffff;
	v2 =	vunpack.i.u.bf16.f32 v2;
	v4 =	vadd.f32 v5, v4  }
0xc4: {  	v2 =	vadd.f32 v2, v3;
	v3 =	vunpack.i.l.bf16.f32 v1  }
0xc5: {  	v5 =	vld.idx.msk [tilespmem:v0+s18+$0x20 ss:$0x1], $0xffff;
	v1 =	vunpack.i.u.bf16.f32 v1;
	v3 =	vadd.f32 v3, v4  }
0xc6: {  	v1 =	vadd.f32 v1, v2;
	v2 =	vunpack.i.l.bf16.f32 v7  }
0xc7: {  	v4 =	vunpack.i.u.bf16.f32 v7;
	v7 =	vld.idx.msk [tilespmem:v0+s18+$0x30 ss:$0x1], $0xffff;
	v2 =	vadd.f32 v2, v3  }
0xc8: {  	v1 =	vadd.f32 v4, v1;
	v3 =	vunpack.i.l.bf16.f32 v6  }
0xc9: {  	v4 =	vunpack.i.u.bf16.f32 v6;
	v6 =	vld.idx.msk [tilespmem:v0+s18+$0x40 ss:$0x1], $0xffff;
	v2 =	vadd.f32 v3, v2  }
0xca: {  	v1 =	vadd.f32 v4, v1;
	v3 =	vunpack.i.l.bf16.f32 v5  }
0xcb: {  	v4 =	vunpack.i.u.bf16.f32 v5;
	v5 =	vld.idx.msk [tilespmem:v0+s18+$0x50 ss:$0x1], $0xffff;
	v2 =	vadd.f32 v3, v2  }
0xcc: {  	v1 =	vadd.f32 v4, v1;
	v3 =	vunpack.i.l.bf16.f32 v7  }
0xcd: {  	v4 =	vunpack.i.u.bf16.f32 v7;
	v7 =	vld.idx.msk [tilespmem:v0+s18+$0x60 ss:$0x1], $0xffff;
	v2 =	vadd.f32 v3, v2  }
0xce: {  	v1 =	vadd.f32 v4, v1;
	v3 =	vunpack.i.l.bf16.f32 v6  }
0xcf: {  	v4 =	vunpack.i.u.bf16.f32 v6;
	v6 =	vld.idx.msk [tilespmem:v0+s18+$0x70 ss:$0x1], $0xffff;
	v2 =	vadd.f32 v3, v2  }
0xd0: {  	v1 =	vadd.f32 v4, v1;
	v3 =	vunpack.i.l.bf16.f32 v5  }
0xd1: {  	v4 =	vunpack.i.u.bf16.f32 v5;
	v5 =	vld.idx.msk [tilespmem:v0+s18+$0x80 ss:$0x1], $0xffff;
	v2 =	vadd.f32 v3, v2  }
0xd2: {  	v1 =	vadd.f32 v4, v1;
	v3 =	vunpack.i.l.bf16.f32 v7  }
0xd3: {  	v4 =	vunpack.i.u.bf16.f32 v7;
	v7 =	vld.idx.msk [tilespmem:v0+s18+$0x90 ss:$0x1], $0xffff;
	v0 =	vadd.f32 v3, v2  }
0xd4: {  	v1 =	vadd.f32 v4, v1;
	v2 =	vunpack.i.l.bf16.f32 v6  }
0xd5: {  	v3 =	vunpack.i.u.bf16.f32 v6;
	v0 =	vadd.f32 v2, v0  }
0xd6: {  	v1 =	vadd.f32 v3, v1;
	v2 =	vunpack.i.l.bf16.f32 v5  }
0xd7: {  	s30 =	sadd.s32 $0x2260, s16;
	v3 =	vunpack.i.u.bf16.f32 v5;
	v2 =	vadd.f32 v2, v0  }
0xd8: {  	v1 =	vadd.f32 v3, v1;
	v3 =	vunpack.i.l.bf16.f32 v7;
	v0 =	vmov s30  }
0xd9: {  	v4 =	vunpack.i.u.bf16.f32 v7;
	v2 =	vadd.f32 v3, v2  }
0xda: {  	v1 =	vadd.f32 v4, v1  }
0xdb: {  	[tilespmem:s17+$0x6D00] =	vst v2  }
0xdc: {  	s31 =	simm.s32 $0x0;
	[tilespmem:s17+$0x6D10] =	vst v1  }
0xdd: {  	v1 =	vld.idx.msk [tilespmem:v0+s31+$0x0 ss:$0x1], $0xffff;
	_ =	sdelay $0x1  }
0xde: {  	v2 =	vld.idx.msk [tilespmem:v0+s31+$0x10 ss:$0x1], $0xffff;
	_ =	sdelay $0x1  }
0xdf: {  	v3 =	vld.idx.msk [tilespmem:v0+s31+$0x20 ss:$0x1], $0xffff  }
0xe0: {  	v4 =	vimm.f32 $0.0e+00;
	v5 =	vunpack.i.u.bf16.f32 v1;
	v1 =	vunpack.i.l.bf16.f32 v1  }
0xe1: {  	v6 =	vld.idx.msk [tilespmem:v0+s31+$0x30 ss:$0x1], $0xffff;
	v1 =	vadd.f32 v1, v4;
	v4 =	vadd.f32 v5, v4  }
0xe2: {  	v5 =	vunpack.i.u.bf16.f32 v2;
	v2 =	vunpack.i.l.bf16.f32 v2  }
0xe3: {  	v7 =	vld.idx.msk [tilespmem:v0+s31+$0x40 ss:$0x1], $0xffff;
	v1 =	vadd.f32 v2, v1;
	v2 =	vadd.f32 v5, v4  }
0xe4: {  	v4 =	vunpack.i.u.bf16.f32 v3;
	v3 =	vunpack.i.l.bf16.f32 v3  }
0xe5: {  	v5 =	vld.idx.msk [tilespmem:v0+s31+$0x50 ss:$0x1], $0xffff;
	v1 =	vadd.f32 v3, v1;
	v2 =	vadd.f32 v4, v2  }
0xe6: {  	v3 =	vunpack.i.u.bf16.f32 v6;
	v4 =	vunpack.i.l.bf16.f32 v6  }
0xe7: {  	v6 =	vld.idx.msk [tilespmem:v0+s31+$0x60 ss:$0x1], $0xffff;
	v1 =	vadd.f32 v4, v1;
	v2 =	vadd.f32 v3, v2  }
0xe8: {  	v3 =	vunpack.i.u.bf16.f32 v7;
	v4 =	vunpack.i.l.bf16.f32 v7  }
0xe9: {  	v1 =	vadd.f32 v4, v1;
	v2 =	vadd.f32 v3, v2;
	v3 =	vld.idx.msk [tilespmem:v0+s31+$0x70 ss:$0x1], $0xffff  }
0xea: {  	v4 =	vunpack.i.u.bf16.f32 v5;
	v5 =	vunpack.i.l.bf16.f32 v5  }
0xeb: {  	v5 =	vadd.f32 v5, v1;
	v7 =	vadd.f32 v4, v2;
	v2 =	vld.idx.msk [tilespmem:v0+s31+$0x80 ss:$0x1], $0xffff  }
0xec: {  	v8 =	vunpack.i.u.bf16.f32 v6;
	v4 =	vunpack.i.l.bf16.f32 v6  }
0xed: {  	s19 =	simm.s32 $0x500;
	s18 =	simm.s32 $0xA0;
	v1 =	vld.idx.msk [tilespmem:v0+s31+$0x90 ss:$0x1], $0xffff;
	v4 =	vadd.f32 v4, v5;
	v5 =	vadd.f32 v8, v7  }
.LBB2_8:
0xee: {  	p0 =	sne.s32 s19, $0x2F80;
	v6 =	vld.idx.msk [tilespmem:v0+s18+$0x0 ss:$0x1], $0xffff;
	v7 =	vunpack.i.u.bf16.f32 v3;
	v3 =	vunpack.i.l.bf16.f32 v3  }
0xef: {  	v3 =	vadd.f32 v3, v4;
	v4 =	vadd.f32 v7, v5  }
0xf0: {  	v7 =	vunpack.i.u.bf16.f32 v2;
	v2 =	vunpack.i.l.bf16.f32 v2;
	v5 =	vld.idx.msk [tilespmem:v0+s18+$0x10 ss:$0x1], $0xffff  }
0xf1: {  	v2 =	vadd.f32 v2, v3;
	v3 =	vadd.f32 v7, v4  }
0xf2: {  	v7 =	vunpack.i.u.bf16.f32 v1;
	v1 =	vunpack.i.l.bf16.f32 v1;
	v4 =	vld.idx.msk [tilespmem:v0+s18+$0x20 ss:$0x1], $0xffff  }
0xf3: {  	v1 =	vadd.f32 v1, v2;
	v2 =	vadd.f32 v7, v3  }
0xf4: {  	v3 =	vunpack.i.u.bf16.f32 v6;
	v6 =	vunpack.i.l.bf16.f32 v6;
	v7 =	vld.idx.msk [tilespmem:v0+s18+$0x30 ss:$0x1], $0xffff  }
0xf5: {  	v1 =	vadd.f32 v6, v1;
	v2 =	vadd.f32 v3, v2  }
0xf6: {  	v3 =	vunpack.i.u.bf16.f32 v5;
	v5 =	vunpack.i.l.bf16.f32 v5;
	v6 =	vld.idx.msk [tilespmem:v0+s18+$0x40 ss:$0x1], $0xffff  }
0xf7: {  	v1 =	vadd.f32 v5, v1;
	v2 =	vadd.f32 v3, v2  }
0xf8: {  	v3 =	vunpack.i.u.bf16.f32 v4;
	v4 =	vunpack.i.l.bf16.f32 v4;
	v5 =	vld.idx.msk [tilespmem:v0+s18+$0x50 ss:$0x1], $0xffff  }
0xf9: {  	v1 =	vadd.f32 v4, v1;
	v2 =	vadd.f32 v3, v2  }
0xfa: {  	v3 =	vunpack.i.u.bf16.f32 v7;
	v4 =	vunpack.i.l.bf16.f32 v7;
	v7 =	vld.idx.msk [tilespmem:v0+s18+$0x60 ss:$0x1], $0xffff  }
0xfb: {  	v1 =	vadd.f32 v4, v1;
	v2 =	vadd.f32 v3, v2  }
0xfc: {  	v4 =	vunpack.i.u.bf16.f32 v6;
	v6 =	vunpack.i.l.bf16.f32 v6;
	v3 =	vld.idx.msk [tilespmem:v0+s18+$0x70 ss:$0x1], $0xffff  }
.Ltmp5:
0xfd: {  	v1 =	vadd.f32 v6, v1;
	v4 =	vadd.f32 v4, v2;
	(pc) =	sbr.rel @p0 .LBB2_8-.Ltmp5, $4  }
0xfe: {  	v6 =	vunpack.i.u.bf16.f32 v5;
	v5 =	vunpack.i.l.bf16.f32 v5;
	v2 =	vld.idx.msk [tilespmem:v0+s18+$0x80 ss:$0x1], $0xffff  }
0xff: {  	v5 =	vadd.f32 v5, v1;
	v6 =	vadd.f32 v6, v4  }
0x100: {  	v8 =	vunpack.i.u.bf16.f32 v7;
	v4 =	vunpack.i.l.bf16.f32 v7;
	v1 =	vld.idx.msk [tilespmem:v0+s18+$0x90 ss:$0x1], $0xffff  }
0x101: {  	s18 =	sshra.s32 s19, $0x2;
	s19 =	sadd.s32 $0x280, s19;
	v4 =	vadd.f32 v4, v5;
	v5 =	vadd.f32 v8, v6  }
0x102: {  	_ =	sdelay $0x2  }
0x103: {  	v6 =	vunpack.i.l.bf16.f32 v3  }
0x104: {  	v7 =	vld.idx.msk [tilespmem:v0+s18+$0x0 ss:$0x1], $0xffff;
	v3 =	vunpack.i.u.bf16.f32 v3;
	v4 =	vadd.f32 v6, v4  }
0x105: {  	v3 =	vadd.f32 v3, v5;
	v5 =	vunpack.i.l.bf16.f32 v2  }
0x106: {  	v6 =	vld.idx.msk [tilespmem:v0+s18+$0x10 ss:$0x1], $0xffff;
	v2 =	vunpack.i.u.bf16.f32 v2;
	v4 =	vadd.f32 v5, v4  }
0x107: {  	v2 =	vadd.f32 v2, v3;
	v3 =	vunpack.i.l.bf16.f32 v1  }
0x108: {  	v5 =	vld.idx.msk [tilespmem:v0+s18+$0x20 ss:$0x1], $0xffff;
	v1 =	vunpack.i.u.bf16.f32 v1;
	v3 =	vadd.f32 v3, v4  }
0x109: {  	v1 =	vadd.f32 v1, v2;
	v2 =	vunpack.i.l.bf16.f32 v7  }
0x10a: {  	v4 =	vunpack.i.u.bf16.f32 v7;
	v7 =	vld.idx.msk [tilespmem:v0+s18+$0x30 ss:$0x1], $0xffff;
	v2 =	vadd.f32 v2, v3  }
0x10b: {  	v1 =	vadd.f32 v4, v1;
	v3 =	vunpack.i.l.bf16.f32 v6  }
0x10c: {  	v4 =	vunpack.i.u.bf16.f32 v6;
	v6 =	vld.idx.msk [tilespmem:v0+s18+$0x40 ss:$0x1], $0xffff;
	v2 =	vadd.f32 v3, v2  }
0x10d: {  	v1 =	vadd.f32 v4, v1;
	v3 =	vunpack.i.l.bf16.f32 v5  }
0x10e: {  	v4 =	vunpack.i.u.bf16.f32 v5;
	v5 =	vld.idx.msk [tilespmem:v0+s18+$0x50 ss:$0x1], $0xffff;
	v2 =	vadd.f32 v3, v2  }
0x10f: {  	v1 =	vadd.f32 v4, v1;
	v3 =	vunpack.i.l.bf16.f32 v7  }
0x110: {  	v4 =	vunpack.i.u.bf16.f32 v7;
	v7 =	vld.idx.msk [tilespmem:v0+s18+$0x60 ss:$0x1], $0xffff;
	v2 =	vadd.f32 v3, v2  }
0x111: {  	v1 =	vadd.f32 v4, v1;
	v3 =	vunpack.i.l.bf16.f32 v6  }
0x112: {  	v4 =	vunpack.i.u.bf16.f32 v6;
	v6 =	vld.idx.msk [tilespmem:v0+s18+$0x70 ss:$0x1], $0xffff;
	v2 =	vadd.f32 v3, v2  }
0x113: {  	v1 =	vadd.f32 v4, v1;
	v3 =	vunpack.i.l.bf16.f32 v5  }
0x114: {  	v4 =	vunpack.i.u.bf16.f32 v5;
	v5 =	vld.idx.msk [tilespmem:v0+s18+$0x80 ss:$0x1], $0xffff;
	v2 =	vadd.f32 v3, v2  }
0x115: {  	v1 =	vadd.f32 v4, v1;
	v3 =	vunpack.i.l.bf16.f32 v7  }
0x116: {  	v4 =	vunpack.i.u.bf16.f32 v7;
	v7 =	vld.idx.msk [tilespmem:v0+s18+$0x90 ss:$0x1], $0xffff;
	v0 =	vadd.f32 v3, v2  }
0x117: {  	v1 =	vadd.f32 v4, v1;
	v2 =	vunpack.i.l.bf16.f32 v6  }
0x118: {  	v3 =	vunpack.i.u.bf16.f32 v6;
	v0 =	vadd.f32 v2, v0  }
0x119: {  	v1 =	vadd.f32 v3, v1;
	v2 =	vunpack.i.l.bf16.f32 v5  }
0x11a: {  	s16 =	sadd.s32 $0x2EE0, s16;
	v3 =	vunpack.i.u.bf16.f32 v5;
	v2 =	vadd.f32 v2, v0  }
0x11b: {  	v1 =	vadd.f32 v3, v1;
	v3 =	vunpack.i.l.bf16.f32 v7;
	v0 =	vmov s16  }
0x11c: {  	v4 =	vunpack.i.u.bf16.f32 v7;
	v2 =	vadd.f32 v3, v2  }
0x11d: {  	v1 =	vadd.f32 v4, v1  }
0x11e: {  	[tilespmem:s17+$0x6D20] =	vst v2  }
0x11f: {  	s31 =	simm.s32 $0x0;
	[tilespmem:s17+$0x6D30] =	vst v1  }
0x120: {  	v1 =	vld.idx.msk [tilespmem:v0+s31+$0x0 ss:$0x1], $0xffff;
	_ =	sdelay $0x1  }
0x121: {  	v2 =	vld.idx.msk [tilespmem:v0+s31+$0x10 ss:$0x1], $0xffff;
	_ =	sdelay $0x1  }
0x122: {  	v3 =	vld.idx.msk [tilespmem:v0+s31+$0x20 ss:$0x1], $0xffff  }
0x123: {  	v4 =	vimm.f32 $0.0e+00;
	v5 =	vunpack.i.u.bf16.f32 v1;
	v1 =	vunpack.i.l.bf16.f32 v1  }
0x124: {  	v6 =	vld.idx.msk [tilespmem:v0+s31+$0x30 ss:$0x1], $0xffff;
	v1 =	vadd.f32 v1, v4;
	v4 =	vadd.f32 v5, v4  }
0x125: {  	v5 =	vunpack.i.u.bf16.f32 v2;
	v2 =	vunpack.i.l.bf16.f32 v2  }
0x126: {  	v7 =	vld.idx.msk [tilespmem:v0+s31+$0x40 ss:$0x1], $0xffff;
	v1 =	vadd.f32 v2, v1;
	v2 =	vadd.f32 v5, v4  }
0x127: {  	v4 =	vunpack.i.u.bf16.f32 v3;
	v3 =	vunpack.i.l.bf16.f32 v3  }
0x128: {  	v5 =	vld.idx.msk [tilespmem:v0+s31+$0x50 ss:$0x1], $0xffff;
	v1 =	vadd.f32 v3, v1;
	v2 =	vadd.f32 v4, v2  }
0x129: {  	v3 =	vunpack.i.u.bf16.f32 v6;
	v4 =	vunpack.i.l.bf16.f32 v6  }
0x12a: {  	v6 =	vld.idx.msk [tilespmem:v0+s31+$0x60 ss:$0x1], $0xffff;
	v1 =	vadd.f32 v4, v1;
	v2 =	vadd.f32 v3, v2  }
0x12b: {  	v3 =	vunpack.i.u.bf16.f32 v7;
	v4 =	vunpack.i.l.bf16.f32 v7  }
0x12c: {  	v1 =	vadd.f32 v4, v1;
	v2 =	vadd.f32 v3, v2;
	v3 =	vld.idx.msk [tilespmem:v0+s31+$0x70 ss:$0x1], $0xffff  }
0x12d: {  	v4 =	vunpack.i.u.bf16.f32 v5;
	v5 =	vunpack.i.l.bf16.f32 v5  }
0x12e: {  	v5 =	vadd.f32 v5, v1;
	v7 =	vadd.f32 v4, v2;
	v2 =	vld.idx.msk [tilespmem:v0+s31+$0x80 ss:$0x1], $0xffff  }
0x12f: {  	v8 =	vunpack.i.u.bf16.f32 v6;
	v4 =	vunpack.i.l.bf16.f32 v6  }
0x130: {  	s18 =	simm.s32 $0x500;
	s16 =	simm.s32 $0xA0;
	v1 =	vld.idx.msk [tilespmem:v0+s31+$0x90 ss:$0x1], $0xffff;
	v4 =	vadd.f32 v4, v5;
	v5 =	vadd.f32 v8, v7  }
.LBB2_10:
0x131: {  	p0 =	sne.s32 s18, $0x2F80;
	v6 =	vld.idx.msk [tilespmem:v0+s16+$0x0 ss:$0x1], $0xffff;
	v7 =	vunpack.i.u.bf16.f32 v3;
	v3 =	vunpack.i.l.bf16.f32 v3  }
0x132: {  	v3 =	vadd.f32 v3, v4;
	v4 =	vadd.f32 v7, v5  }
0x133: {  	v7 =	vunpack.i.u.bf16.f32 v2;
	v2 =	vunpack.i.l.bf16.f32 v2;
	v5 =	vld.idx.msk [tilespmem:v0+s16+$0x10 ss:$0x1], $0xffff  }
0x134: {  	v2 =	vadd.f32 v2, v3;
	v3 =	vadd.f32 v7, v4  }
0x135: {  	v7 =	vunpack.i.u.bf16.f32 v1;
	v1 =	vunpack.i.l.bf16.f32 v1;
	v4 =	vld.idx.msk [tilespmem:v0+s16+$0x20 ss:$0x1], $0xffff  }
0x136: {  	v1 =	vadd.f32 v1, v2;
	v2 =	vadd.f32 v7, v3  }
0x137: {  	v3 =	vunpack.i.u.bf16.f32 v6;
	v6 =	vunpack.i.l.bf16.f32 v6;
	v7 =	vld.idx.msk [tilespmem:v0+s16+$0x30 ss:$0x1], $0xffff  }
0x138: {  	v1 =	vadd.f32 v6, v1;
	v2 =	vadd.f32 v3, v2  }
0x139: {  	v3 =	vunpack.i.u.bf16.f32 v5;
	v5 =	vunpack.i.l.bf16.f32 v5;
	v6 =	vld.idx.msk [tilespmem:v0+s16+$0x40 ss:$0x1], $0xffff  }
0x13a: {  	v1 =	vadd.f32 v5, v1;
	v2 =	vadd.f32 v3, v2  }
0x13b: {  	v3 =	vunpack.i.u.bf16.f32 v4;
	v4 =	vunpack.i.l.bf16.f32 v4;
	v5 =	vld.idx.msk [tilespmem:v0+s16+$0x50 ss:$0x1], $0xffff  }
0x13c: {  	v1 =	vadd.f32 v4, v1;
	v2 =	vadd.f32 v3, v2  }
0x13d: {  	v3 =	vunpack.i.u.bf16.f32 v7;
	v4 =	vunpack.i.l.bf16.f32 v7;
	v7 =	vld.idx.msk [tilespmem:v0+s16+$0x60 ss:$0x1], $0xffff  }
0x13e: {  	v1 =	vadd.f32 v4, v1;
	v2 =	vadd.f32 v3, v2  }
0x13f: {  	v4 =	vunpack.i.u.bf16.f32 v6;
	v6 =	vunpack.i.l.bf16.f32 v6;
	v3 =	vld.idx.msk [tilespmem:v0+s16+$0x70 ss:$0x1], $0xffff  }
.Ltmp6:
0x140: {  	v1 =	vadd.f32 v6, v1;
	v4 =	vadd.f32 v4, v2;
	(pc) =	sbr.rel @p0 .LBB2_10-.Ltmp6, $4  }
0x141: {  	v6 =	vunpack.i.u.bf16.f32 v5;
	v5 =	vunpack.i.l.bf16.f32 v5;
	v2 =	vld.idx.msk [tilespmem:v0+s16+$0x80 ss:$0x1], $0xffff  }
0x142: {  	v5 =	vadd.f32 v5, v1;
	v6 =	vadd.f32 v6, v4  }
0x143: {  	v8 =	vunpack.i.u.bf16.f32 v7;
	v4 =	vunpack.i.l.bf16.f32 v7;
	v1 =	vld.idx.msk [tilespmem:v0+s16+$0x90 ss:$0x1], $0xffff  }
0x144: {  	s16 =	sshra.s32 s18, $0x2;
	s18 =	sadd.s32 $0x280, s18;
	v4 =	vadd.f32 v4, v5;
	v5 =	vadd.f32 v8, v6  }
0x145: {  	_ =	sdelay $0x2  }
0x146: {  	v6 =	vunpack.i.l.bf16.f32 v3  }
0x147: {  	v7 =	vld.idx.msk [tilespmem:v0+s16+$0x0 ss:$0x1], $0xffff;
	v31 =	vunpack.i.u.bf16.f32 v3;
	v4 =	vadd.f32 v6, v4  }
0x148: {  	v3 =	vadd.f32 v31, v5;
	v32 =	vunpack.i.l.bf16.f32 v2  }
0x149: {  	v33 =	vld.idx.msk [tilespmem:v0+s16+$0x10 ss:$0x1], $0xffff;
	v34 =	vunpack.i.u.bf16.f32 v2;
	v4 =	vadd.f32 v32, v4  }
0x14a: {  	v2 =	vadd.f32 v34, v3;
	v35 =	vunpack.i.l.bf16.f32 v1  }
0x14b: {  	v36 =	vld.idx.msk [tilespmem:v0+s16+$0x20 ss:$0x1], $0xffff;
	v37 =	vunpack.i.u.bf16.f32 v1;
	v3 =	vadd.f32 v35, v4  }
0x14c: {  	v1 =	vadd.f32 v37, v2;
	v38 =	vunpack.i.l.bf16.f32 v7  }
0x14d: {  	v40 =	vld.idx.msk [tilespmem:v0+s16+$0x30 ss:$0x1], $0xffff;
	v39 =	vunpack.i.u.bf16.f32 v7;
	v2 =	vadd.f32 v38, v3  }
0x14e: {  	v41 =	vunpack.i.l.bf16.f32 v33;
	v1 =	vadd.f32 v39, v1  }
0x14f: {  	v43 =	vld.idx.msk [tilespmem:v0+s16+$0x40 ss:$0x1], $0xffff;
	v42 =	vunpack.i.u.bf16.f32 v33;
	v2 =	vadd.f32 v41, v2  }
0x150: {  	v44 =	vunpack.i.l.bf16.f32 v36;
	v1 =	vadd.f32 v42, v1  }
0x151: {  	v46 =	vld.idx.msk [tilespmem:v0+s16+$0x50 ss:$0x1], $0xffff;
	v45 =	vunpack.i.u.bf16.f32 v36;
	v2 =	vadd.f32 v44, v2  }
0x152: {  	v47 =	vunpack.i.l.bf16.f32 v40;
	v1 =	vadd.f32 v45, v1  }
0x153: {  	v49 =	vld.idx.msk [tilespmem:v0+s16+$0x60 ss:$0x1], $0xffff;
	v48 =	vunpack.i.u.bf16.f32 v40;
	v2 =	vadd.f32 v47, v2  }
0x154: {  	v50 =	vunpack.i.l.bf16.f32 v43;
	v1 =	vadd.f32 v48, v1  }
0x155: {  	v52 =	vld.idx.msk [tilespmem:v0+s16+$0x70 ss:$0x1], $0xffff;
	v51 =	vunpack.i.u.bf16.f32 v43;
	v2 =	vadd.f32 v50, v2  }
0x156: {  	v53 =	vunpack.i.l.bf16.f32 v46;
	v1 =	vadd.f32 v51, v1  }
0x157: {  	v55 =	vld.idx.msk [tilespmem:v0+s16+$0x80 ss:$0x1], $0xffff;
	v54 =	vunpack.i.u.bf16.f32 v46;
	v2 =	vadd.f32 v53, v2  }
0x158: {  	v56 =	vunpack.i.l.bf16.f32 v49;
	v1 =	vadd.f32 v54, v1  }
0x159: {  	v58 =	vld.idx.msk [tilespmem:v0+s16+$0x90 ss:$0x1], $0xffff;
	v57 =	vunpack.i.u.bf16.f32 v49;
	v2 =	vadd.f32 v56, v2  }
0x15a: {  	v59 =	vunpack.i.l.bf16.f32 v52;
	v1 =	vadd.f32 v57, v1  }
0x15b: {  	v60 =	vunpack.i.u.bf16.f32 v52;
	v2 =	vadd.f32 v59, v2  }
0x15c: {  	v61 =	vunpack.i.l.bf16.f32 v55;
	v1 =	vadd.f32 v60, v1  }
0x15d: {  	v62 =	vunpack.i.u.bf16.f32 v55;
	v2 =	vadd.f32 v61, v2  }
.Ltmp7:
0x15e: {  	v63 =	vunpack.i.l.bf16.f32 v58;
	v1 =	vadd.f32 v62, v1;
	(pc) =	sbr.rel .LBB2_12-.Ltmp7, $4  }
0x15f: {  	v0 =	vunpack.i.u.bf16.f32 v58;
	v2 =	vadd.f32 v63, v2  }
0x160: {  	v0 =	vadd.f32 v0, v1  }
0x161: {  	[tilespmem:s17+$0x6D40] =	vst v2  }
0x162: {  	[tilespmem:s17+$0x6D50] =	vst v0  }
.LBB2_13:
0x163: {  	_ =	swait.ge [sflag:s11], $0x500  }
0x164: {  	[sflag:s11] =	ssyncset.done $0x0  }
0x165: {  	[sflag:s11] =	ssyncadd.s32 $0xFFFFFB00  }
0x166: {  	_ =	swait.ge [sflag:s11], $0x500  }
0x167: {  	[sflag:s11] =	ssyncset.done $0x0  }
0x168: {  	[sflag:s11] =	ssyncadd.s32 $0xFFFFFB00  }
0x169: {  	_ =	swait.ge [sflag:s11], $0x500  }
0x16a: {  	[sflag:s11] =	ssyncset.done $0x0  }
0x16b: {  	[sflag:s11] =	ssyncadd.s32 $0xFFFFFB00  }
0x16c: {  	_ =	swait.ge [sflag:s11], $0x500  }
0x16d: {  	[sflag:s11] =	ssyncset.done $0x0  }
0x16e: {  	[sflag:s11] =	ssyncadd.s32 $0xFFFFFB00  }
0x16f: {  	_ =	swait.ge [sflag:s11], $0x500  }
0x170: {  	[sflag:s11] =	ssyncset.done $0x0  }
0x171: {  	[sflag:s11] =	ssyncadd.s32 $0xFFFFFB00  }
0x172: {  	_ =	swait.ge [sflag:s11], $0x500  }
0x173: {  	[sflag:s11] =	ssyncset.done $0x0  }
0x174: {  	[sflag:s11] =	ssyncadd.s32 $0xFFFFFB00  }
0x175: {  	_ =	swait.ge [sflag:s11], $0x500  }
0x176: {  	[sflag:s11] =	ssyncset.done $0x0  }
0x177: {  	[sflag:s11] =	ssyncadd.s32 $0xFFFFFB00  }
0x178: {  	_ =	swait.ge [sflag:s11], $0x500  }
0x179: {  	[sflag:s11] =	ssyncset.done $0x0  }
0x17a: {  	[sflag:s11] =	ssyncadd.s32 $0xFFFFFB00  }
0x17b: {  	_ =	swait.ge [sflag:s11], $0x500  }
0x17c: {  	[sflag:s11] =	ssyncset.done $0x0  }
0x17d: {  	[sflag:s11] =	ssyncadd.s32 $0xFFFFFB00  }
0x17e: {  	_ =	swait.ge [sflag:s11], $0x500  }
0x17f: {  	[sflag:s11] =	ssyncset.done $0x0  }
0x180: {  	s15 =	simm.s32 $0x0;
	[sflag:s11] =	ssyncadd.s32 $0xFFFFFB00  }
0x181: {  	v0 =	vld [tilespmem:s15+$0x3B60];
	_ =	sdelay $0x1  }
0x182: {  	v1 =	vld [tilespmem:s15+$0x3B70];
	_ =	sdelay $0x1  }
0x183: {  	v2 =	vld [tilespmem:s15+$0x3B80]  }
0x184: {  	v3 =	vimm.f32 $0.0e+00;
	v4 =	vunpack.i.l.bf16.f32 v0;
	v0 =	vunpack.i.u.bf16.f32 v0  }
0x185: {  	v5 =	vld [tilespmem:s15+$0x3B90];
	v4 =	vadd.f32 v4, v3;
	v0 =	vadd.f32 v0, v3  }
0x186: {  	v3 =	vunpack.i.l.bf16.f32 v1;
	v1 =	vunpack.i.u.bf16.f32 v1  }
0x187: {  	v3 =	vadd.f32 v3, v4;
	v4 =	vld [tilespmem:s15+$0x3BA0];
	v0 =	vadd.f32 v1, v0  }
0x188: {  	v1 =	vunpack.i.l.bf16.f32 v2;
	v2 =	vunpack.i.u.bf16.f32 v2  }
0x189: {  	v1 =	vadd.f32 v1, v3;
	v3 =	vld [tilespmem:s15+$0x3BB0];
	v0 =	vadd.f32 v2, v0  }
0x18a: {  	v2 =	vunpack.i.l.bf16.f32 v5;
	v5 =	vunpack.i.u.bf16.f32 v5  }
0x18b: {  	v1 =	vadd.f32 v2, v1;
	v2 =	vld [tilespmem:s15+$0x3BC0];
	v0 =	vadd.f32 v5, v0  }
0x18c: {  	v5 =	vunpack.i.l.bf16.f32 v4;
	v4 =	vunpack.i.u.bf16.f32 v4  }
0x18d: {  	v1 =	vadd.f32 v5, v1;
	v5 =	vld [tilespmem:s15+$0x3BD0];
	v0 =	vadd.f32 v4, v0  }
0x18e: {  	v4 =	vunpack.i.l.bf16.f32 v3;
	v3 =	vunpack.i.u.bf16.f32 v3  }
0x18f: {  	v4 =	vadd.f32 v4, v1;
	v0 =	vadd.f32 v3, v0;
	v1 =	vld [tilespmem:s15+$0x3BE0]  }
0x190: {  	v3 =	vunpack.i.l.bf16.f32 v2;
	v6 =	vunpack.i.u.bf16.f32 v2  }
0x191: {  	v2 =	vadd.f32 v3, v4;
	v3 =	vadd.f32 v6, v0;
	v0 =	vld [tilespmem:s15+$0x3BF0]  }
0x192: {  	s16 =	simm.s32 $0x500;
	s15 =	simm.s32 $0xA0;
	v4 =	vunpack.i.u.bf16.f32 v5;
	v5 =	vunpack.i.l.bf16.f32 v5  }
.LBB2_14:
0x193: {  	p0 =	sne.s32 s16, $0x2F80;
	v6 =	vld [tilespmem:s15+$0x3B60];
	v2 =	vadd.f32 v5, v2;
	v3 =	vadd.f32 v4, v3  }
0x194: {  	v4 =	vunpack.i.u.bf16.f32 v1;
	v1 =	vunpack.i.l.bf16.f32 v1  }
0x195: {  	v5 =	vld [tilespmem:s15+$0x3B70];
	v1 =	vadd.f32 v1, v2;
	v2 =	vadd.f32 v4, v3  }
0x196: {  	v3 =	vunpack.i.u.bf16.f32 v0;
	v0 =	vunpack.i.l.bf16.f32 v0  }
0x197: {  	v4 =	vld [tilespmem:s15+$0x3B80];
	v0 =	vadd.f32 v0, v1;
	v1 =	vadd.f32 v3, v2  }
0x198: {  	v2 =	vunpack.i.u.bf16.f32 v6;
	v3 =	vunpack.i.l.bf16.f32 v6  }
0x199: {  	v0 =	vadd.f32 v3, v0;
	v1 =	vadd.f32 v2, v1;
	v2 =	vld [tilespmem:s15+$0x3B90]  }
0x19a: {  	v3 =	vunpack.i.u.bf16.f32 v5;
	v5 =	vunpack.i.l.bf16.f32 v5  }
0x19b: {  	v0 =	vadd.f32 v5, v0;
	v1 =	vadd.f32 v3, v1;
	v3 =	vld [tilespmem:s15+$0x3BA0]  }
0x19c: {  	v5 =	vunpack.i.u.bf16.f32 v4;
	v4 =	vunpack.i.l.bf16.f32 v4  }
0x19d: {  	v0 =	vadd.f32 v4, v0;
	v1 =	vadd.f32 v5, v1;
	v4 =	vld [tilespmem:s15+$0x3BB0]  }
0x19e: {  	v5 =	vunpack.i.u.bf16.f32 v2;
	v2 =	vunpack.i.l.bf16.f32 v2  }
0x19f: {  	v0 =	vadd.f32 v2, v0;
	v1 =	vadd.f32 v5, v1;
	v2 =	vld [tilespmem:s15+$0x3BC0]  }
0x1a0: {  	v5 =	vunpack.i.u.bf16.f32 v3;
	v3 =	vunpack.i.l.bf16.f32 v3  }
0x1a1: {  	v0 =	vadd.f32 v3, v0;
	v1 =	vadd.f32 v5, v1;
	v5 =	vld [tilespmem:s15+$0x3BD0]  }
.Ltmp8:
0x1a2: {  	v3 =	vunpack.i.u.bf16.f32 v4;
	v4 =	vunpack.i.l.bf16.f32 v4;
	(pc) =	sbr.rel @p0 .LBB2_14-.Ltmp8, $4  }
0x1a3: {  	v0 =	vadd.f32 v4, v0;
	v3 =	vadd.f32 v3, v1;
	v1 =	vld [tilespmem:s15+$0x3BE0]  }
0x1a4: {  	v4 =	vunpack.i.u.bf16.f32 v2;
	v2 =	vunpack.i.l.bf16.f32 v2  }
0x1a5: {  	v2 =	vadd.f32 v2, v0;
	v3 =	vadd.f32 v4, v3;
	v0 =	vld [tilespmem:s15+$0x3BF0]  }
0x1a6: {  	s15 =	sshra.s32 s16, $0x2;
	s16 =	sadd.s32 $0x280, s16;
	v4 =	vunpack.i.u.bf16.f32 v5;
	v5 =	vunpack.i.l.bf16.f32 v5  }
0x1a7: {  	v6 =	vld [tilespmem:s15+$0x3B60];
	v2 =	vadd.f32 v5, v2  }
0x1a8: {  	v3 =	vadd.f32 v4, v3;
	v4 =	vunpack.i.l.bf16.f32 v1  }
0x1a9: {  	v5 =	vld [tilespmem:s15+$0x3B70];
	v1 =	vunpack.i.u.bf16.f32 v1;
	v2 =	vadd.f32 v4, v2  }
0x1aa: {  	v1 =	vadd.f32 v1, v3;
	v3 =	vunpack.i.l.bf16.f32 v0  }
0x1ab: {  	v4 =	vld [tilespmem:s15+$0x3B80];
	v0 =	vunpack.i.u.bf16.f32 v0;
	v2 =	vadd.f32 v3, v2  }
0x1ac: {  	v0 =	vadd.f32 v0, v1;
	v1 =	vunpack.i.l.bf16.f32 v6  }
0x1ad: {  	v3 =	vunpack.i.u.bf16.f32 v6;
	v1 =	vadd.f32 v1, v2;
	v2 =	vld [tilespmem:s15+$0x3B90]  }
0x1ae: {  	v0 =	vadd.f32 v3, v0;
	v3 =	vunpack.i.l.bf16.f32 v5  }
0x1af: {  	v5 =	vunpack.i.u.bf16.f32 v5;
	v1 =	vadd.f32 v3, v1;
	v3 =	vld [tilespmem:s15+$0x3BA0]  }
0x1b0: {  	v0 =	vadd.f32 v5, v0;
	v5 =	vunpack.i.l.bf16.f32 v4  }
0x1b1: {  	v4 =	vunpack.i.u.bf16.f32 v4;
	v1 =	vadd.f32 v5, v1;
	v5 =	vld [tilespmem:s15+$0x3BB0]  }
0x1b2: {  	v0 =	vadd.f32 v4, v0;
	v4 =	vunpack.i.l.bf16.f32 v2  }
0x1b3: {  	v2 =	vunpack.i.u.bf16.f32 v2;
	v1 =	vadd.f32 v4, v1;
	v4 =	vld [tilespmem:s15+$0x3BC0]  }
0x1b4: {  	v0 =	vadd.f32 v2, v0;
	v2 =	vunpack.i.l.bf16.f32 v3  }
0x1b5: {  	v3 =	vunpack.i.u.bf16.f32 v3;
	v1 =	vadd.f32 v2, v1;
	v2 =	vld [tilespmem:s15+$0x3BD0]  }
0x1b6: {  	v0 =	vadd.f32 v3, v0;
	v3 =	vunpack.i.l.bf16.f32 v5  }
0x1b7: {  	v5 =	vunpack.i.u.bf16.f32 v5;
	v1 =	vadd.f32 v3, v1;
	v3 =	vld [tilespmem:s15+$0x3BE0]  }
0x1b8: {  	v0 =	vadd.f32 v5, v0;
	v5 =	vunpack.i.l.bf16.f32 v4  }
0x1b9: {  	v4 =	vunpack.i.u.bf16.f32 v4;
	v1 =	vadd.f32 v5, v1;
	v5 =	vld [tilespmem:s15+$0x3BF0]  }
0x1ba: {  	v0 =	vadd.f32 v4, v0;
	v4 =	vunpack.i.l.bf16.f32 v2  }
0x1bb: {  	v2 =	vunpack.i.u.bf16.f32 v2;
	v1 =	vadd.f32 v4, v1  }
0x1bc: {  	v0 =	vadd.f32 v2, v0;
	v2 =	vunpack.i.l.bf16.f32 v3  }
0x1bd: {  	v3 =	vunpack.i.u.bf16.f32 v3;
	v1 =	vadd.f32 v2, v1  }
0x1be: {  	v0 =	vadd.f32 v3, v0;
	v2 =	vunpack.i.l.bf16.f32 v5  }
0x1bf: {  	v3 =	vunpack.i.u.bf16.f32 v5;
	v1 =	vadd.f32 v2, v1  }
0x1c0: {  	v0 =	vadd.f32 v3, v0  }
0x1c1: {  	[tilespmem:$0xACE0] =	vst v1  }
0x1c2: {  	s31 =	simm.s32 $0x0;
	[tilespmem:$0xACF0] =	vst v0  }
0x1c3: {  	v0 =	vld [tilespmem:s31+$0x47E0];
	_ =	sdelay $0x1  }
0x1c4: {  	v1 =	vld [tilespmem:s31+$0x47F0];
	_ =	sdelay $0x1  }
0x1c5: {  	v2 =	vld [tilespmem:s31+$0x4800]  }
0x1c6: {  	v3 =	vimm.f32 $0.0e+00;
	v4 =	vunpack.i.l.bf16.f32 v0;
	v0 =	vunpack.i.u.bf16.f32 v0  }
0x1c7: {  	v5 =	vld [tilespmem:s31+$0x4810];
	v4 =	vadd.f32 v4, v3;
	v0 =	vadd.f32 v0, v3  }
0x1c8: {  	v3 =	vunpack.i.l.bf16.f32 v1;
	v1 =	vunpack.i.u.bf16.f32 v1  }
0x1c9: {  	v3 =	vadd.f32 v3, v4;
	v4 =	vld [tilespmem:s31+$0x4820];
	v0 =	vadd.f32 v1, v0  }
0x1ca: {  	v1 =	vunpack.i.l.bf16.f32 v2;
	v2 =	vunpack.i.u.bf16.f32 v2  }
0x1cb: {  	v1 =	vadd.f32 v1, v3;
	v3 =	vld [tilespmem:s31+$0x4830];
	v0 =	vadd.f32 v2, v0  }
0x1cc: {  	v2 =	vunpack.i.l.bf16.f32 v5;
	v5 =	vunpack.i.u.bf16.f32 v5  }
0x1cd: {  	v1 =	vadd.f32 v2, v1;
	v2 =	vld [tilespmem:s31+$0x4840];
	v0 =	vadd.f32 v5, v0  }
0x1ce: {  	v5 =	vunpack.i.l.bf16.f32 v4;
	v4 =	vunpack.i.u.bf16.f32 v4  }
0x1cf: {  	v1 =	vadd.f32 v5, v1;
	v5 =	vld [tilespmem:s31+$0x4850];
	v0 =	vadd.f32 v4, v0  }
0x1d0: {  	v4 =	vunpack.i.l.bf16.f32 v3;
	v3 =	vunpack.i.u.bf16.f32 v3  }
0x1d1: {  	v4 =	vadd.f32 v4, v1;
	v0 =	vadd.f32 v3, v0;
	v1 =	vld [tilespmem:s31+$0x4860]  }
0x1d2: {  	v3 =	vunpack.i.l.bf16.f32 v2;
	v6 =	vunpack.i.u.bf16.f32 v2  }
0x1d3: {  	v2 =	vadd.f32 v3, v4;
	v3 =	vadd.f32 v6, v0;
	v0 =	vld [tilespmem:s31+$0x4870]  }
0x1d4: {  	s16 =	simm.s32 $0x500;
	s15 =	simm.s32 $0xA0;
	v4 =	vunpack.i.u.bf16.f32 v5;
	v5 =	vunpack.i.l.bf16.f32 v5  }
.LBB2_16:
0x1d5: {  	p0 =	sne.s32 s16, $0x2F80;
	v6 =	vld [tilespmem:s15+$0x47E0];
	v2 =	vadd.f32 v5, v2;
	v3 =	vadd.f32 v4, v3  }
0x1d6: {  	v4 =	vunpack.i.u.bf16.f32 v1;
	v1 =	vunpack.i.l.bf16.f32 v1  }
0x1d7: {  	v5 =	vld [tilespmem:s15+$0x47F0];
	v1 =	vadd.f32 v1, v2;
	v2 =	vadd.f32 v4, v3  }
0x1d8: {  	v3 =	vunpack.i.u.bf16.f32 v0;
	v0 =	vunpack.i.l.bf16.f32 v0  }
0x1d9: {  	v4 =	vld [tilespmem:s15+$0x4800];
	v0 =	vadd.f32 v0, v1;
	v1 =	vadd.f32 v3, v2  }
0x1da: {  	v2 =	vunpack.i.u.bf16.f32 v6;
	v3 =	vunpack.i.l.bf16.f32 v6  }
0x1db: {  	v0 =	vadd.f32 v3, v0;
	v1 =	vadd.f32 v2, v1;
	v2 =	vld [tilespmem:s15+$0x4810]  }
0x1dc: {  	v3 =	vunpack.i.u.bf16.f32 v5;
	v5 =	vunpack.i.l.bf16.f32 v5  }
0x1dd: {  	v0 =	vadd.f32 v5, v0;
	v1 =	vadd.f32 v3, v1;
	v3 =	vld [tilespmem:s15+$0x4820]  }
0x1de: {  	v5 =	vunpack.i.u.bf16.f32 v4;
	v4 =	vunpack.i.l.bf16.f32 v4  }
0x1df: {  	v0 =	vadd.f32 v4, v0;
	v1 =	vadd.f32 v5, v1;
	v4 =	vld [tilespmem:s15+$0x4830]  }
0x1e0: {  	v5 =	vunpack.i.u.bf16.f32 v2;
	v2 =	vunpack.i.l.bf16.f32 v2  }
0x1e1: {  	v0 =	vadd.f32 v2, v0;
	v1 =	vadd.f32 v5, v1;
	v2 =	vld [tilespmem:s15+$0x4840]  }
0x1e2: {  	v5 =	vunpack.i.u.bf16.f32 v3;
	v3 =	vunpack.i.l.bf16.f32 v3  }
0x1e3: {  	v0 =	vadd.f32 v3, v0;
	v1 =	vadd.f32 v5, v1;
	v5 =	vld [tilespmem:s15+$0x4850]  }
.Ltmp9:
0x1e4: {  	v3 =	vunpack.i.u.bf16.f32 v4;
	v4 =	vunpack.i.l.bf16.f32 v4;
	(pc) =	sbr.rel @p0 .LBB2_16-.Ltmp9, $4  }
0x1e5: {  	v0 =	vadd.f32 v4, v0;
	v3 =	vadd.f32 v3, v1;
	v1 =	vld [tilespmem:s15+$0x4860]  }
0x1e6: {  	v4 =	vunpack.i.u.bf16.f32 v2;
	v2 =	vunpack.i.l.bf16.f32 v2  }
0x1e7: {  	v2 =	vadd.f32 v2, v0;
	v3 =	vadd.f32 v4, v3;
	v0 =	vld [tilespmem:s15+$0x4870]  }
0x1e8: {  	s15 =	sshra.s32 s16, $0x2;
	s16 =	sadd.s32 $0x280, s16;
	v4 =	vunpack.i.u.bf16.f32 v5;
	v5 =	vunpack.i.l.bf16.f32 v5  }
0x1e9: {  	v6 =	vld [tilespmem:s15+$0x47E0];
	v2 =	vadd.f32 v5, v2  }
0x1ea: {  	v3 =	vadd.f32 v4, v3;
	v4 =	vunpack.i.l.bf16.f32 v1  }
0x1eb: {  	v5 =	vld [tilespmem:s15+$0x47F0];
	v1 =	vunpack.i.u.bf16.f32 v1;
	v2 =	vadd.f32 v4, v2  }
0x1ec: {  	v1 =	vadd.f32 v1, v3;
	v3 =	vunpack.i.l.bf16.f32 v0  }
0x1ed: {  	v4 =	vld [tilespmem:s15+$0x4800];
	v0 =	vunpack.i.u.bf16.f32 v0;
	v2 =	vadd.f32 v3, v2  }
0x1ee: {  	v0 =	vadd.f32 v0, v1;
	v1 =	vunpack.i.l.bf16.f32 v6  }
0x1ef: {  	v3 =	vunpack.i.u.bf16.f32 v6;
	v1 =	vadd.f32 v1, v2;
	v2 =	vld [tilespmem:s15+$0x4810]  }
0x1f0: {  	v0 =	vadd.f32 v3, v0;
	v3 =	vunpack.i.l.bf16.f32 v5  }
0x1f1: {  	v5 =	vunpack.i.u.bf16.f32 v5;
	v1 =	vadd.f32 v3, v1;
	v3 =	vld [tilespmem:s15+$0x4820]  }
0x1f2: {  	v0 =	vadd.f32 v5, v0;
	v5 =	vunpack.i.l.bf16.f32 v4  }
0x1f3: {  	v4 =	vunpack.i.u.bf16.f32 v4;
	v1 =	vadd.f32 v5, v1;
	v5 =	vld [tilespmem:s15+$0x4830]  }
0x1f4: {  	v0 =	vadd.f32 v4, v0;
	v4 =	vunpack.i.l.bf16.f32 v2  }
0x1f5: {  	v2 =	vunpack.i.u.bf16.f32 v2;
	v1 =	vadd.f32 v4, v1;
	v4 =	vld [tilespmem:s15+$0x4840]  }
0x1f6: {  	v0 =	vadd.f32 v2, v0;
	v2 =	vunpack.i.l.bf16.f32 v3  }
0x1f7: {  	v3 =	vunpack.i.u.bf16.f32 v3;
	v1 =	vadd.f32 v2, v1;
	v2 =	vld [tilespmem:s15+$0x4850]  }
0x1f8: {  	v0 =	vadd.f32 v3, v0;
	v3 =	vunpack.i.l.bf16.f32 v5  }
0x1f9: {  	v5 =	vunpack.i.u.bf16.f32 v5;
	v1 =	vadd.f32 v3, v1;
	v3 =	vld [tilespmem:s15+$0x4860]  }
0x1fa: {  	v0 =	vadd.f32 v5, v0;
	v5 =	vunpack.i.l.bf16.f32 v4  }
0x1fb: {  	v4 =	vunpack.i.u.bf16.f32 v4;
	v1 =	vadd.f32 v5, v1;
	v5 =	vld [tilespmem:s15+$0x4870]  }
0x1fc: {  	v0 =	vadd.f32 v4, v0;
	v4 =	vunpack.i.l.bf16.f32 v2  }
0x1fd: {  	v2 =	vunpack.i.u.bf16.f32 v2;
	v1 =	vadd.f32 v4, v1  }
0x1fe: {  	v0 =	vadd.f32 v2, v0;
	v2 =	vunpack.i.l.bf16.f32 v3  }
0x1ff: {  	v3 =	vunpack.i.u.bf16.f32 v3;
	v1 =	vadd.f32 v2, v1  }
0x200: {  	v0 =	vadd.f32 v3, v0;
	v2 =	vunpack.i.l.bf16.f32 v5  }
0x201: {  	v3 =	vunpack.i.u.bf16.f32 v5;
	v1 =	vadd.f32 v2, v1  }
0x202: {  	v0 =	vadd.f32 v3, v0  }
0x203: {  	[tilespmem:$0xAD00] =	vst v1  }
0x204: {  	s31 =	simm.s32 $0x0;
	[tilespmem:$0xAD10] =	vst v0  }
0x205: {  	v0 =	vld [tilespmem:s31+$0x5460];
	_ =	sdelay $0x1  }
0x206: {  	v1 =	vld [tilespmem:s31+$0x5470];
	_ =	sdelay $0x1  }
0x207: {  	v2 =	vld [tilespmem:s31+$0x5480]  }
0x208: {  	v3 =	vimm.f32 $0.0e+00;
	v4 =	vunpack.i.l.bf16.f32 v0;
	v0 =	vunpack.i.u.bf16.f32 v0  }
0x209: {  	v5 =	vld [tilespmem:s31+$0x5490];
	v4 =	vadd.f32 v4, v3;
	v0 =	vadd.f32 v0, v3  }
0x20a: {  	v3 =	vunpack.i.l.bf16.f32 v1;
	v1 =	vunpack.i.u.bf16.f32 v1  }
0x20b: {  	v3 =	vadd.f32 v3, v4;
	v4 =	vld [tilespmem:s31+$0x54A0];
	v0 =	vadd.f32 v1, v0  }
0x20c: {  	v1 =	vunpack.i.l.bf16.f32 v2;
	v2 =	vunpack.i.u.bf16.f32 v2  }
0x20d: {  	v1 =	vadd.f32 v1, v3;
	v3 =	vld [tilespmem:s31+$0x54B0];
	v0 =	vadd.f32 v2, v0  }
0x20e: {  	v2 =	vunpack.i.l.bf16.f32 v5;
	v5 =	vunpack.i.u.bf16.f32 v5  }
0x20f: {  	v1 =	vadd.f32 v2, v1;
	v2 =	vld [tilespmem:s31+$0x54C0];
	v0 =	vadd.f32 v5, v0  }
0x210: {  	v5 =	vunpack.i.l.bf16.f32 v4;
	v4 =	vunpack.i.u.bf16.f32 v4  }
0x211: {  	v1 =	vadd.f32 v5, v1;
	v5 =	vld [tilespmem:s31+$0x54D0];
	v0 =	vadd.f32 v4, v0  }
0x212: {  	v4 =	vunpack.i.l.bf16.f32 v3;
	v3 =	vunpack.i.u.bf16.f32 v3  }
0x213: {  	v4 =	vadd.f32 v4, v1;
	v0 =	vadd.f32 v3, v0;
	v1 =	vld [tilespmem:s31+$0x54E0]  }
0x214: {  	v3 =	vunpack.i.l.bf16.f32 v2;
	v6 =	vunpack.i.u.bf16.f32 v2  }
0x215: {  	v2 =	vadd.f32 v3, v4;
	v3 =	vadd.f32 v6, v0;
	v0 =	vld [tilespmem:s31+$0x54F0]  }
0x216: {  	s16 =	simm.s32 $0x500;
	s15 =	simm.s32 $0xA0;
	v4 =	vunpack.i.u.bf16.f32 v5;
	v5 =	vunpack.i.l.bf16.f32 v5  }
.LBB2_18:
0x217: {  	p0 =	sne.s32 s16, $0x2F80;
	v6 =	vld [tilespmem:s15+$0x5460];
	v2 =	vadd.f32 v5, v2;
	v3 =	vadd.f32 v4, v3  }
0x218: {  	v4 =	vunpack.i.u.bf16.f32 v1;
	v1 =	vunpack.i.l.bf16.f32 v1  }
0x219: {  	v5 =	vld [tilespmem:s15+$0x5470];
	v1 =	vadd.f32 v1, v2;
	v2 =	vadd.f32 v4, v3  }
0x21a: {  	v3 =	vunpack.i.u.bf16.f32 v0;
	v0 =	vunpack.i.l.bf16.f32 v0  }
0x21b: {  	v4 =	vld [tilespmem:s15+$0x5480];
	v0 =	vadd.f32 v0, v1;
	v1 =	vadd.f32 v3, v2  }
0x21c: {  	v2 =	vunpack.i.u.bf16.f32 v6;
	v3 =	vunpack.i.l.bf16.f32 v6  }
0x21d: {  	v0 =	vadd.f32 v3, v0;
	v1 =	vadd.f32 v2, v1;
	v2 =	vld [tilespmem:s15+$0x5490]  }
0x21e: {  	v3 =	vunpack.i.u.bf16.f32 v5;
	v5 =	vunpack.i.l.bf16.f32 v5  }
0x21f: {  	v0 =	vadd.f32 v5, v0;
	v1 =	vadd.f32 v3, v1;
	v3 =	vld [tilespmem:s15+$0x54A0]  }
0x220: {  	v5 =	vunpack.i.u.bf16.f32 v4;
	v4 =	vunpack.i.l.bf16.f32 v4  }
0x221: {  	v0 =	vadd.f32 v4, v0;
	v1 =	vadd.f32 v5, v1;
	v4 =	vld [tilespmem:s15+$0x54B0]  }
0x222: {  	v5 =	vunpack.i.u.bf16.f32 v2;
	v2 =	vunpack.i.l.bf16.f32 v2  }
0x223: {  	v0 =	vadd.f32 v2, v0;
	v1 =	vadd.f32 v5, v1;
	v2 =	vld [tilespmem:s15+$0x54C0]  }
0x224: {  	v5 =	vunpack.i.u.bf16.f32 v3;
	v3 =	vunpack.i.l.bf16.f32 v3  }
0x225: {  	v0 =	vadd.f32 v3, v0;
	v1 =	vadd.f32 v5, v1;
	v5 =	vld [tilespmem:s15+$0x54D0]  }
.Ltmp10:
0x226: {  	v3 =	vunpack.i.u.bf16.f32 v4;
	v4 =	vunpack.i.l.bf16.f32 v4;
	(pc) =	sbr.rel @p0 .LBB2_18-.Ltmp10, $4  }
0x227: {  	v0 =	vadd.f32 v4, v0;
	v3 =	vadd.f32 v3, v1;
	v1 =	vld [tilespmem:s15+$0x54E0]  }
0x228: {  	v4 =	vunpack.i.u.bf16.f32 v2;
	v2 =	vunpack.i.l.bf16.f32 v2  }
0x229: {  	v2 =	vadd.f32 v2, v0;
	v3 =	vadd.f32 v4, v3;
	v0 =	vld [tilespmem:s15+$0x54F0]  }
0x22a: {  	s15 =	sshra.s32 s16, $0x2;
	s16 =	sadd.s32 $0x280, s16;
	v4 =	vunpack.i.u.bf16.f32 v5;
	v5 =	vunpack.i.l.bf16.f32 v5  }
0x22b: {  	v6 =	vld [tilespmem:s15+$0x5460];
	v2 =	vadd.f32 v5, v2  }
0x22c: {  	v3 =	vadd.f32 v4, v3;
	v4 =	vunpack.i.l.bf16.f32 v1  }
0x22d: {  	v5 =	vld [tilespmem:s15+$0x5470];
	v1 =	vunpack.i.u.bf16.f32 v1;
	v2 =	vadd.f32 v4, v2  }
0x22e: {  	v1 =	vadd.f32 v1, v3;
	v3 =	vunpack.i.l.bf16.f32 v0  }
0x22f: {  	v4 =	vld [tilespmem:s15+$0x5480];
	v0 =	vunpack.i.u.bf16.f32 v0;
	v2 =	vadd.f32 v3, v2  }
0x230: {  	v0 =	vadd.f32 v0, v1;
	v1 =	vunpack.i.l.bf16.f32 v6  }
0x231: {  	v3 =	vunpack.i.u.bf16.f32 v6;
	v1 =	vadd.f32 v1, v2;
	v2 =	vld [tilespmem:s15+$0x5490]  }
0x232: {  	v0 =	vadd.f32 v3, v0;
	v3 =	vunpack.i.l.bf16.f32 v5  }
0x233: {  	v5 =	vunpack.i.u.bf16.f32 v5;
	v1 =	vadd.f32 v3, v1;
	v3 =	vld [tilespmem:s15+$0x54A0]  }
0x234: {  	v0 =	vadd.f32 v5, v0;
	v5 =	vunpack.i.l.bf16.f32 v4  }
0x235: {  	v4 =	vunpack.i.u.bf16.f32 v4;
	v1 =	vadd.f32 v5, v1;
	v5 =	vld [tilespmem:s15+$0x54B0]  }
0x236: {  	v0 =	vadd.f32 v4, v0;
	v4 =	vunpack.i.l.bf16.f32 v2  }
0x237: {  	v2 =	vunpack.i.u.bf16.f32 v2;
	v1 =	vadd.f32 v4, v1;
	v4 =	vld [tilespmem:s15+$0x54C0]  }
0x238: {  	v0 =	vadd.f32 v2, v0;
	v2 =	vunpack.i.l.bf16.f32 v3  }
0x239: {  	v3 =	vunpack.i.u.bf16.f32 v3;
	v1 =	vadd.f32 v2, v1;
	v2 =	vld [tilespmem:s15+$0x54D0]  }
0x23a: {  	v0 =	vadd.f32 v3, v0;
	v3 =	vunpack.i.l.bf16.f32 v5  }
0x23b: {  	v5 =	vunpack.i.u.bf16.f32 v5;
	v1 =	vadd.f32 v3, v1;
	v3 =	vld [tilespmem:s15+$0x54E0]  }
0x23c: {  	v0 =	vadd.f32 v5, v0;
	v5 =	vunpack.i.l.bf16.f32 v4  }
0x23d: {  	v4 =	vunpack.i.u.bf16.f32 v4;
	v1 =	vadd.f32 v5, v1;
	v5 =	vld [tilespmem:s15+$0x54F0]  }
0x23e: {  	v0 =	vadd.f32 v4, v0;
	v4 =	vunpack.i.l.bf16.f32 v2  }
0x23f: {  	v2 =	vunpack.i.u.bf16.f32 v2;
	v1 =	vadd.f32 v4, v1  }
0x240: {  	v0 =	vadd.f32 v2, v0;
	v2 =	vunpack.i.l.bf16.f32 v3  }
0x241: {  	v3 =	vunpack.i.u.bf16.f32 v3;
	v1 =	vadd.f32 v2, v1  }
0x242: {  	v0 =	vadd.f32 v3, v0;
	v2 =	vunpack.i.l.bf16.f32 v5  }
0x243: {  	v3 =	vunpack.i.u.bf16.f32 v5;
	v1 =	vadd.f32 v2, v1  }
0x244: {  	v0 =	vadd.f32 v3, v0  }
0x245: {  	[tilespmem:$0xAD20] =	vst v1  }
0x246: {  	s31 =	simm.s32 $0x0;
	[tilespmem:$0xAD30] =	vst v0  }
0x247: {  	v0 =	vld [tilespmem:s31+$0x60E0];
	_ =	sdelay $0x1  }
0x248: {  	v1 =	vld [tilespmem:s31+$0x60F0];
	_ =	sdelay $0x1  }
0x249: {  	v2 =	vld [tilespmem:s31+$0x6100]  }
0x24a: {  	v3 =	vimm.f32 $0.0e+00;
	v4 =	vunpack.i.l.bf16.f32 v0;
	v0 =	vunpack.i.u.bf16.f32 v0  }
0x24b: {  	v5 =	vld [tilespmem:s31+$0x6110];
	v4 =	vadd.f32 v4, v3;
	v0 =	vadd.f32 v0, v3  }
0x24c: {  	v3 =	vunpack.i.l.bf16.f32 v1;
	v1 =	vunpack.i.u.bf16.f32 v1  }
0x24d: {  	v3 =	vadd.f32 v3, v4;
	v4 =	vld [tilespmem:s31+$0x6120];
	v0 =	vadd.f32 v1, v0  }
0x24e: {  	v1 =	vunpack.i.l.bf16.f32 v2;
	v2 =	vunpack.i.u.bf16.f32 v2  }
0x24f: {  	v1 =	vadd.f32 v1, v3;
	v3 =	vld [tilespmem:s31+$0x6130];
	v0 =	vadd.f32 v2, v0  }
0x250: {  	v2 =	vunpack.i.l.bf16.f32 v5;
	v5 =	vunpack.i.u.bf16.f32 v5  }
0x251: {  	v1 =	vadd.f32 v2, v1;
	v2 =	vld [tilespmem:s31+$0x6140];
	v0 =	vadd.f32 v5, v0  }
0x252: {  	v5 =	vunpack.i.l.bf16.f32 v4;
	v4 =	vunpack.i.u.bf16.f32 v4  }
0x253: {  	v1 =	vadd.f32 v5, v1;
	v5 =	vld [tilespmem:s31+$0x6150];
	v0 =	vadd.f32 v4, v0  }
0x254: {  	v4 =	vunpack.i.l.bf16.f32 v3;
	v3 =	vunpack.i.u.bf16.f32 v3  }
0x255: {  	v4 =	vadd.f32 v4, v1;
	v0 =	vadd.f32 v3, v0;
	v1 =	vld [tilespmem:s31+$0x6160]  }
0x256: {  	v3 =	vunpack.i.l.bf16.f32 v2;
	v6 =	vunpack.i.u.bf16.f32 v2  }
0x257: {  	v2 =	vadd.f32 v3, v4;
	v3 =	vadd.f32 v6, v0;
	v0 =	vld [tilespmem:s31+$0x6170]  }
0x258: {  	s16 =	simm.s32 $0x500;
	s15 =	simm.s32 $0xA0;
	v4 =	vunpack.i.u.bf16.f32 v5;
	v5 =	vunpack.i.l.bf16.f32 v5  }
.LBB2_20:
0x259: {  	p0 =	sne.s32 s16, $0x2F80;
	v6 =	vld [tilespmem:s15+$0x60E0];
	v2 =	vadd.f32 v5, v2;
	v3 =	vadd.f32 v4, v3  }
0x25a: {  	v4 =	vunpack.i.u.bf16.f32 v1;
	v1 =	vunpack.i.l.bf16.f32 v1  }
0x25b: {  	v5 =	vld [tilespmem:s15+$0x60F0];
	v1 =	vadd.f32 v1, v2;
	v2 =	vadd.f32 v4, v3  }
0x25c: {  	v3 =	vunpack.i.u.bf16.f32 v0;
	v0 =	vunpack.i.l.bf16.f32 v0  }
0x25d: {  	v4 =	vld [tilespmem:s15+$0x6100];
	v0 =	vadd.f32 v0, v1;
	v1 =	vadd.f32 v3, v2  }
0x25e: {  	v2 =	vunpack.i.u.bf16.f32 v6;
	v3 =	vunpack.i.l.bf16.f32 v6  }
0x25f: {  	v0 =	vadd.f32 v3, v0;
	v1 =	vadd.f32 v2, v1;
	v2 =	vld [tilespmem:s15+$0x6110]  }
0x260: {  	v3 =	vunpack.i.u.bf16.f32 v5;
	v5 =	vunpack.i.l.bf16.f32 v5  }
0x261: {  	v0 =	vadd.f32 v5, v0;
	v1 =	vadd.f32 v3, v1;
	v3 =	vld [tilespmem:s15+$0x6120]  }
0x262: {  	v5 =	vunpack.i.u.bf16.f32 v4;
	v4 =	vunpack.i.l.bf16.f32 v4  }
0x263: {  	v0 =	vadd.f32 v4, v0;
	v1 =	vadd.f32 v5, v1;
	v4 =	vld [tilespmem:s15+$0x6130]  }
0x264: {  	v5 =	vunpack.i.u.bf16.f32 v2;
	v2 =	vunpack.i.l.bf16.f32 v2  }
0x265: {  	v0 =	vadd.f32 v2, v0;
	v1 =	vadd.f32 v5, v1;
	v2 =	vld [tilespmem:s15+$0x6140]  }
0x266: {  	v5 =	vunpack.i.u.bf16.f32 v3;
	v3 =	vunpack.i.l.bf16.f32 v3  }
0x267: {  	v0 =	vadd.f32 v3, v0;
	v1 =	vadd.f32 v5, v1;
	v5 =	vld [tilespmem:s15+$0x6150]  }
.Ltmp11:
0x268: {  	v3 =	vunpack.i.u.bf16.f32 v4;
	v4 =	vunpack.i.l.bf16.f32 v4;
	(pc) =	sbr.rel @p0 .LBB2_20-.Ltmp11, $4  }
0x269: {  	v0 =	vadd.f32 v4, v0;
	v3 =	vadd.f32 v3, v1;
	v1 =	vld [tilespmem:s15+$0x6160]  }
0x26a: {  	v4 =	vunpack.i.u.bf16.f32 v2;
	v2 =	vunpack.i.l.bf16.f32 v2  }
0x26b: {  	v2 =	vadd.f32 v2, v0;
	v3 =	vadd.f32 v4, v3;
	v0 =	vld [tilespmem:s15+$0x6170]  }
0x26c: {  	s15 =	sshra.s32 s16, $0x2;
	s16 =	sadd.s32 $0x280, s16;
	v4 =	vunpack.i.u.bf16.f32 v5;
	v5 =	vunpack.i.l.bf16.f32 v5  }
0x26d: {  	v6 =	vld [tilespmem:s15+$0x60E0];
	v2 =	vadd.f32 v5, v2  }
0x26e: {  	v3 =	vadd.f32 v4, v3;
	v39 =	vunpack.i.l.bf16.f32 v1  }
0x26f: {  	v41 =	vld [tilespmem:s15+$0x60F0];
	v40 =	vunpack.i.u.bf16.f32 v1;
	v2 =	vadd.f32 v39, v2  }
0x270: {  	v1 =	vadd.f32 v40, v3;
	v42 =	vunpack.i.l.bf16.f32 v0  }
0x271: {  	v44 =	vld [tilespmem:s15+$0x6100];
	v43 =	vunpack.i.u.bf16.f32 v0;
	v2 =	vadd.f32 v42, v2  }
0x272: {  	v0 =	vadd.f32 v43, v1;
	v45 =	vunpack.i.l.bf16.f32 v6  }
0x273: {  	v47 =	vld [tilespmem:s15+$0x6110];
	v46 =	vunpack.i.u.bf16.f32 v6;
	v1 =	vadd.f32 v45, v2  }
0x274: {  	v48 =	vunpack.i.l.bf16.f32 v41;
	v0 =	vadd.f32 v46, v0  }
0x275: {  	v49 =	vld [tilespmem:s15+$0x6120];
	v5 =	vunpack.i.u.bf16.f32 v41;
	v1 =	vadd.f32 v48, v1  }
0x276: {  	v50 =	vunpack.i.l.bf16.f32 v44;
	v0 =	vadd.f32 v5, v0  }
0x277: {  	v51 =	vld [tilespmem:s15+$0x6130];
	v4 =	vunpack.i.u.bf16.f32 v44;
	v1 =	vadd.f32 v50, v1  }
0x278: {  	v52 =	vunpack.i.l.bf16.f32 v47;
	v0 =	vadd.f32 v4, v0  }
0x279: {  	v53 =	vld [tilespmem:s15+$0x6140];
	v2 =	vunpack.i.u.bf16.f32 v47;
	v1 =	vadd.f32 v52, v1  }
0x27a: {  	v54 =	vunpack.i.l.bf16.f32 v49;
	v0 =	vadd.f32 v2, v0  }
0x27b: {  	v55 =	vld [tilespmem:s15+$0x6150];
	v3 =	vunpack.i.u.bf16.f32 v49;
	v1 =	vadd.f32 v54, v1  }
0x27c: {  	v56 =	vunpack.i.l.bf16.f32 v51;
	v0 =	vadd.f32 v3, v0  }
0x27d: {  	v57 =	vld [tilespmem:s15+$0x6160];
	v5 =	vunpack.i.u.bf16.f32 v51;
	v1 =	vadd.f32 v56, v1  }
0x27e: {  	v58 =	vunpack.i.l.bf16.f32 v53;
	v0 =	vadd.f32 v5, v0  }
0x27f: {  	v59 =	vld [tilespmem:s15+$0x6170];
	v4 =	vunpack.i.u.bf16.f32 v53;
	v1 =	vadd.f32 v58, v1  }
0x280: {  	v60 =	vunpack.i.l.bf16.f32 v55;
	v0 =	vadd.f32 v4, v0  }
0x281: {  	v2 =	vunpack.i.u.bf16.f32 v55;
	v1 =	vadd.f32 v60, v1  }
0x282: {  	v61 =	vunpack.i.l.bf16.f32 v57;
	v0 =	vadd.f32 v2, v0  }
0x283: {  	v3 =	vunpack.i.u.bf16.f32 v57;
	v1 =	vadd.f32 v61, v1  }
0x284: {  	v62 =	vunpack.i.l.bf16.f32 v59;
	v0 =	vadd.f32 v3, v0  }
0x285: {  	v63 =	vunpack.i.u.bf16.f32 v59;
	v1 =	vadd.f32 v62, v1  }
0x286: {  	s14 =	sadd.s32 $0x1, s14;
	v0 =	vadd.f32 v63, v0  }
0x287: {  	p0 =	sne.s32 s14, s8;
	[tilespmem:$0xAD40] =	vst v1  }
.Ltmp12:
0x288: {  	[tilespmem:$0xAD50] =	vst v0;
	(pc) =	sbr.rel @p0 .LBB2_1-.Ltmp12, $4  }
0x289: {  	[hbm4b:s7+s2] =	stream.linear.scatter [tilespmem:s12], [sflag:$0x3], $0x4000, $0x38;
	[tilespmem:$0xAD60] =	vst v63  }
0x28a: {  	_ =	swait.ge [sflag:s13], $0x4000  }
0x28b: {  	[sflag:s13] =	ssyncset.done $0x0  }
0x28c: {  	[sflag:s13] =	ssyncadd.s32 $0xFFFFC000  }
0x28d: {  	_ =	sfence.sel $0x180000  }
0x28e: {  	[bflag:$0x0] =	sbarrier.arrive $0xFFFF  }
0x28f: {  	p0 =	sne.s32 s1, $0x0;
	_ =	strace $0x9000004D  }
0x290: {  	s0 =	sadd.s32 @!p0 $0x100000, s0;
	[bflag:$0x2] =	sbarrier.arrive $0xFFFF  }
0x291: {  	[sflag:s0] =	ssyncadd.tile.s32 @!p0 $0x1;
	_ =	shalt  }
.Lfunc_end2:
_tile_overlayer_lowered:
.L_overlay_start_2:
0x292: {  	(tag) =	ssettag $0x2  }
0x293: {  	s0 =	rddreg [dreg:$0x0];
	s2 =	stileid.u32  }
0x294: {  	s1 =	rddreg [dreg:$0x1];
	p0 =	sne.s32 s2, $0x0  }
0x295: {  	s3 =	rddreg [dreg:$0x2];
	[bflag:$0x3] =	sbarrier.arrive $0xFFFF;
	s2 =	simm.s32 @!p0 $0x1C03  }
0x296: {  	[timem:s3], [sflag:s2] =	dma.local @!p0 [hbm:s0], s1  }
0x297: {  	s0 =	simm.s32 @!p0 $0x3  }
0x298: {  	_ =	swait.ge @!p0 [sflag:s0], s1  }
0x299: {  	s1 =	ssub.s32 @!p0 $0x0, s1;
	[sflag:s0] =	ssyncset.done @!p0 $0x0  }
0x29a: {  	[sflag:s0] =	ssyncadd.s32 @!p0 s1  }
0x29b: {  	[bflag:$0x3] =	sbarrier.arrive $0xFFFF  }
0x29c: {  	_ =	shalt  }

// kernel: sparse-core-data-format-call.1.cloned.1.call-start
scs
called_computation.1_lowered:
.L_overlay_start_0:
0x0: {  	s1 =	sld [smem:$0x3FD9]  }
0x1: {  	s2 =	sld [smem:$0x3FFE];
	_ =	sdelay $0x1  }
0x2: {  	s3 =	srdreg.scid  }
0x3: {  	s0 =	sand.u32 $0x1, s3  }
0x4: {  	s17 =	sshll.u32 s0, $0xA;
	s1 =	sadd.s32 s2, s1  }
0x5: {  	s1 =	sadd.s32 s1, s17  }
0x6: {  	[smem:$0x3FC4] =	sst s1  }
0x7: {  	_ = 	snop  }
0x8: {  	(tm) =	ssettm $0x1  }
0x9: {  	s18 =	sld [smem:$0x3FFB];
	_ =	sdelay $0x3  }
0xa: {  	_ =	strace s18  }
0xb: {  	s1 =	sld [smem:$0x3FFC];
	_ =	sdelay $0x3  }
0xc: {  	_ =	strace s1  }
0xd: {  	s1 =	sld [smem:$0x3FFD];
	_ =	sdelay $0x3  }
0xe: {  	_ =	strace s1  }
0xf: {  	_ =	strace $0x8FFFFFFF  }
0x10: {  	s19 =	sld [smem:$0x3FDB];
	_ =	sdelay $0x1  }
0x11: {  	s20 =	simm.s32 $_scs_section_size  }
0x12: {  	s4 =	simm.s32 $_size__tile_overlayer_lowered;
	s5 =	simm.s32 $_tile_overlayer_lowered  }
0x13: {  	s23 =	simm.s32 $0x1BFF;
	s22 =	sshll.u32 s5, $0x1;
	s1 =	sadd.s32 s20, s19  }
0x14: {  	s6 =	simm.s32 $0x0;
	s21 =	sshll.u32 s4, $0x1;
	s4 =	sadd.s32 s22, s1  }
0x15: {  	[timem:s6], [sflag:s23] =	dma.local [hbm:s4], s21  }
0x16: {  	_ =	swait.ge [sflag:s23], s21  }
0x17: {  	s2 =	ssub.s32 $0x0, s21;
	[sflag:s23] =	ssyncset.done $0x0  }
0x18: {  	[sflag:s23] =	ssyncadd.s32 s2;
	_ =	sdelay $0x1  }
0x19: {  	s24 =	simm.s32 $0x1B8B  }
0x1a: {  	_ =	swait.ge [sflag:s24], $0x1  }
0x1b: {  	[sflag:s24] =	ssyncset.done $0x0  }
0x1c: {  	s26 =	simm.s32 $0x1B8E;
	s25 =	sld [smem:$0x3FFE];
	[sflag:s24] =	ssyncadd.s32 $0xFFFFFFFF  }
0x1d: {  	s27 =	simm.s32 $execute0_lowered;
	[smem:$0x3FD2] =	sst s26  }
0x1e: {  	s4 =	sshll.u32 s27, $0x1;
	_ =	strace $0x80000046;
	[dreg:$0x1] =	wrdreg $0xFFFFFFFF  }
0x1f: {  	s28 =	simm.s32 $_size_execute0_lowered;
	s1 =	sadd.s32 s1, s4;
	[dreg:$0x0] =	wrdreg $0x0  }
0x20: {  	s4 =	sshll.u32 s28, $0x1;
	[dreg:$0x2] =	wrdreg s1  }
0x21: {  	[dreg:$0x3] =	wrdreg s4  }
0x22: {  	[dreg:$0x4] =	wrdreg $0xC0  }
0x23: {  	_ =	task [dreg:s6], $0x5FFFF  }
0x24: {  	[dreg:$0x1] =	wrdreg $0xFFFFFFFF  }
0x25: {  	[dreg:$0x0] =	wrdreg $0x60  }
0x26: {  	[dreg:$0x2] =	wrdreg s25  }
0x27: {  	[dreg:$0x3] =	wrdreg $0x9  }
0x28: {  	_ =	task.clear_ibuf [dreg:s6], $0x4FFFF;
	_ =	strace $0x90000046  }
0x29: {  	s29 =	simm.s32 $0x9;
	_ =	strace $0x80000048  }
0x2a: {  	_ =	swait.ge [sflag:s29], $0x1  }
0x2b: {  	[sflag:s29] =	ssyncadd.s32 $0xFFFFFFFF  }
0x2c: {  	_ =	strace $0x90000048  }
0x2d: {  	_ =	sfence  }
0x2e: {  	s30 =	sld [smem:$0x0];
	_ =	sdelay $0x2  }
0x2f: {  	s31 =	sshll.u32 s3, $0xD;
	s3 =	sshrl.u32 s3, $0x2  }
0x30: {  	s2 =	sand.u32 $0x4000, s31;
	s1 =	sadd.s32 s3, s30  }
0x31: {  	s0 =	sor.u32 s2, s0;
	s1 =	sshll.u32 s1, $0x11  }
0x32: {  	s0 =	sor.u32 s1, s0  }
0x33: {  	s0 =	sadd.s32 $0x8F2B, s0  }
0x34: {  	[sflag:s0] =	ssyncadd.remote.s32 $0x1  }
0x35: {  	_ =	sfence.sel $0xFFFF  }
0x36: {  	[dreg:$0x0] =	wrdreg $0xFFFFFFFF;
	(pc) =	sbr.abs _section_cstart, $3  }
0x37: {  	[dreg:$0x1] =	wrdreg $0xFFFFFFFF  }
0x38: {  	_ =	task.clear_ibuf [dreg:s6], $0x2FFFF;
	_ =	strace $0x9FFFFFFF  }
0x39: {  	(tm) =	ssettm $0x7FFFFFFF  }
tec
execute0_lowered:
.L_overlay_start_1:
0x0: {  	(tag) =	ssettag $0x1  }
0x1: {  	s0 =	srdreg.scid  }
0x2: {  	s5 =	rddreg [dreg:$0x0];
	s1 =	stileid.u32;
	s4 =	simm.s32 $0x1  }
0x3: {  	s6 =	simm.s32 $0x2;
	s15 =	simm.s32 $0x0;
	p0 =	por $0x0, $0x0  }
0x4: {  	s8 =	simm.s32 $0x80;
	s14 =	simm.s32 $0x0;
	s2 =	sshll.u32 s0, $0x4  }
0x5: {  	s9 =	simm.s32 $0x0;
	s10 =	simm.s32 $0x0;
	s2 =	sand.u32 $0x10, s2  }
.Ltmp0:
0x6: {  	s12 =	simm.s32 $0x0;
	s3 =	sor.u32 s1, s2;
	(pc) =	sbr.rel .LBB1_1-.Ltmp0, $4  }
0x7: {  	s0 =	rddreg [dreg:$0x1];
	_ =	strace $0x80000047;
	s3 =	sshll.u32 s3, $0x7  }
0x8: {  	s13 =	simm.s32 $0x0;
	[sflag:s4] =	ssyncpa.u1 $0x0;
	s7 =	ssub.s32 $0xF4200, s3  }
0x9: {  	s2 =	sadd.s32 $0x1200, s5;
	[sflag:s6] =	ssyncpa.u1 $0x0;
	s6 =	sshrl.u32 s7, $0xC  }
0xa: {  	s5 =	sadd.s32 $0x1E9800, s5;
	s11 =	smov.u32 s3;
	s7 =	sadd.s32 $0x2, s6  }
.LBB1_5:
0xb: {  	p1 =	slt.u32 s13, $0x2  }
0xc: {  	s17 =	smov.u32 s15;
	p2 =	sgt.s32 @!p1 s15, $0xF41C0;
	s16 =	sshra.s32 @!p1 s15, $0x1F  }
0xd: {  	p3 =	sgt.s32 @!p1 s14, $0x60;
	s18 =	sshra.s32 @!p1 s14, $0x1F;
	p2 =	por !p2, p1  }
0xe: {  	s15 =	sand.u32 @!p1 s16, s15;
	p3 =	por !p3, p1;
	s16 =	smov.u32 s14  }
0xf: {  	s14 =	sand.u32 @!p1 s18, s14;
	s17 =	simm.s32 @p2 $0xF41C0;
	s16 =	simm.s32 @p3 $0x60  }
0x10: {  	s15 =	ssub.s32 @!p1 s17, s15;
	s14 =	ssub.s32 @!p1 s16, s14  }
0x11: {  	s18 =	smov.u32 s12;
	s16 =	sadd.s32 @!p1 $0xFFF0BE40, s15;
	s17 =	sadd.s32 @!p1 $0xFFFFFFA0, s14  }
0x12: {  	s15 =	ssub.s32 @!p1 $0xF4240, s15;
	p2 =	sgt.s32 @!p1 s16, $0x7F;
	p3 =	sgt.s32 @!p1 s17, $0x1F  }
0x13: {  	s14 =	ssub.s32 @!p1 $0x80, s14;
	p2 =	por !p2, p1;
	p3 =	por !p3, p1  }
0x14: {  	s16 =	sadd.s32 $0x1000, s11;
	s15 =	simm.s32 @!p2 $0x0;
	s14 =	simm.s32 @!p3 $0x0  }
0x15: {  	p2 =	sgt.s32 s16, $0xF423F;
	s14 =	smul.u32 @!p1 s14, s15;
	s15 =	sadd.s32 $0x20, s12  }
0x16: {  	s18 =	smov.u32 @p2 s15  }
0x17: {  	s16 =	smov.u32 @p2 s3;
	p2 =	sgt.s32 s18, $0x1F  }
0x18: {  	p0 =	por !p0, !p0;
	s18 =	simm.s32 @p2 $0x0;
	p2 =	sne.s32 s13, s7  }
.Ltmp1:
0x19: {  	s17 =	simm.s32 @!p1 $0x2;
	s14 =	sshrl.u32 @!p1 s14, $0x1;
	(pc) =	sbr.rel @!p2 .LBB1_6-.Ltmp1, $4  }
0x1a: {  	s15 =	smov.u32 s9;
	s9 =	smov.u32 s11;
	s14 =	sand.u32 @!p1 $0x3FFFFFFF, s14  }
0x1b: {  	s11 =	smov.u32 s16;
	s13 =	sadd.s32 $0x1, s13;
	_ =	swait.ge @!p1 [sflag:s17], s14  }
0x1c: {  	s19 =	ssub.s32 @!p1 $0x0, s14;
	s14 =	smov.u32 s10;
	[sflag:s17] =	ssyncset.done @!p1 $0x0  }
0x1d: {  	s10 =	smov.u32 s12;
	s12 =	smov.u32 s18;
	[sflag:s17] =	ssyncadd.s32 @!p1 s19  }
.LBB1_1:
0x1e: {  	p1 =	sgt.u32 s13, s6  }
0x1f: {  	s16 =	sshrl.u32 @!p1 s12, $0x3  }
0x20: {  	s17 =	sshll.u32 @!p1 s11, $0x3;
	s16 =	smul.u32 @!p1 $0x7A1400, s16  }
0x21: {  	s18 =	sshll.u32 @!p1 s12, $0x7;
	s17 =	sand.u32 @!p1 $0xFFFFFC00, s17  }
0x22: {  	s16 =	sadd.s32 @!p1 s16, s17;
	s17 =	sand.u32 @!p1 $0x300, s18;
	s18 =	sshll.u32 @!p1 s11, $0x1  }
0x23: {  	s16 =	sor.u32 @!p1 s17, s16;
	s17 =	sand.u32 @!p1 $0xFE, s18  }
0x24: {  	s18 =	sand.u32 @!p1 $0x1, s12;
	s16 =	sor.u32 @!p1 s17, s16  }
0x25: {  	s17 =	sor.u32 @!p1 s18, s16  }
0x26: {  	s18 =	smulhi.u32 @!p1 $0x218D6287, s17;
	_ =	sdelay $0x1  }
0x27: {  	s16 =	smulhi.u32 @!p1 $0x218D6287, s16;
	s18 =	sshrl.u32 @!p1 s18, $0x11  }
0x28: {  	s18 =	smul.u32 @!p1 $0xF4280, s18  }
0x29: {  	s16 =	sshrl.u32 @!p1 s16, $0x11  }
0x2a: {  	s16 =	sand.u32 @!p1 $0x1F, s16;
	s17 =	ssub.s32 @!p1 s17, s18  }
0x2b: {  	s16 =	smul.u32 @!p1 $0xF428, s16;
	s18 =	sshrl.u32 @!p1 s17, $0x4  }
0x2c: {  	s19 =	sxor.u32 @!p1 $0xFFFFFFFF, s13;
	s17 =	sshll.u32 @!p1 s17, $0x11;
	s18 =	sadd.s32 @!p1 s2, s18  }
0x2d: {  	s17 =	sand.u32 @!p1 $0x1C0000, s17;
	s16 =	sadd.s32 @!p1 s16, s18;
	s18 =	sshll.u32 @!p1 s19, $0xB  }
0x2e: {  	s17 =	sor.u32 @!p1 $0x200, s17;
	s19 =	simm.s32 @!p1 $0x3D0A00;
	s18 =	sand.u32 @!p1 $0x800, s18  }
0x2f: {  	[tilespmem:s18], [sflag:$0x1] =	stream.strided.gather @!p1 [hbm4b:s16+s17], $0x800, s19, s17, $0x38;
	[tilespmem:$0x2080] =	vst v63  }
0x30: {  	p1 =	seq.s32 s13, $0x0  }
0x31: {  	p2 =	sge.u32 @!p1 s13, s7  }
0x32: {  	p1 =	por p1, p2  }
.Ltmp2:
0x33: {  	_ = 	snop;
	(pc) =	sbr.rel @p1 .LBB1_5-.Ltmp2, $1  }
0x34: {  	_ =	sdelay $0x3  }
0x35: {  	s16 =	simm.s32 $0x1  }
0x36: {  	_ =	swait.ge [sflag:s4], $0x800;
	s16 =	simm.s32 @!p0 $0x0  }
0x37: {  	[sflag:s4] =	ssyncset.done $0x0;
	s16 =	sshll.u32 s16, $0xB  }
0x38: {  	[sflag:s4] =	ssyncadd.s32 $0xFFFFF800;
	s16 =	sor.u32 $0x40, s16  }
0x39: {  	v0 =	vld [tilespmem:s16+$0x20]  }
0x3a: {  	v1 =	vld [tilespmem:s16+$0x30]  }
0x3b: {  	v2 =	vld [tilespmem:s16+$0xFFFFFFD0]  }
0x3c: {  	v5 =	vld [tilespmem:s16+$0x0]  }
0x3d: {  	v6 =	vld [tilespmem:s16+$0x10]  }
0x3e: {  	s17 =	sand.u32 $0x1, s13;
	v3 =	vld [tilespmem:s16+$0xFFFFFFE0]  }
0x3f: {  	s17 =	smul.u32 $0x2100, s17;
	v4 =	vld [tilespmem:s16+$0xFFFFFFF0]  }
0x40: {  	s18 =	simm.s32 $0x0;
	v1 =	vperm.xlane.i2c.b16 v1  }
0x41: {  	s19 =	sand.u32 $0x1C, s18;
	s17 =	sshrl.u32 s17, $0x2;
	v8 =	vld [tilespmem:s16+$0xFFFFFFC0];
	s20 =	sadd.s32 $0x80, s16;
	v7 =	vperm.xlane.i2c.b16 v0;
	v0 =	vperm.xlane.i2c.b16 v2  }
0x42: {  	s30 =	sand.u32 $0x20, s18;
	s31 =	sshrl.u32 s19, $0x1;
	s16 =	sor.u32 $0x1000, s17;
	v11 =	vld [tilespmem:s20+$0x30];
	v10 =	vperm.xlane.i2c.b16 v5;
	v13 =	vperm.xlane.i2c.b16 v6  }
0x43: {  	s17 =	sshrl.u32 s30, $0x1;
	s18 =	sadd.s32 s31, s16;
	v2 =	vld [tilespmem:s20+$0x20];
	v3 =	vperm.xlane.i2c.b16 v3;
	v9 =	vcombine.low v7, v1  }
0x44: {  	v12 =	vld [tilespmem:s20+$0xFFFFFFD0];
	s17 =	sadd.s32 s17, s18;
	v4 =	vperm.xlane.i2c.b16 v4;
	v14 =	vcombine.low v10, v13  }
0x45: {  	v1 =	vcombine.high v7, v1;
	v7 =	vld [tilespmem:s20+$0xFFFFFFE0];
	[tilespmem:s17+$0x630 ss:$0x21] =	vst.msk $0xffff, v9  }
0x46: {  	v6 =	vld [tilespmem:s20+$0xFFFFFFF0];
	v5 =	vperm.xlane.i2c.b16 v8;
	v9 =	vcombine.low v3, v4;
	[tilespmem:s17+$0x420 ss:$0x21] =	vst.msk $0xffff, v14  }
0x47: {  	s18 =	simm.s32 $0x4;
	v8 =	vperm.xlane.i2c.b16 v11;
	[tilespmem:s17+$0x631 ss:$0x21] =	vst.msk $0xffff, v1;
	v1 =	vcombine.high v3, v4;
	v4 =	vld [tilespmem:s20+$0x0]  }
0x48: {  	s19 =	simm.s32 $0x2;
	s22 =	sand.u32 $0x1C, s18;
	v10 =	vcombine.high v10, v13;
	v3 =	vld [tilespmem:s20+$0x10];
	[tilespmem:s17+$0x210 ss:$0x21] =	vst.msk $0xffff, v9;
	v9 =	vperm.xlane.i2c.b16 v2  }
0x49: {  	s21 =	sand.u32 $0x20, s18;
	s22 =	sshrl.u32 s22, $0x1;
	v11 =	vcombine.low v5, v0;
	v2 =	vld [tilespmem:s20+$0xFFFFFFC0];
	s20 =	sadd.s32 $0x80, s20;
	[tilespmem:s17+$0x211 ss:$0x21] =	vst.msk $0xffff, v1;
	v1 =	vperm.xlane.i2c.b16 v12  }
.LBB1_3:
0x4a: {  	v12 =	vld [tilespmem:s20+$0x20];
	s22 =	sadd.s32 s22, s16;
	s21 =	sshrl.u32 s21, $0x1;
	v13 =	vperm.xlane.i2c.b16 v7;
	v7 =	vcombine.low v9, v8;
	[tilespmem:s17+$0x421 ss:$0x21] =	vst.msk $0xffff, v10  }
0x4b: {  	s19 =	sadd.s32 $0x2, s19;
	v14 =	vld [tilespmem:s20+$0x30];
	s21 =	sadd.s32 s21, s22;
	v10 =	vperm.xlane.i2c.b16 v6;
	v6 =	vcombine.high v9, v8;
	[tilespmem:s17+$0x0 ss:$0x21] =	vst.msk $0xffff, v11  }
0x4c: {  	p1 =	slt.u32 s19, $0x1E;
	v11 =	vld [tilespmem:s20+$0xFFFFFFD0];
	v8 =	vperm.xlane.i2c.b16 v4;
	[tilespmem:s21+$0x630 ss:$0x21] =	vst.msk $0xffff, v7;
	v4 =	vcombine.high v5, v0;
	v0 =	vmov v1  }
.Ltmp3:
0x4d: {  	v7 =	vld [tilespmem:s20+$0xFFFFFFE0];
	v1 =	vcombine.low v13, v10;
	v3 =	vperm.xlane.i2c.b16 v3;
	[tilespmem:s21+$0x631 ss:$0x21] =	vst.msk $0xffff, v6;
	(pc) =	sbr.rel @p1 .LBB1_3-.Ltmp3, $4  }
0x4e: {  	v6 =	vld [tilespmem:s20+$0xFFFFFFF0];
	v5 =	vperm.xlane.i2c.b16 v2;
	v2 =	vcombine.high v13, v10;
	[tilespmem:s17+$0x1 ss:$0x21] =	vst.msk $0xffff, v4;
	s17 =	smov.u32 s21  }
0x4f: {  	s18 =	sadd.s32 $0x4, s18;
	v4 =	vld [tilespmem:s20+$0x0];
	[tilespmem:s17+$0x210 ss:$0x21] =	vst.msk $0xffff, v1;
	v13 =	vcombine.low v8, v3;
	v10 =	vcombine.high v8, v3  }
0x50: {  	s22 =	sand.u32 $0x1C, s18;
	v9 =	vperm.xlane.i2c.b16 v12;
	v3 =	vld [tilespmem:s20+$0x10];
	v8 =	vperm.xlane.i2c.b16 v14;
	[tilespmem:s17+$0x211 ss:$0x21] =	vst.msk $0xffff, v2  }
0x51: {  	s22 =	sshrl.u32 s22, $0x1;
	s21 =	sand.u32 $0x20, s18;
	v2 =	vld [tilespmem:s20+$0xFFFFFFC0];
	v1 =	vperm.xlane.i2c.b16 v11;
	s20 =	sadd.s32 $0x80, s20;
	v11 =	vcombine.low v5, v0;
	[tilespmem:s17+$0x420 ss:$0x21] =	vst.msk $0xffff, v13  }
0x52: {  	s18 =	sadd.s32 s22, s16;
	s19 =	sshll.u32 s9, $0x7;
	s20 =	sshll.u32 s10, $0x3  }
0x53: {  	s21 =	sshrl.u32 s21, $0x1;
	s24 =	sshll.u32 s10, $0x1;
	p1 =	sgt.s32 s9, $0xF41C0  }
0x54: {  	s22 =	smov.u32 s9;
	s26 =	sshra.s32 s9, $0x1F;
	s23 =	sand.u32 $0xFFFFFC00, s19  }
0x55: {  	s20 =	sand.u32 $0xFFFFFC00, s20;
	s19 =	sand.u32 $0x300, s19;
	s25 =	sand.u32 $0x80, s24  }
0x56: {  	s18 =	sadd.s32 s21, s18;
	s22 =	simm.s32 @!p1 $0xF41C0;
	p1 =	sgt.s32 s10, $0x60  }
0x57: {  	s21 =	smov.u32 s10;
	s20 =	sadd.s32 s20, s23;
	s23 =	sshra.s32 s10, $0x1F  }
0x58: {  	s21 =	simm.s32 @!p1 $0x60;
	s19 =	sor.u32 s19, s20;
	s20 =	sand.u32 s26, s9  }
0x59: {  	v7 =	vperm.xlane.i2c.b16 v7;
	[tilespmem:s17+$0x421 ss:$0x21] =	vst.msk $0xffff, v10;
	v0 =	vcombine.high v5, v0;
	s23 =	sand.u32 s23, s10;
	s19 =	sor.u32 s25, s19;
	s20 =	ssub.s32 s22, s20  }
0x5a: {  	v57 =	vcombine.low v9, v8;
	v6 =	vperm.xlane.i2c.b16 v6;
	[tilespmem:s17+$0x0 ss:$0x21] =	vst.msk $0xffff, v11;
	s21 =	ssub.s32 s21, s23;
	s19 =	sshrl.u32 s19, $0x7;
	s22 =	sadd.s32 $0xFFF0BE40, s20  }
0x5b: {  	v58 =	vcombine.high v9, v8;
	v4 =	vperm.xlane.i2c.b16 v4;
	[tilespmem:s17+$0x1 ss:$0x21] =	vst.msk $0xffff, v0;
	s23 =	sadd.s32 $0xFFFFFFA0, s21;
	s20 =	ssub.s32 $0xF4240, s20;
	s21 =	ssub.s32 $0x80, s21  }
0x5c: {  	[tilespmem:s18+$0x630 ss:$0x21] =	vst.msk $0xffff, v57;
	v59 =	vcombine.low v7, v6;
	v3 =	vperm.xlane.i2c.b16 v3;
	s27 =	smulhi.u32 $0x218DEF5, s19;
	p1 =	sgt.s32 s22, $0x7F;
	p2 =	sgt.s32 s23, $0x1F  }
0x5d: {  	[tilespmem:s18+$0x631 ss:$0x21] =	vst.msk $0xffff, v58;
	v60 =	vcombine.high v7, v6;
	s20 =	simm.s32 @p1 $0x0;
	s21 =	simm.s32 @p2 $0x0  }
0x5e: {  	v2 =	vperm.xlane.i2c.b16 v2;
	[tilespmem:s18+$0x210 ss:$0x21] =	vst.msk $0xffff, v59;
	v61 =	vcombine.low v4, v3;
	s17 =	sshrl.u32 s27, $0xD;
	s20 =	smul.u32 s21, s20  }
0x5f: {  	v3 =	vcombine.high v4, v3;
	[tilespmem:s18+$0x211 ss:$0x21] =	vst.msk $0xffff, v60;
	s17 =	smul.u32 $0xF4240, s17  }
.Ltmp4:
0x60: {  	s28 =	sshrl.u32 s10, $0x3;
	s29 =	sand.u32 $0x7, s10;
	v62 =	vcombine.low v2, v1;
	[tilespmem:s18+$0x420 ss:$0x21] =	vst.msk $0xffff, v61;
	(pc) =	sbr.rel .LBB1_5-.Ltmp4, $4  }
0x61: {  	v63 =	vcombine.high v2, v1;
	[tilespmem:s18+$0x421 ss:$0x21] =	vst.msk $0xffff, v3;
	s21 =	sshll.u32 s29, $0x12;
	s17 =	ssub.s32 s19, s17;
	s19 =	sand.u32 $0x7, s28  }
0x62: {  	[tilespmem:s18+$0x0 ss:$0x21] =	vst.msk $0xffff, v62;
	s20 =	sshrl.u32 s20, $0x1;
	s17 =	sshll.u32 s17, $0x3;
	s19 =	sadd.s32 s5, s19  }
0x63: {  	[tilespmem:s18+$0x1 ss:$0x21] =	vst.msk $0xffff, v63;
	s31 =	sor.u32 $0x20, s21;
	s30 =	sand.u32 $0x3FFFFFFF, s20;
	s17 =	sadd.s32 s17, s19  }
0x64: {  	[hbm4b:s17+s31] =	stream.strided.scatter [tilespmem:s16], [sflag:$0x2], s30, s8, s31, $0x10;
	[tilespmem:$0x2080] =	vst v63  }
.LBB1_6:
0x65: {  	_ =	sfence.sel $0x180000  }
0x66: {  	s2 =	simm.s32 $0x1;
	[bflag:$0x0] =	sbarrier.arrive $0xFFFF  }
0x67: {  	s31 =	simm.s32 $0x2;
	[sflag:s2] =	ssyncpa.u1 $0x1  }
0x68: {  	[sflag:s31] =	ssyncpa.u1 $0x1  }
0x69: {  	p0 =	sne.s32 s1, $0x0;
	_ =	strace $0x90000047  }
0x6a: {  	s0 =	sadd.s32 @!p0 $0x100000, s0;
	[bflag:$0x2] =	sbarrier.arrive $0xFFFF  }
0x6b: {  	[sflag:s0] =	ssyncadd.tile.s32 @!p0 $0x1;
	_ =	shalt  }
.Lfunc_end1:
_tile_overlayer_lowered:
.L_overlay_start_2:
0x6c: {  	(tag) =	ssettag $0x2  }
0x6d: {  	s0 =	rddreg [dreg:$0x0];
	s2 =	stileid.u32  }
0x6e: {  	s1 =	rddreg [dreg:$0x1];
	p0 =	sne.s32 s2, $0x0  }
0x6f: {  	s3 =	rddreg [dreg:$0x2];
	[bflag:$0x3] =	sbarrier.arrive $0xFFFF;
	s2 =	simm.s32 @!p0 $0x1C01  }
0x70: {  	[timem:s3], [sflag:s2] =	dma.local @!p0 [hbm:s0], s1  }
0x71: {  	s0 =	simm.s32 @!p0 $0x1  }
0x72: {  	_ =	swait.ge @!p0 [sflag:s0], s1  }
0x73: {  	s1 =	ssub.s32 @!p0 $0x0, s1;
	[sflag:s0] =	ssyncset.done @!p0 $0x0  }
0x74: {  	[sflag:s0] =	ssyncadd.s32 @!p0 s1  }
0x75: {  	[bflag:$0x3] =	sbarrier.arrive $0xFFFF  }
0x76: {  	_ =	shalt  }

// kernel: sparse-core-data-format-call.cloned.1.call-start
scs
called_computation_lowered:
.L_overlay_start_0:
0x0: {  	s1 =	sld [smem:$0x3FD9]  }
0x1: {  	s2 =	sld [smem:$0x3FFE];
	_ =	sdelay $0x1  }
0x2: {  	s3 =	srdreg.scid  }
0x3: {  	s0 =	sand.u32 $0x1, s3  }
0x4: {  	s17 =	sshll.u32 s0, $0xA;
	s1 =	sadd.s32 s2, s1  }
0x5: {  	s1 =	sadd.s32 s1, s17  }
0x6: {  	[smem:$0x3FC4] =	sst s1  }
0x7: {  	_ = 	snop  }
0x8: {  	(tm) =	ssettm $0x1  }
0x9: {  	s18 =	sld [smem:$0x3FFB];
	_ =	sdelay $0x3  }
0xa: {  	_ =	strace s18  }
0xb: {  	s1 =	sld [smem:$0x3FFC];
	_ =	sdelay $0x3  }
0xc: {  	_ =	strace s1  }
0xd: {  	s1 =	sld [smem:$0x3FFD];
	_ =	sdelay $0x3  }
0xe: {  	_ =	strace s1  }
0xf: {  	_ =	strace $0x8FFFFFFF  }
0x10: {  	s19 =	sld [smem:$0x3FDB];
	_ =	sdelay $0x1  }
0x11: {  	s20 =	simm.s32 $_scs_section_size  }
0x12: {  	s4 =	simm.s32 $_size__tile_overlayer_lowered;
	s5 =	simm.s32 $_tile_overlayer_lowered  }
0x13: {  	s23 =	simm.s32 $0x1BFF;
	s22 =	sshll.u32 s5, $0x1;
	s1 =	sadd.s32 s20, s19  }
0x14: {  	s6 =	simm.s32 $0x0;
	s21 =	sshll.u32 s4, $0x1;
	s4 =	sadd.s32 s22, s1  }
0x15: {  	[timem:s6], [sflag:s23] =	dma.local [hbm:s4], s21  }
0x16: {  	_ =	swait.ge [sflag:s23], s21  }
0x17: {  	s2 =	ssub.s32 $0x0, s21;
	[sflag:s23] =	ssyncset.done $0x0  }
0x18: {  	[sflag:s23] =	ssyncadd.s32 s2;
	_ =	sdelay $0x1  }
0x19: {  	s24 =	simm.s32 $0x1B8B  }
0x1a: {  	_ =	swait.ge [sflag:s24], $0x1  }
0x1b: {  	[sflag:s24] =	ssyncset.done $0x0  }
0x1c: {  	s26 =	simm.s32 $0x1B8E;
	s25 =	sld [smem:$0x3FFE];
	[sflag:s24] =	ssyncadd.s32 $0xFFFFFFFF  }
0x1d: {  	s27 =	simm.s32 $execute0_lowered;
	[smem:$0x3FD2] =	sst s26  }
0x1e: {  	s4 =	sshll.u32 s27, $0x1;
	_ =	strace $0x80000049;
	[dreg:$0x1] =	wrdreg $0xFFFFFFFF  }
0x1f: {  	s28 =	simm.s32 $_size_execute0_lowered;
	s1 =	sadd.s32 s1, s4;
	[dreg:$0x0] =	wrdreg $0x0  }
0x20: {  	s4 =	sshll.u32 s28, $0x1;
	[dreg:$0x2] =	wrdreg s1  }
0x21: {  	[dreg:$0x3] =	wrdreg s4  }
0x22: {  	[dreg:$0x4] =	wrdreg $0xC0  }
0x23: {  	_ =	task [dreg:s6], $0x5FFFF  }
0x24: {  	[dreg:$0x1] =	wrdreg $0xFFFFFFFF  }
0x25: {  	[dreg:$0x0] =	wrdreg $0x60  }
0x26: {  	[dreg:$0x2] =	wrdreg s25  }
0x27: {  	[dreg:$0x3] =	wrdreg $0x9  }
0x28: {  	_ =	task.clear_ibuf [dreg:s6], $0x4FFFF;
	_ =	strace $0x90000049  }
0x29: {  	s29 =	simm.s32 $0x9;
	_ =	strace $0x8000004B  }
0x2a: {  	_ =	swait.ge [sflag:s29], $0x1  }
0x2b: {  	[sflag:s29] =	ssyncadd.s32 $0xFFFFFFFF  }
0x2c: {  	_ =	strace $0x9000004B  }
0x2d: {  	_ =	sfence  }
0x2e: {  	s30 =	sld [smem:$0x0];
	_ =	sdelay $0x2  }
0x2f: {  	s31 =	sshll.u32 s3, $0xD;
	s3 =	sshrl.u32 s3, $0x2  }
0x30: {  	s2 =	sand.u32 $0x4000, s31;
	s1 =	sadd.s32 s3, s30  }
0x31: {  	s0 =	sor.u32 s2, s0;
	s1 =	sshll.u32 s1, $0x11  }
0x32: {  	s0 =	sor.u32 s1, s0  }
0x33: {  	s0 =	sadd.s32 $0x8F2B, s0  }
0x34: {  	[sflag:s0] =	ssyncadd.remote.s32 $0x1  }
0x35: {  	_ =	sfence.sel $0xFFFF  }
0x36: {  	[dreg:$0x0] =	wrdreg $0xFFFFFFFF;
	(pc) =	sbr.abs _section_cstart, $3  }
0x37: {  	[dreg:$0x1] =	wrdreg $0xFFFFFFFF  }
0x38: {  	_ =	task.clear_ibuf [dreg:s6], $0x2FFFF;
	_ =	strace $0x9FFFFFFF  }
0x39: {  	(tm) =	ssettm $0x7FFFFFFF  }
tec
execute0_lowered:
.L_overlay_start_1:
0x0: {  	(tag) =	ssettag $0x1  }
0x1: {  	s0 =	srdreg.scid  }
0x2: {  	s5 =	rddreg [dreg:$0x0];
	s1 =	stileid.u32;
	s4 =	simm.s32 $0x1  }
0x3: {  	s6 =	simm.s32 $0x2;
	s8 =	simm.s32 $0x0;
	s2 =	sshll.u32 s0, $0x4  }
0x4: {  	s9 =	simm.s32 $0x0;
	s13 =	simm.s32 $0x0;
	s2 =	sand.u32 $0x10, s2  }
.Ltmp0:
0x5: {  	s10 =	simm.s32 $0x0;
	s3 =	sor.u32 s1, s2;
	(pc) =	sbr.rel .LBB1_1-.Ltmp0, $4  }
0x6: {  	s0 =	rddreg [dreg:$0x1];
	_ =	strace $0x8000004A;
	s3 =	sshll.u32 s3, $0x4  }
0x7: {  	s12 =	simm.s32 $0x0;
	[sflag:s4] =	ssyncpa.u1 $0x0;
	s7 =	ssub.s32 $0x3D00, s3  }
0x8: {  	s2 =	sadd.s32 $0x1E9800, s5;
	[sflag:s6] =	ssyncpa.u1 $0x0;
	s6 =	sshrl.u32 s7, $0x9  }
0x9: {  	s5 =	sadd.s32 $0x1200, s5;
	s11 =	smov.u32 s3;
	s7 =	sadd.s32 $0x2, s6  }
.LBB1_7:
0xa: {  	s15 =	sshll.u32 s12, $0xF  }
0xb: {  	s15 =	sand.u32 $0x8000, s15  }
0xc: {  	s16 =	sshll.u32 s10, $0x7;
	s15 =	sshrl.u32 s15, $0x1  }
0xd: {  	s16 =	sadd.s32 s5, s16;
	s15 =	sor.u32 $0x8000, s15  }
0xe: {  	[hbm4b:s16+s8] =	stream.linear.scatter [tilespmem:s15], [sflag:$0x2], s14, $0x38;
	[tilespmem:$0x10000] =	vst v63  }
.LBB1_8:
0xf: {  	p0 =	slt.u32 s12, $0x2  }
0x10: {  	p1 =	sgt.s32 @!p0 s13, $0x3CF9  }
0x11: {  	s14 =	smov.u32 s13;
	s15 =	sshra.s32 @!p0 s13, $0x1F;
	p1 =	por !p1, p0  }
0x12: {  	s13 =	sand.u32 @!p0 s15, s13;
	s14 =	simm.s32 @p1 $0x3CF9  }
0x13: {  	s13 =	ssub.s32 @!p0 s14, s13  }
0x14: {  	s13 =	sadd.s32 @!p0 $0xFFFFC307, s13  }
0x15: {  	s14 =	sshll.u32 @!p0 s13, $0xC  }
0x16: {  	p1 =	sgt.s32 @!p0 s13, $0xF;
	s13 =	ssub.s32 @!p0 $0x10000, s14  }
0x17: {  	s15 =	sadd.s32 $0x200, s11;
	p1 =	por !p1, p0;
	s13 =	sshrl.u32 @!p0 s13, $0x2  }
0x18: {  	s13 =	simm.s32 @!p1 $0x0;
	p1 =	sgt.s32 s15, $0x3D08  }
0x19: {  	s15 =	smov.u32 @p1 s3;
	p1 =	sne.s32 s12, s7  }
.Ltmp1:
0x1a: {  	_ = 	snop;
	(pc) =	sbr.rel @!p1 .LBB1_9-.Ltmp1, $4  }
0x1b: {  	s14 =	simm.s32 @!p0 $0x2  }
0x1c: {  	s9 =	sadd.s32 $0x8000, s9;
	_ =	swait.ge @!p0 [sflag:s14], s13;
	s16 =	ssub.s32 @!p0 $0x0, s13  }
0x1d: {  	s13 =	smov.u32 s10;
	s12 =	sadd.s32 $0x1, s12;
	[sflag:s14] =	ssyncset.done @!p0 $0x0  }
0x1e: {  	s10 =	smov.u32 s11;
	s11 =	smov.u32 s15;
	[sflag:s14] =	ssyncadd.s32 @!p0 s16  }
.LBB1_1:
0x1f: {  	p0 =	sgt.u32 s12, s6  }
0x20: {  	p1 =	sgt.s32 @!p0 s11, $0x3CF9  }
0x21: {  	s14 =	smov.u32 s11;
	s15 =	sshra.s32 @!p0 s11, $0x1F;
	p1 =	por !p1, p0  }
0x22: {  	s15 =	sand.u32 @!p0 s15, s11;
	s14 =	simm.s32 @p1 $0x3CF9  }
0x23: {  	s14 =	ssub.s32 @!p0 s14, s15  }
0x24: {  	s14 =	sadd.s32 @!p0 $0xFFFFC307, s14  }
0x25: {  	s16 =	sshll.u32 @!p0 s11, $0x7;
	s17 =	simm.s32 @!p0 $0x0;
	s15 =	sshll.u32 @!p0 s14, $0xC  }
0x26: {  	p1 =	sgt.s32 @!p0 s14, $0xF;
	s14 =	ssub.s32 @!p0 $0x10000, s15;
	s15 =	sxor.u32 @!p0 $0xFFFFFFFF, s12  }
0x27: {  	p1 =	por !p1, p0;
	s14 =	sshrl.u32 @!p0 s14, $0x2;
	s15 =	sshll.u32 @!p0 s15, $0xE  }
0x28: {  	s16 =	sadd.s32 @!p0 s2, s16;
	s14 =	simm.s32 @!p1 $0x0;
	s15 =	sand.u32 @!p0 $0x4000, s15  }
0x29: {  	[tilespmem:s15], [sflag:$0x1] =	stream.linear.gather @!p0 [hbm4b:s16+s17], s14, $0x38;
	[tilespmem:$0x10000] =	vst v63  }
0x2a: {  	p0 =	seq.s32 s12, $0x0  }
0x2b: {  	p1 =	sge.u32 @!p0 s12, s7  }
0x2c: {  	p0 =	por p0, p1  }
.Ltmp2:
0x2d: {  	_ = 	snop;
	(pc) =	sbr.rel @p0 .LBB1_8-.Ltmp2, $1  }
0x2e: {  	_ =	sdelay $0x3  }
0x2f: {  	p0 =	sgt.s32 s10, $0x3CF9;
	s14 =	smov.u32 s10;
	s15 =	sshra.s32 s10, $0x1F  }
0x30: {  	s14 =	simm.s32 @!p0 $0x3CF9;
	s15 =	sand.u32 s15, s10  }
0x31: {  	s14 =	ssub.s32 s14, s15  }
0x32: {  	s16 =	sadd.s32 $0x10, s10;
	s14 =	sadd.s32 $0xFFFFC307, s14  }
0x33: {  	p1 =	slt.s32 s16, $0x3D09;
	s30 =	sshll.u32 s14, $0xC  }
0x34: {  	s16 =	simm.s32 @!p1 $0x3D09;
	s15 =	ssub.s32 $0x10000, s30  }
0x35: {  	p0 =	sgt.s32 s14, $0xF;
	s14 =	sshrl.u32 s15, $0x2;
	s15 =	ssub.s32 s16, s10  }
0x36: {  	s14 =	simm.s32 @p0 $0x0;
	p0 =	slt.s32 s15, $0x1  }
.Ltmp3:
0x37: {  	_ = 	snop;
	(pc) =	sbr.rel @p0 .LBB1_7-.Ltmp3, $4  }
0x38: {  	_ = 	snop  }
0x39: {  	_ =	swait.ge [sflag:s4], s14  }
0x3a: {  	s31 =	ssub.s32 $0x0, s14;
	[sflag:s4] =	ssyncset.done $0x0  }
0x3b: {  	[sflag:s4] =	ssyncadd.s32 s31  }
0x3c: {  	s16 =	sshrl.u32 s9, $0x1  }
0x3d: {  	s17 =	sand.u32 $0x4000, s16  }
0x3e: {  	s18 =	simm.s32 $0x0;
	s16 =	sor.u32 $0x200, s17;
	s17 =	sor.u32 $0x8080, s17  }
.LBB1_4:
0x3f: {  	v0 =	vld [tilespmem:s16+$0xFFFFFE70]  }
0x40: {  	v1 =	vld [tilespmem:s16+$0x70]  }
0x41: {  	v2 =	vld [tilespmem:s16+$0x0]  }
0x42: {  	v3 =	vld [tilespmem:s16+$0xFFFFFE10]  }
0x43: {  	v4 =	vld [tilespmem:s16+$0x10]  }
0x44: {  	v5 =	vld [tilespmem:s16+$0xFFFFFE20]  }
0x45: {  	v7 =	vld [tilespmem:s16+$0x20]  }
0x46: {  	v11 =	vld [tilespmem:s16+$0x30];
	v6 =	vunpack.i.l.s16.s32 v0;
	v8 =	vunpack.i.u.s16.s32 v0;
	v9 =	vunpack.i.u.s16.s32 v1  }
0x47: {  	v10 =	vunpack.i.l.s16.s32 v1;
	v0 =	vunpack.i.u.s16.s32 v2;
	v1 =	vunpack.i.l.s16.s32 v2;
	v2 =	vld [tilespmem:s16+$0xFFFFFE30]  }
0x48: {  	v8 =	vpack.i.b32.b16 v9, v8;
	v9 =	vunpack.i.u.s16.s32 v3;
	v3 =	vunpack.i.l.s16.s32 v3  }
0x49: {  	v12 =	vld [tilespmem:s16+$0xFFFFFE40];
	v6 =	vpack.i.b32.b16 v10, v6;
	[tilespmem:s17+$0x70] =	vst v8;
	v8 =	vunpack.i.u.s16.s32 v4;
	v4 =	vunpack.i.l.s16.s32 v4  }
0x4a: {  	v13 =	vld [tilespmem:s16+$0x40];
	v10 =	vunpack.i.u.s16.s32 v5;
	v5 =	vunpack.i.l.s16.s32 v5;
	[tilespmem:s17+$0xFFFFFFF0] =	vst v6;
	v3 =	vpack.i.b32.b16 v4, v3  }
0x4b: {  	v6 =	vunpack.i.l.s16.s32 v7;
	v4 =	vld [tilespmem:s16+$0xFFFFFE50];
	[tilespmem:s17+$0xFFFFFF90] =	vst v3;
	v3 =	vpack.i.b32.b16 v8, v9;
	v8 =	vunpack.i.u.s16.s32 v7  }
0x4c: {  	v7 =	vunpack.i.l.s16.s32 v11;
	[tilespmem:s17+$0x10] =	vst v3;
	v3 =	vpack.i.b32.b16 v6, v5;
	v9 =	vunpack.i.u.s16.s32 v2;
	v6 =	vld [tilespmem:s16+$0x50]  }
0x4d: {  	v5 =	vunpack.i.l.s16.s32 v2;
	v2 =	vld [tilespmem:s16+$0xFFFFFE60];
	[tilespmem:s17+$0xFFFFFFA0] =	vst v3;
	v3 =	vpack.i.b32.b16 v8, v10;
	v10 =	vunpack.i.u.s16.s32 v11  }
0x4e: {  	s21 =	simm.s32 $0x0;
	v11 =	vpack.i.b32.b16 v7, v5;
	v7 =	vunpack.i.u.s16.s32 v12;
	v8 =	vunpack.i.l.s16.s32 v12;
	[tilespmem:s17+$0x20] =	vst v3;
	v3 =	vld [tilespmem:s16+$0x60]  }
0x4f: {  	s22 =	sadd.s32 $0x80, s16;
	s20 =	smov.u32 s17;
	s19 =	smov.u32 s17;
	v5 =	vld [tilespmem:s16+$0xFFFFFE00];
	[tilespmem:s17+$0xFFFFFFB0] =	vst v11;
	v10 =	vpack.i.b32.b16 v10, v9;
	v9 =	vunpack.i.u.s16.s32 v13;
	v11 =	vunpack.i.l.s16.s32 v13  }
.LBB1_5:
0x50: {  	v12 =	vld [tilespmem:s22+$0xFFFFFE70];
	[tilespmem:s20+$0x30] =	vst v10;
	v8 =	vpack.i.b32.b16 v11, v8;
	v10 =	vunpack.i.u.s16.s32 v4;
	v4 =	vunpack.i.l.s16.s32 v4  }
0x51: {  	s21 =	sadd.s32 $0x2, s21;
	v7 =	vpack.i.b32.b16 v9, v7;
	v11 =	vld [tilespmem:s22+$0x70];
	[tilespmem:s20+$0xFFFFFFC0] =	vst v8;
	v8 =	vunpack.i.u.s16.s32 v6;
	v6 =	vunpack.i.l.s16.s32 v6  }
0x52: {  	p0 =	slt.u32 s21, $0x6;
	v9 =	vld [tilespmem:s22+$0x0];
	[tilespmem:s20+$0x40] =	vst v7;
	v4 =	vpack.i.b32.b16 v6, v4;
	v6 =	vunpack.i.u.s16.s32 v2;
	v2 =	vunpack.i.l.s16.s32 v2  }
0x53: {  	v7 =	vld [tilespmem:s22+$0xFFFFFE10];
	[tilespmem:s20+$0xFFFFFFD0] =	vst v4;
	v4 =	vpack.i.b32.b16 v8, v10;
	v8 =	vunpack.i.u.s16.s32 v3;
	v3 =	vunpack.i.l.s16.s32 v3  }
0x54: {  	v10 =	vld [tilespmem:s22+$0x10];
	v13 =	vunpack.i.u.s16.s32 v5;
	v5 =	vunpack.i.l.s16.s32 v5;
	[tilespmem:s20+$0x50] =	vst v4;
	v2 =	vpack.i.b32.b16 v3, v2  }
0x55: {  	v3 =	vld [tilespmem:s22+$0xFFFFFE20];
	v4 =	vunpack.i.l.s16.s32 v12;
	v1 =	vpack.i.b32.b16 v1, v5;
	v5 =	vpack.i.b32.b16 v0, v13;
	[tilespmem:s20+$0xFFFFFFE0] =	vst v2  }
0x56: {  	v12 =	vunpack.i.u.s16.s32 v12;
	v2 =	vld [tilespmem:s22+$0x20];
	v13 =	vunpack.i.u.s16.s32 v11;
	v11 =	vunpack.i.l.s16.s32 v11;
	[tilespmem:s20+$0xFFFFFF80] =	vst v1  }
0x57: {  	s20 =	sadd.s32 $0x100, s20;
	v0 =	vunpack.i.u.s16.s32 v9;
	v1 =	vunpack.i.l.s16.s32 v9;
	v9 =	vld [tilespmem:s22+$0xFFFFFE30];
	v12 =	vpack.i.b32.b16 v13, v12;
	[tilespmem:s19+$0x0] =	vst v5  }
0x58: {  	v6 =	vpack.i.b32.b16 v8, v6;
	v5 =	vunpack.i.u.s16.s32 v7;
	v7 =	vunpack.i.l.s16.s32 v7;
	v13 =	vld [tilespmem:s22+$0x30];
	[tilespmem:s20+$0x70] =	vst v12  }
0x59: {  	v4 =	vpack.i.b32.b16 v11, v4;
	v8 =	vunpack.i.u.s16.s32 v10;
	v10 =	vunpack.i.l.s16.s32 v10;
	v12 =	vld [tilespmem:s22+$0xFFFFFE40];
	[tilespmem:s19+$0x60] =	vst v6;
	s19 =	smov.u32 s20  }
0x5a: {  	v6 =	vpack.i.b32.b16 v10, v7;
	v7 =	vunpack.i.u.s16.s32 v3;
	v3 =	vunpack.i.l.s16.s32 v3;
	v11 =	vld [tilespmem:s22+$0x40];
	[tilespmem:s20+$0xFFFFFFF0] =	vst v4  }
.Ltmp4:
0x5b: {  	v5 =	vpack.i.b32.b16 v8, v5;
	[tilespmem:s20+$0xFFFFFF90] =	vst v6;
	v8 =	vunpack.i.u.s16.s32 v2;
	v2 =	vunpack.i.l.s16.s32 v2;
	v4 =	vld [tilespmem:s22+$0xFFFFFE50];
	(pc) =	sbr.rel @p0 .LBB1_5-.Ltmp4, $4  }
0x5c: {  	[tilespmem:s20+$0x10] =	vst v5;
	v2 =	vpack.i.b32.b16 v2, v3;
	v10 =	vunpack.i.u.s16.s32 v9;
	v3 =	vunpack.i.l.s16.s32 v9;
	v6 =	vld [tilespmem:s22+$0x50]  }
0x5d: {  	v5 =	vpack.i.b32.b16 v8, v7;
	[tilespmem:s20+$0xFFFFFFA0] =	vst v2;
	v9 =	vunpack.i.u.s16.s32 v13;
	v7 =	vunpack.i.l.s16.s32 v13;
	v2 =	vld [tilespmem:s22+$0xFFFFFE60]  }
0x5e: {  	[tilespmem:s20+$0x20] =	vst v5;
	v13 =	vpack.i.b32.b16 v7, v3;
	v7 =	vunpack.i.u.s16.s32 v12;
	v8 =	vunpack.i.l.s16.s32 v12;
	v3 =	vld [tilespmem:s22+$0x60]  }
0x5f: {  	v10 =	vpack.i.b32.b16 v9, v10;
	v5 =	vld [tilespmem:s22+$0xFFFFFE00];
	[tilespmem:s20+$0xFFFFFFB0] =	vst v13;
	v9 =	vunpack.i.u.s16.s32 v11;
	v11 =	vunpack.i.l.s16.s32 v11;
	s22 =	sadd.s32 $0x80, s22  }
0x60: {  	[tilespmem:s20+$0x30] =	vst v10;
	v8 =	vpack.i.b32.b16 v11, v8  }
0x61: {  	v51 =	vunpack.i.l.s16.s32 v4;
	v7 =	vpack.i.b32.b16 v9, v7;
	[tilespmem:s20+$0xFFFFFFC0] =	vst v8;
	v52 =	vunpack.i.l.s16.s32 v6  }
0x62: {  	v53 =	vunpack.i.u.s16.s32 v4;
	s18 =	sadd.s32 $0x1, s18;
	v54 =	vunpack.i.u.s16.s32 v6;
	[tilespmem:s20+$0x40] =	vst v7;
	v55 =	vpack.i.b32.b16 v52, v51  }
0x63: {  	p0 =	sne.s32 s18, s15;
	v56 =	vunpack.i.l.s16.s32 v2;
	v4 =	vpack.i.b32.b16 v54, v53;
	[tilespmem:s20+$0xFFFFFFD0] =	vst v55;
	v57 =	vunpack.i.l.s16.s32 v3  }
.Ltmp5:
0x64: {  	[tilespmem:s20+$0x50] =	vst v4;
	v58 =	vunpack.i.l.s16.s32 v5;
	v59 =	vpack.i.b32.b16 v57, v56;
	(pc) =	sbr.rel @p0 .LBB1_4-.Ltmp5, $4  }
.Ltmp6:
0x65: {  	v61 =	vunpack.i.u.s16.s32 v2;
	v62 =	vunpack.i.u.s16.s32 v3;
	v1 =	vpack.i.b32.b16 v1, v58;
	[tilespmem:s20+$0xFFFFFFE0] =	vst v59;
	(pc) =	sbr.rel @!p0 .LBB1_7-.Ltmp6, $4  }
0x66: {  	v60 =	vunpack.i.u.s16.s32 v5;
	v63 =	vpack.i.b32.b16 v62, v61;
	[tilespmem:s20+$0xFFFFFF80] =	vst v1  }
0x67: {  	v0 =	vpack.i.b32.b16 v0, v60;
	[tilespmem:s19+$0x60] =	vst v63  }
0x68: {  	s16 =	sadd.s32 $0x400, s16;
	s17 =	sadd.s32 $0x400, s17;
	[tilespmem:s19+$0x0] =	vst v0  }
0x69: {  	_ = 	snop  }
.LBB1_9:
0x6a: {  	_ =	sfence.sel $0x180000  }
0x6b: {  	s2 =	simm.s32 $0x1;
	[bflag:$0x0] =	sbarrier.arrive $0xFFFF  }
0x6c: {  	s31 =	simm.s32 $0x2;
	[sflag:s2] =	ssyncpa.u1 $0x1  }
0x6d: {  	[sflag:s31] =	ssyncpa.u1 $0x1  }
0x6e: {  	p0 =	sne.s32 s1, $0x0;
	_ =	strace $0x9000004A  }
0x6f: {  	s0 =	sadd.s32 @!p0 $0x100000, s0;
	[bflag:$0x2] =	sbarrier.arrive $0xFFFF  }
0x70: {  	[sflag:s0] =	ssyncadd.tile.s32 @!p0 $0x1;
	_ =	shalt  }
.Lfunc_end1:
_tile_overlayer_lowered:
.L_overlay_start_2:
0x71: {  	(tag) =	ssettag $0x2  }
0x72: {  	s0 =	rddreg [dreg:$0x0];
	s2 =	stileid.u32  }
0x73: {  	s1 =	rddreg [dreg:$0x1];
	p0 =	sne.s32 s2, $0x0  }
0x74: {  	s3 =	rddreg [dreg:$0x2];
	[bflag:$0x3] =	sbarrier.arrive $0xFFFF;
	s2 =	simm.s32 @!p0 $0x1C01  }
0x75: {  	[timem:s3], [sflag:s2] =	dma.local @!p0 [hbm:s0], s1  }
0x76: {  	s0 =	simm.s32 @!p0 $0x1  }
0x77: {  	_ =	swait.ge @!p0 [sflag:s0], s1  }
0x78: {  	s1 =	ssub.s32 @!p0 $0x0, s1;
	[sflag:s0] =	ssyncset.done @!p0 $0x0  }
0x79: {  	[sflag:s0] =	ssyncadd.s32 @!p0 s1  }
0x7a: {  	[bflag:$0x3] =	sbarrier.arrive $0xFFFF  }
0x7b: {  	_ =	shalt  }

</sc_bundles>
